<compile_context>
chip_gen: v7x
topology: tpu7x:2x2x1
jax: 0.10.2.dev20260603
libtpu: 0.0.44.dev20260713+nightly
codegen_flags: <defaults>
</compile_context>

<pallas_src>
import functools

import jax
import jax.numpy as jnp
from jax import lax
from jax.experimental import pallas as pl
from jax.experimental.pallas import tpu as pltpu
from jax.experimental.pallas import tpu_sc as plsc

_N = 10000
_E = 320000
_D = 128
_H1 = 64
_H2 = 128
_CLS = 10
_G = 64
_HH = _H1 // 2

_NC = 2
_NS = 16
_NW = _NC * _NS
_CHUNK = 128
_NBUF = 8
_EPT = 20480
_EPAD = _EPT * _NS
_ITERS2 = _EPT // _CHUNK
_EPW = _EPAD // _NW
_ITERS = _EPW // _CHUNK
_NPAD = 10112
_RPS = _NPAD // _NS

_BN = 1000
_GRID = _N // _BN



def _sc_deg_body(dst3, z16, ones, deg, dstv, onesv, dacc, s0):
    cid = lax.axis_index("c")
    sid = lax.axis_index("s")
    wid = sid * _NC + cid
    rr = sid * _RPS
    pltpu.sync_copy(z16.at[pl.ds(rr, _RPS)], dacc.at[pl.ds(rr, _RPS)])
    pltpu.sync_copy(ones, onesv)
    pltpu.sync_copy(dst3.at[wid], dstv)
    plsc.subcore_barrier()

    def step(i, carry):
        pltpu.sync_copy(onesv, dacc.at[dstv.at[i]], add=True)
        return carry

    lax.fori_loop(0, _ITERS, step, 0)
    plsc.subcore_barrier()
    pltpu.sync_copy(dacc.at[pl.ds(rr, _RPS)], deg.at[cid, pl.ds(rr, _RPS)])


def _sc_agg_body(y2, src3, dst3, z32, out,
                 srcv, dstv, r0b, r1b, r2b, r3b, r4b, r5b, r6b, r7b,
                 ysh, acc, s0, s1, s2, s3, s4, s5, s6, s7):
    cid = lax.axis_index("c")
    sid = lax.axis_index("s")
    rr = sid * _RPS
    pltpu.sync_copy(z32.at[pl.ds(rr, _RPS)], acc.at[pl.ds(rr, _RPS)])
    pltpu.sync_copy(src3.at[sid], srcv)
    pltpu.sync_copy(dst3.at[sid], dstv)

    @pl.when(sid < _NS - 1)
    def _():
        pltpu.sync_copy(y2.at[cid, pl.ds(rr, _RPS)], ysh.at[pl.ds(rr, _RPS)])

    @pl.when(sid == _NS - 1)
    def _():
        last = (_NS - 1) * _RPS
        pltpu.sync_copy(y2.at[cid, pl.ds(last, _N - last)],
                        ysh.at[pl.ds(last, _N - last)])

    plsc.subcore_barrier()
    rows = (r0b, r1b, r2b, r3b, r4b, r5b, r6b, r7b)
    sems = (s0, s1, s2, s3, s4, s5, s6, s7)

    def step(i, carry):
        jj = i * _NBUF
        hs = [pltpu.async_copy(ysh.at[srcv.at[jj + b]], rows[b], sems[b])
              for b in range(_NBUF)]
        for b in range(_NBUF):
            hs[b].wait()
            pltpu.sync_copy(rows[b], acc.at[dstv.at[jj + b]], add=True)
        return carry

    lax.fori_loop(0, _ITERS2 // _NBUF, step, 0)
    plsc.subcore_barrier()
    pltpu.sync_copy(acc.at[pl.ds(rr, _RPS)], out.at[cid, pl.ds(rr, _RPS)])


@functools.lru_cache(maxsize=None)
def _get_sc_deg():
    return pl.kernel(
        _sc_deg_body,
        out_type=jax.ShapeDtypeStruct((_NC, _NPAD, 16), jnp.float32),
        scratch_types=[
            pltpu.VMEM((_ITERS, _CHUNK), jnp.int32),
            pltpu.VMEM((_CHUNK, 16), jnp.float32),
            pltpu.VMEM_SHARED((_NPAD, 16), jnp.float32),
            pltpu.SemaphoreType.DMA,
        ],
        mesh=plsc.VectorSubcoreMesh(core_axis_name="c", subcore_axis_name="s"),
        compiler_params=pltpu.CompilerParams(use_tc_tiling_on_sc=False),
    )


@functools.lru_cache(maxsize=None)
def _get_sc_agg():
    return pl.kernel(
        _sc_agg_body,
        out_type=jax.ShapeDtypeStruct((_NC, _NPAD, _HH), jnp.float32),
        scratch_types=[
            pltpu.VMEM((_ITERS2, _CHUNK), jnp.int32),
            pltpu.VMEM((_ITERS2, _CHUNK), jnp.int32),
            pltpu.VMEM((_CHUNK, _HH), jnp.float32),
            pltpu.VMEM((_CHUNK, _HH), jnp.float32),
            pltpu.VMEM((_CHUNK, _HH), jnp.float32),
            pltpu.VMEM((_CHUNK, _HH), jnp.float32),
            pltpu.VMEM((_CHUNK, _HH), jnp.float32),
            pltpu.VMEM((_CHUNK, _HH), jnp.float32),
            pltpu.VMEM((_CHUNK, _HH), jnp.float32),
            pltpu.VMEM((_CHUNK, _HH), jnp.float32),
            pltpu.VMEM_SHARED((_NPAD, _HH), jnp.float32),
            pltpu.VMEM_SHARED((_NPAD, _HH), jnp.float32),
            pltpu.SemaphoreType.DMA,
            pltpu.SemaphoreType.DMA,
            pltpu.SemaphoreType.DMA,
            pltpu.SemaphoreType.DMA,
            pltpu.SemaphoreType.DMA,
            pltpu.SemaphoreType.DMA,
            pltpu.SemaphoreType.DMA,
            pltpu.SemaphoreType.DMA,
        ],
        mesh=plsc.VectorSubcoreMesh(core_axis_name="c", subcore_axis_name="s"),
        compiler_params=pltpu.CompilerParams(use_tc_tiling_on_sc=False),
    )



def _mm(a, b):
    return lax.dot_general(a, b, (((1,), (0,)), ((), ())),
                           preferred_element_type=jnp.float32)


def _pre_body(x_ref, wl_ref, wr_ref, y_ref, r_ref):
    xb = x_ref[...]
    yy = _mm(xb, wl_ref[...])
    y_ref[0] = yy[:, :_HH]
    y_ref[1] = yy[:, _HH:]
    r_ref[...] = _mm(xb, wr_ref[...])


def _pre(x, w1lT, w1rT):
    return pl.pallas_call(
        _pre_body,
        grid=(_GRID,),
        in_specs=[
            pl.BlockSpec((_BN, _D), lambda i: (i, 0)),
            pl.BlockSpec((_D, _H1), lambda i: (0, 0)),
            pl.BlockSpec((_D, _H1), lambda i: (0, 0)),
        ],
        out_specs=[
            pl.BlockSpec((_NC, _BN, _HH), lambda i: (0, i, 0)),
            pl.BlockSpec((_BN, _H1), lambda i: (i, 0)),
        ],
        out_shape=[
            jax.ShapeDtypeStruct((_NC, _N, _HH), jnp.float32),
            jax.ShapeDtypeStruct((_N, _H1), jnp.float32),
        ],
    )(x, w1lT, w1rT)


def _mid_body(a0_ref, a1_ref, d0_ref, d1_ref, r_ref, b_ref, h_ref):
    deg = jnp.maximum(d0_ref[...][:, :1] + d1_ref[...][:, :1], 1.0)
    s = jnp.concatenate([a0_ref[0], a1_ref[0]], axis=1) / deg
    h = jnp.maximum(s + b_ref[...] + r_ref[...], 0.0)
    h_ref[0] = h[:, :_HH]
    h_ref[1] = h[:, _HH:]


def _mid(agg, d0, d1, r1, b1l):
    return pl.pallas_call(
        _mid_body,
        grid=(_GRID,),
        in_specs=[
            pl.BlockSpec((1, _BN, _HH), lambda i: (0, i, 0)),
            pl.BlockSpec((1, _BN, _HH), lambda i: (1, i, 0)),
            pl.BlockSpec((_BN, 16), lambda i: (i, 0)),
            pl.BlockSpec((_BN, 16), lambda i: (i, 0)),
            pl.BlockSpec((_BN, _H1), lambda i: (i, 0)),
            pl.BlockSpec((1, _H1), lambda i: (0, 0)),
        ],
        out_specs=pl.BlockSpec((_NC, _BN, _HH), lambda i: (0, i, 0)),
        out_shape=jax.ShapeDtypeStruct((_NC, _N, _HH), jnp.float32),
    )(agg, agg, d0, d1, r1, b1l)


def _post_body(a0_ref, a1_ref, d0_ref, d1_ref, h0_ref, h1_ref, bat_ref,
               w2l_ref, w2r_ref, b2_ref, wfc_ref, bfc_ref, out_ref,
               pa_ref, ph_ref, cnt_ref):
    i = pl.program_id(0)

    @pl.when(i == 0)
    def _():
        pa_ref[...] = jnp.zeros_like(pa_ref)
        ph_ref[...] = jnp.zeros_like(ph_ref)
        cnt_ref[...] = jnp.zeros_like(cnt_ref)

    deg = jnp.maximum(d0_ref[...][:, :1] + d1_ref[...][:, :1], 1.0)
    a2d = jnp.concatenate([a0_ref[0], a1_ref[0]], axis=1) / deg
    h = jnp.concatenate([h0_ref[0], h1_ref[0]], axis=1)
    p = (bat_ref[...] ==
         lax.broadcasted_iota(jnp.int32, (1, _G), 1)).astype(jnp.float32)
    ptd = (((0,), (0,)), ((), ()))
    pa_ref[...] += lax.dot_general(p, a2d, ptd,
                                   preferred_element_type=jnp.float32)
    ph_ref[...] += lax.dot_general(p, h, ptd,
                                   preferred_element_type=jnp.float32)
    cnt_ref[...] += lax.dot_general(p, jnp.ones((_BN, 128), jnp.float32), ptd,
                                    preferred_element_type=jnp.float32)

    @pl.when(i == _GRID - 1)
    def _():
        ccol = cnt_ref[...][:, :1]
        pooled = (_mm(pa_ref[...], w2l_ref[...]) +
                  _mm(ph_ref[...], w2r_ref[...]) +
                  ccol * b2_ref[...]) / jnp.maximum(ccol, 1.0)
        logits = _mm(pooled, wfc_ref[...]) + bfc_ref[...]
        m = jnp.max(logits, axis=1, keepdims=True)
        z = logits - m
        out_ref[...] = z - jnp.log(jnp.sum(jnp.exp(z), axis=1, keepdims=True))


def _post(a2, d0, d1, h2, bat, w2lT, w2rT, b2l, wfcT, bfc):
    return pl.pallas_call(
        _post_body,
        grid=(_GRID,),
        in_specs=[
            pl.BlockSpec((1, _BN, _HH), lambda i: (0, i, 0)),
            pl.BlockSpec((1, _BN, _HH), lambda i: (1, i, 0)),
            pl.BlockSpec((_BN, 16), lambda i: (i, 0)),
            pl.BlockSpec((_BN, 16), lambda i: (i, 0)),
            pl.BlockSpec((1, _BN, _HH), lambda i: (0, i, 0)),
            pl.BlockSpec((1, _BN, _HH), lambda i: (1, i, 0)),
            pl.BlockSpec((_BN, 1), lambda i: (i, 0)),
            pl.BlockSpec((_H1, _H2), lambda i: (0, 0)),
            pl.BlockSpec((_H1, _H2), lambda i: (0, 0)),
            pl.BlockSpec((1, _H2), lambda i: (0, 0)),
            pl.BlockSpec((_H2, _CLS), lambda i: (0, 0)),
            pl.BlockSpec((1, _CLS), lambda i: (0, 0)),
        ],
        out_specs=pl.BlockSpec((_G, _CLS), lambda i: (0, 0)),
        out_shape=jax.ShapeDtypeStruct((_G, _CLS), jnp.float32),
        scratch_shapes=[
            pltpu.VMEM((_G, _H1), jnp.float32),
            pltpu.VMEM((_G, _H1), jnp.float32),
            pltpu.VMEM((_G, 128), jnp.float32),
        ],
    )(a2, a2, d0, d1, h2, h2, bat, w2lT, w2rT, b2l, wfcT, bfc)



def kernel(x, edge_index, batch, W1l, b1l, W1r, W2l, b2l, W2r, Wfc, bfc):
    src = edge_index[0]
    dst = edge_index[1]
    pad = _EPAD - _E
    src_p = jnp.concatenate([src, jnp.zeros((pad,), jnp.int32)])
    dst_p = jnp.concatenate([dst, jnp.full((pad,), _N, jnp.int32)])
    src_t = src_p.reshape(_NS, _ITERS2, _CHUNK)
    dst_t = dst_p.reshape(_NS, _ITERS2, _CHUNK)
    dst_w = dst_p.reshape(_NW, _ITERS, _CHUNK)
    z32 = jnp.zeros((_NPAD, _HH), jnp.float32)
    z16 = jnp.zeros((_NPAD, 16), jnp.float32)
    ones = jnp.ones((_CHUNK, 16), jnp.float32)

    degp = _get_sc_deg()(dst_w, z16, ones)
    y2, r1 = _pre(x, W1l.T, W1r.T)
    agg1 = _get_sc_agg()(y2, src_t, dst_t, z32)
    d0 = degp[0, :_N]
    d1 = degp[1, :_N]
    h2 = _mid(agg1[:, :_N], d0, d1, r1, b1l.reshape(1, _H1))
    agg2 = _get_sc_agg()(h2, src_t, dst_t, z32)
    return _post(agg2[:, :_N], d0, d1, h2,
                 batch.reshape(_N, 1).astype(jnp.int32),
                 W2l.T, W2r.T, b2l.reshape(1, _H2), Wfc.T, bfc.reshape(1, _CLS))

# --- scband reference (transcript-rebuilt; emitter-appended) ---
"""Pipeline reference for scband-graph-sage-45208825757772 (READ-ONLY COPY).

The authoritative reference and input builder live on the scoring server;
editing this copy changes nothing except your own understanding.
"""

import jax, jax.numpy as jnp
import numpy as np

N_NODES = 10000
N_EDGES = 320000
D_FEAT = 128
H1 = 64
H2 = 128
NUM_CLASSES = 10
NUM_GRAPHS = 64


def setup_inputs(seed: int = 0) -> dict:
    key = jax.random.key(seed)
    ks = jax.random.split(key, 12)
    x = jax.random.normal(ks[0], (N_NODES, D_FEAT), dtype=jnp.float32)
    edge_index = jax.random.randint(ks[1], (2, N_EDGES), 0, N_NODES, dtype=jnp.int32)
    batch = jnp.sort(jax.random.randint(ks[2], (N_NODES,), 0, NUM_GRAPHS, dtype=jnp.int32))
    # SAGEConv 1: lin_l (aggregated neighbors, with bias) + lin_r (root, no bias)
    W1l = jax.random.normal(ks[3], (H1, D_FEAT), dtype=jnp.float32) / np.sqrt(D_FEAT)
    b1l = jnp.zeros((H1,), dtype=jnp.float32)
    W1r = jax.random.normal(ks[4], (H1, D_FEAT), dtype=jnp.float32) / np.sqrt(D_FEAT)
    # SAGEConv 2
    W2l = jax.random.normal(ks[5], (H2, H1), dtype=jnp.float32) / np.sqrt(H1)
    b2l = jnp.zeros((H2,), dtype=jnp.float32)
    W2r = jax.random.normal(ks[6], (H2, H1), dtype=jnp.float32) / np.sqrt(H1)
    # Final fc
    Wfc = jax.random.normal(ks[7], (NUM_CLASSES, H2), dtype=jnp.float32) / np.sqrt(H2)
    bfc = jnp.zeros((NUM_CLASSES,), dtype=jnp.float32)
    return {
        "x": x, "edge_index": edge_index, "batch": batch,
        "W1l": W1l, "b1l": b1l, "W1r": W1r,
        "W2l": W2l, "b2l": b2l, "W2r": W2r,
        "Wfc": Wfc, "bfc": bfc,
    }


def _sage_conv(x, edge_index, Wl, bl, Wr):
    # PyG SAGEConv (aggr='mean', root_weight=True):
    #   out = lin_l(mean_{j in N(i)} x_j) + lin_r(x_i)
    src = edge_index[0]
    dst = edge_index[1]
    n = x.shape[0]
    msgs = jnp.take(x, src, axis=0)                      # gather  [E, d]
    summed = jax.ops.segment_sum(msgs, dst, num_segments=n)  # scatter-add [N, d]
    deg = jax.ops.segment_sum(jnp.ones((edge_index.shape[1],), dtype=x.dtype), dst, num_segments=n)
    mean = summed / jnp.clip(deg, 1.0)[:, None]
    return mean @ Wl.T + bl + x @ Wr.T


def _global_mean_pool(x, batch, num_graphs):
    s = jax.ops.segment_sum(x, batch, num_segments=num_graphs)
    cnt = jax.ops.segment_sum(jnp.ones((x.shape[0],), dtype=x.dtype), batch, num_segments=num_graphs)
    return s / jnp.clip(cnt, 1.0)[:, None]


def reference(x, edge_index, batch, W1l, b1l, W1r, W2l, b2l, W2r, Wfc, bfc):
    h = jax.nn.relu(_sage_conv(x, edge_index, W1l, b1l, W1r))
    # F.dropout(training=self.training) -> identity in eval mode
    h = _sage_conv(h, edge_index, W2l, b2l, W2r)
    pooled = _global_mean_pool(h, batch, NUM_GRAPHS)
    logits = pooled @ Wfc.T + bfc
    return jax.nn.log_softmax(logits, axis=1)

if __name__ == "__main__":
    import jax
    _d = setup_inputs()
    print(jax.jit(kernel)(*tuple(_d.values())))

</pallas_src>

<mosaic_0001>
#map = affine_map<(d0, d1) -> (0, 0, 0)>
#map1 = affine_map<(d0, d1) -> (0, 0)>
module attributes {stable_mosaic.version = 14 : i64} {
  func.func @_sc_agg_body(%arg0: i32, %arg1: i32, %arg2: memref<2x10000x32xf32, #tpu.memory_space<hbm>>, %arg3: memref<16x160x128xi32, #tpu.memory_space<hbm>>, %arg4: memref<16x160x128xi32, #tpu.memory_space<hbm>>, %arg5: memref<10112x32xf32, #tpu.memory_space<hbm>>, %arg6: memref<2x10112x32xf32, #tpu.memory_space<hbm>>, %arg7: memref<160x128xi32, #tpu.memory_space<vmem>>, %arg8: memref<160x128xi32, #tpu.memory_space<vmem>>, %arg9: memref<128x32xf32, #tpu.memory_space<vmem>>, %arg10: memref<128x32xf32, #tpu.memory_space<vmem>>, %arg11: memref<128x32xf32, #tpu.memory_space<vmem>>, %arg12: memref<128x32xf32, #tpu.memory_space<vmem>>, %arg13: memref<128x32xf32, #tpu.memory_space<vmem>>, %arg14: memref<128x32xf32, #tpu.memory_space<vmem>>, %arg15: memref<128x32xf32, #tpu.memory_space<vmem>>, %arg16: memref<128x32xf32, #tpu.memory_space<vmem>>, %arg17: memref<10112x32xf32, #tpu.memory_space<vmem_shared>>, %arg18: memref<10112x32xf32, #tpu.memory_space<vmem_shared>>, %arg19: memref<!tpu.dma_semaphore, #tpu.memory_space<semaphore_mem>>, %arg20: memref<!tpu.dma_semaphore, #tpu.memory_space<semaphore_mem>>, %arg21: memref<!tpu.dma_semaphore, #tpu.memory_space<semaphore_mem>>, %arg22: memref<!tpu.dma_semaphore, #tpu.memory_space<semaphore_mem>>, %arg23: memref<!tpu.dma_semaphore, #tpu.memory_space<semaphore_mem>>, %arg24: memref<!tpu.dma_semaphore, #tpu.memory_space<semaphore_mem>>, %arg25: memref<!tpu.dma_semaphore, #tpu.memory_space<semaphore_mem>>, %arg26: memref<!tpu.dma_semaphore, #tpu.memory_space<semaphore_mem>>) attributes {dimension_semantics = [#tpu.dimension_semantics<core_parallel>, #tpu.dimension_semantics<subcore_parallel>], iteration_bounds = array<i64: 2, 16>, scalar_prefetch = 0 : i64, scratch_operands = 20 : i64, tpu.core_type = #tpu.core_type<sc_vector_subcore>, window_params = [{transform_indices = #map}, {transform_indices = #map}, {transform_indices = #map}, {transform_indices = #map1}, {transform_indices = #map}]} {
    %mul3A = arith.constant 632 : i32
    %mul3A_0 = arith.muli %arg1, %mul3A : i32
    "tpu.region"() ({
      %run_scoped3A = tpu.sem_alloc : memref<!tpu.dma_semaphore, #tpu.memory_space<semaphore_mem>>
      %dma_start3A = arith.constant 0 : i32
      %dma_start3A_13 = tpu.memref_slice %arg18[%mul3A_0, %dma_start3A] : memref<10112x32xf32, #tpu.memory_space<vmem_shared>> -> memref<632x32xf32, #tpu.memory_space<vmem_shared>>
      %dma_start3A_14 = arith.constant 0 : i32
      %dma_start3A_15 = tpu.memref_slice %arg5[%mul3A_0, %dma_start3A_14] : memref<10112x32xf32, #tpu.memory_space<hbm>> -> memref<632x32xf32, #tpu.memory_space<hbm>>
      tpu.enqueue_dma source(%dma_start3A_15 : memref<632x32xf32, #tpu.memory_space<hbm>>) target(%dma_start3A_13 : memref<632x32xf32, #tpu.memory_space<vmem_shared>>) target_semaphore(%run_scoped3A : memref<!tpu.dma_semaphore, #tpu.memory_space<semaphore_mem>>)
      %dma_wait3A = arith.constant 0 : i32
      %dma_wait3A_16 = tpu.memref_slice %arg18[%mul3A_0, %dma_wait3A] : memref<10112x32xf32, #tpu.memory_space<vmem_shared>> -> memref<632x32xf32, #tpu.memory_space<vmem_shared>>
      %dma_wait3A_17 = arith.constant 0 : i32
      %dma_wait3A_18 = tpu.memref_slice %arg5[%mul3A_0, %dma_wait3A_17] : memref<10112x32xf32, #tpu.memory_space<hbm>> -> memref<632x32xf32, #tpu.memory_space<hbm>>
      tpu.wait_dma2 semaphore(%run_scoped3A : memref<!tpu.dma_semaphore, #tpu.memory_space<semaphore_mem>>) src(%dma_wait3A_18 : memref<632x32xf32, #tpu.memory_space<hbm>>) dst(%dma_wait3A_16 : memref<632x32xf32, #tpu.memory_space<vmem_shared>>)
      tpu.yield
    }) : () -> ()
    "tpu.region"() ({
      %run_scoped3A = tpu.sem_alloc : memref<!tpu.dma_semaphore, #tpu.memory_space<semaphore_mem>>
      %dma_start3A = arith.constant 0 : i32
      %dma_start3A_13 = arith.constant 0 : i32
      %dma_start3A_14 = tpu.memref_slice %arg3[%arg1, %dma_start3A, %dma_start3A_13] : memref<16x160x128xi32, #tpu.memory_space<hbm>> -> memref<1x160x128xi32, #tpu.memory_space<hbm>>
      %dma_start3A_15 = tpu.memref_squeeze %dma_start3A_14 : memref<1x160x128xi32, #tpu.memory_space<hbm>> -> memref<160x128xi32, #tpu.memory_space<hbm>>
      %dma_start3A_16 = arith.constant 0 : i32
      %dma_start3A_17 = arith.constant 0 : i32
      %dma_start3A_18 = tpu.memref_slice %arg3[%arg1, %dma_start3A_16, %dma_start3A_17] : memref<16x160x128xi32, #tpu.memory_space<hbm>> -> memref<1x160x128xi32, #tpu.memory_space<hbm>>
      %dma_start3A_19 = tpu.memref_squeeze %dma_start3A_18 : memref<1x160x128xi32, #tpu.memory_space<hbm>> -> memref<160x128xi32, #tpu.memory_space<hbm>>
      tpu.enqueue_dma source(%dma_start3A_19 : memref<160x128xi32, #tpu.memory_space<hbm>>) target(%arg7 : memref<160x128xi32, #tpu.memory_space<vmem>>) target_semaphore(%run_scoped3A : memref<!tpu.dma_semaphore, #tpu.memory_space<semaphore_mem>>)
      %dma_wait3A = arith.constant 0 : i32
      %dma_wait3A_20 = arith.constant 0 : i32
      %dma_wait3A_21 = tpu.memref_slice %arg3[%arg1, %dma_wait3A, %dma_wait3A_20] : memref<16x160x128xi32, #tpu.memory_space<hbm>> -> memref<1x160x128xi32, #tpu.memory_space<hbm>>
      %dma_wait3A_22 = tpu.memref_squeeze %dma_wait3A_21 : memref<1x160x128xi32, #tpu.memory_space<hbm>> -> memref<160x128xi32, #tpu.memory_space<hbm>>
      %dma_wait3A_23 = arith.constant 0 : i32
      %dma_wait3A_24 = arith.constant 0 : i32
      %dma_wait3A_25 = tpu.memref_slice %arg3[%arg1, %dma_wait3A_23, %dma_wait3A_24] : memref<16x160x128xi32, #tpu.memory_space<hbm>> -> memref<1x160x128xi32, #tpu.memory_space<hbm>>
      %dma_wait3A_26 = tpu.memref_squeeze %dma_wait3A_25 : memref<1x160x128xi32, #tpu.memory_space<hbm>> -> memref<160x128xi32, #tpu.memory_space<hbm>>
      tpu.wait_dma2 semaphore(%run_scoped3A : memref<!tpu.dma_semaphore, #tpu.memory_space<semaphore_mem>>) src(%dma_wait3A_26 : memref<160x128xi32, #tpu.memory_space<hbm>>) dst(%arg7 : memref<160x128xi32, #tpu.memory_space<vmem>>)
      tpu.yield
    }) : () -> ()
    "tpu.region"() ({
      %run_scoped3A = tpu.sem_alloc : memref<!tpu.dma_semaphore, #tpu.memory_space<semaphore_mem>>
      %dma_start3A = arith.constant 0 : i32
      %dma_start3A_13 = arith.constant 0 : i32
      %dma_start3A_14 = tpu.memref_slice %arg4[%arg1, %dma_start3A, %dma_start3A_13] : memref<16x160x128xi32, #tpu.memory_space<hbm>> -> memref<1x160x128xi32, #tpu.memory_space<hbm>>
      %dma_start3A_15 = tpu.memref_squeeze %dma_start3A_14 : memref<1x160x128xi32, #tpu.memory_space<hbm>> -> memref<160x128xi32, #tpu.memory_space<hbm>>
      %dma_start3A_16 = arith.constant 0 : i32
      %dma_start3A_17 = arith.constant 0 : i32
      %dma_start3A_18 = tpu.memref_slice %arg4[%arg1, %dma_start3A_16, %dma_start3A_17] : memref<16x160x128xi32, #tpu.memory_space<hbm>> -> memref<1x160x128xi32, #tpu.memory_space<hbm>>
      %dma_start3A_19 = tpu.memref_squeeze %dma_start3A_18 : memref<1x160x128xi32, #tpu.memory_space<hbm>> -> memref<160x128xi32, #tpu.memory_space<hbm>>
      tpu.enqueue_dma source(%dma_start3A_19 : memref<160x128xi32, #tpu.memory_space<hbm>>) target(%arg8 : memref<160x128xi32, #tpu.memory_space<vmem>>) target_semaphore(%run_scoped3A : memref<!tpu.dma_semaphore, #tpu.memory_space<semaphore_mem>>)
      %dma_wait3A = arith.constant 0 : i32
      %dma_wait3A_20 = arith.constant 0 : i32
      %dma_wait3A_21 = tpu.memref_slice %arg4[%arg1, %dma_wait3A, %dma_wait3A_20] : memref<16x160x128xi32, #tpu.memory_space<hbm>> -> memref<1x160x128xi32, #tpu.memory_space<hbm>>
      %dma_wait3A_22 = tpu.memref_squeeze %dma_wait3A_21 : memref<1x160x128xi32, #tpu.memory_space<hbm>> -> memref<160x128xi32, #tpu.memory_space<hbm>>
      %dma_wait3A_23 = arith.constant 0 : i32
      %dma_wait3A_24 = arith.constant 0 : i32
      %dma_wait3A_25 = tpu.memref_slice %arg4[%arg1, %dma_wait3A_23, %dma_wait3A_24] : memref<16x160x128xi32, #tpu.memory_space<hbm>> -> memref<1x160x128xi32, #tpu.memory_space<hbm>>
      %dma_wait3A_26 = tpu.memref_squeeze %dma_wait3A_25 : memref<1x160x128xi32, #tpu.memory_space<hbm>> -> memref<160x128xi32, #tpu.memory_space<hbm>>
      tpu.wait_dma2 semaphore(%run_scoped3A : memref<!tpu.dma_semaphore, #tpu.memory_space<semaphore_mem>>) src(%dma_wait3A_26 : memref<160x128xi32, #tpu.memory_space<hbm>>) dst(%arg8 : memref<160x128xi32, #tpu.memory_space<vmem>>)
      tpu.yield
    }) : () -> ()
    %lt3A = arith.constant 15 : i32
    %lt3A_1 = arith.cmpi slt, %arg1, %lt3A : i32
    %convert_element_type3A = arith.extui %lt3A_1 : i1 to i32
    %cond3A = arith.constant 0 : i32
    %cond3A_2 = arith.cmpi ne, %convert_element_type3A, %cond3A : i32
    scf.if %cond3A_2 {
      "tpu.region"() ({
        %run_scoped3A = tpu.sem_alloc : memref<!tpu.dma_semaphore, #tpu.memory_space<semaphore_mem>>
        %dma_start3A = arith.constant 0 : i32
        %dma_start3A_13 = tpu.memref_slice %arg17[%mul3A_0, %dma_start3A] : memref<10112x32xf32, #tpu.memory_space<vmem_shared>> -> memref<632x32xf32, #tpu.memory_space<vmem_shared>>
        %dma_start3A_14 = arith.constant 0 : i32
        %dma_start3A_15 = tpu.memref_slice %arg2[%arg0, %mul3A_0, %dma_start3A_14] : memref<2x10000x32xf32, #tpu.memory_space<hbm>> -> memref<1x632x32xf32, #tpu.memory_space<hbm>>
        %dma_start3A_16 = tpu.memref_squeeze %dma_start3A_15 : memref<1x632x32xf32, #tpu.memory_space<hbm>> -> memref<632x32xf32, #tpu.memory_space<hbm>>
        tpu.enqueue_dma source(%dma_start3A_16 : memref<632x32xf32, #tpu.memory_space<hbm>>) target(%dma_start3A_13 : memref<632x32xf32, #tpu.memory_space<vmem_shared>>) target_semaphore(%run_scoped3A : memref<!tpu.dma_semaphore, #tpu.memory_space<semaphore_mem>>)
        %dma_wait3A = arith.constant 0 : i32
        %dma_wait3A_17 = tpu.memref_slice %arg17[%mul3A_0, %dma_wait3A] : memref<10112x32xf32, #tpu.memory_space<vmem_shared>> -> memref<632x32xf32, #tpu.memory_space<vmem_shared>>
        %dma_wait3A_18 = arith.constant 0 : i32
        %dma_wait3A_19 = tpu.memref_slice %arg2[%arg0, %mul3A_0, %dma_wait3A_18] : memref<2x10000x32xf32, #tpu.memory_space<hbm>> -> memref<1x632x32xf32, #tpu.memory_space<hbm>>
        %dma_wait3A_20 = tpu.memref_squeeze %dma_wait3A_19 : memref<1x632x32xf32, #tpu.memory_space<hbm>> -> memref<632x32xf32, #tpu.memory_space<hbm>>
        tpu.wait_dma2 semaphore(%run_scoped3A : memref<!tpu.dma_semaphore, #tpu.memory_space<semaphore_mem>>) src(%dma_wait3A_20 : memref<632x32xf32, #tpu.memory_space<hbm>>) dst(%dma_wait3A_17 : memref<632x32xf32, #tpu.memory_space<vmem_shared>>)
        tpu.yield
      }) : () -> ()
    } else {
    }
    %eq3A = arith.constant 15 : i32
    %eq3A_3 = arith.cmpi eq, %arg1, %eq3A : i32
    %convert_element_type3A_4 = arith.extui %eq3A_3 : i1 to i32
    %cond3A_5 = arith.constant 0 : i32
    %cond3A_6 = arith.cmpi ne, %convert_element_type3A_4, %cond3A_5 : i32
    scf.if %cond3A_6 {
      "tpu.region"() ({
        %run_scoped3A = tpu.sem_alloc : memref<!tpu.dma_semaphore, #tpu.memory_space<semaphore_mem>>
        %dma_start3A = arith.constant 9480 : i32
        %dma_start3A_13 = arith.constant 0 : i32
        %dma_start3A_14 = tpu.memref_slice %arg17[%dma_start3A, %dma_start3A_13] : memref<10112x32xf32, #tpu.memory_space<vmem_shared>> -> memref<520x32xf32, #tpu.memory_space<vmem_shared>>
        %dma_start3A_15 = arith.constant 9480 : i32
        %dma_start3A_16 = arith.constant 0 : i32
        %dma_start3A_17 = tpu.memref_slice %arg2[%arg0, %dma_start3A_15, %dma_start3A_16] : memref<2x10000x32xf32, #tpu.memory_space<hbm>> -> memref<1x520x32xf32, #tpu.memory_space<hbm>>
        %dma_start3A_18 = tpu.memref_squeeze %dma_start3A_17 : memref<1x520x32xf32, #tpu.memory_space<hbm>> -> memref<520x32xf32, #tpu.memory_space<hbm>>
        tpu.enqueue_dma source(%dma_start3A_18 : memref<520x32xf32, #tpu.memory_space<hbm>>) target(%dma_start3A_14 : memref<520x32xf32, #tpu.memory_space<vmem_shared>>) target_semaphore(%run_scoped3A : memref<!tpu.dma_semaphore, #tpu.memory_space<semaphore_mem>>)
        %dma_wait3A = arith.constant 9480 : i32
        %dma_wait3A_19 = arith.constant 0 : i32
        %dma_wait3A_20 = tpu.memref_slice %arg17[%dma_wait3A, %dma_wait3A_19] : memref<10112x32xf32, #tpu.memory_space<vmem_shared>> -> memref<520x32xf32, #tpu.memory_space<vmem_shared>>
        %dma_wait3A_21 = arith.constant 9480 : i32
        %dma_wait3A_22 = arith.constant 0 : i32
        %dma_wait3A_23 = tpu.memref_slice %arg2[%arg0, %dma_wait3A_21, %dma_wait3A_22] : memref<2x10000x32xf32, #tpu.memory_space<hbm>> -> memref<1x520x32xf32, #tpu.memory_space<hbm>>
        %dma_wait3A_24 = tpu.memref_squeeze %dma_wait3A_23 : memref<1x520x32xf32, #tpu.memory_space<hbm>> -> memref<520x32xf32, #tpu.memory_space<hbm>>
        tpu.wait_dma2 semaphore(%run_scoped3A : memref<!tpu.dma_semaphore, #tpu.memory_space<semaphore_mem>>) src(%dma_wait3A_24 : memref<520x32xf32, #tpu.memory_space<hbm>>) dst(%dma_wait3A_20 : memref<520x32xf32, #tpu.memory_space<vmem_shared>>)
        tpu.yield
      }) : () -> ()
    } else {
    }
    %barrier3A = arith.constant 0 : index
    tpu.barrier barrier_id(%barrier3A)
    %scan3A = arith.constant 0 : i32
    %scan3A_7 = arith.constant 0 : i32
    %scan3A_8 = arith.constant 20 : i32
    %scan3A_9 = arith.addi %scan3A_7, %scan3A_8 : i32
    %scan3A_10 = arith.constant 1 : i32
    scf.for %scan3A_13 = %scan3A_7 to %scan3A_9 step %scan3A_10  : i32 {
      %mul3A_14 = arith.constant 8 : i32
      %mul3A_15 = arith.muli %scan3A_13, %mul3A_14 : i32
      %add3A = arith.constant 0 : i32
      %add3A_16 = arith.addi %mul3A_15, %add3A : i32
      %dma_start3A = arith.constant 0 : i32
      %dma_start3A_17 = tpu.memref_slice %arg7[%add3A_16, %dma_start3A] : memref<160x128xi32, #tpu.memory_space<vmem>> -> memref<1x128xi32, #tpu.memory_space<vmem>>
      %dma_start3A_18 = tpu.memref_squeeze %dma_start3A_17 : memref<1x128xi32, #tpu.memory_space<vmem>> -> memref<128xi32, #tpu.memory_space<vmem>>
      %dma_start3A_19 = arith.constant 0 : i32
      %dma_start3A_20 = arith.constant 0 : i32
      %dma_start3A_21 = tpu.memref_slice %arg17[%dma_start3A_19, %dma_start3A_20] : memref<10112x32xf32, #tpu.memory_space<vmem_shared>> -> memref<10112x32xf32, #tpu.memory_space<vmem_shared>>
      tpu.enqueue_indirect_dma source(%dma_start3A_21 : memref<10112x32xf32, #tpu.memory_space<vmem_shared>>) target(%arg9 : memref<128x32xf32, #tpu.memory_space<vmem>>) offsets(%dma_start3A_18 : memref<128xi32, #tpu.memory_space<vmem>>) semaphore(%arg19 : memref<!tpu.dma_semaphore, #tpu.memory_space<semaphore_mem>>)
      %add3A_22 = arith.constant 1 : i32
      %add3A_23 = arith.addi %mul3A_15, %add3A_22 : i32
      %dma_start3A_24 = arith.constant 0 : i32
      %dma_start3A_25 = tpu.memref_slice %arg7[%add3A_23, %dma_start3A_24] : memref<160x128xi32, #tpu.memory_space<vmem>> -> memref<1x128xi32, #tpu.memory_space<vmem>>
      %dma_start3A_26 = tpu.memref_squeeze %dma_start3A_25 : memref<1x128xi32, #tpu.memory_space<vmem>> -> memref<128xi32, #tpu.memory_space<vmem>>
      %dma_start3A_27 = arith.constant 0 : i32
      %dma_start3A_28 = arith.constant 0 : i32
      %dma_start3A_29 = tpu.memref_slice %arg17[%dma_start3A_27, %dma_start3A_28] : memref<10112x32xf32, #tpu.memory_space<vmem_shared>> -> memref<10112x32xf32, #tpu.memory_space<vmem_shared>>
      tpu.enqueue_indirect_dma source(%dma_start3A_29 : memref<10112x32xf32, #tpu.memory_space<vmem_shared>>) target(%arg10 : memref<128x32xf32, #tpu.memory_space<vmem>>) offsets(%dma_start3A_26 : memref<128xi32, #tpu.memory_space<vmem>>) semaphore(%arg20 : memref<!tpu.dma_semaphore, #tpu.memory_space<semaphore_mem>>)
      %add3A_30 = arith.constant 2 : i32
      %add3A_31 = arith.addi %mul3A_15, %add3A_30 : i32
      %dma_start3A_32 = arith.constant 0 : i32
      %dma_start3A_33 = tpu.memref_slice %arg7[%add3A_31, %dma_start3A_32] : memref<160x128xi32, #tpu.memory_space<vmem>> -> memref<1x128xi32, #tpu.memory_space<vmem>>
      %dma_start3A_34 = tpu.memref_squeeze %dma_start3A_33 : memref<1x128xi32, #tpu.memory_space<vmem>> -> memref<128xi32, #tpu.memory_space<vmem>>
      %dma_start3A_35 = arith.constant 0 : i32
      %dma_start3A_36 = arith.constant 0 : i32
      %dma_start3A_37 = tpu.memref_slice %arg17[%dma_start3A_35, %dma_start3A_36] : memref<10112x32xf32, #tpu.memory_space<vmem_shared>> -> memref<10112x32xf32, #tpu.memory_space<vmem_shared>>
      tpu.enqueue_indirect_dma source(%dma_start3A_37 : memref<10112x32xf32, #tpu.memory_space<vmem_shared>>) target(%arg11 : memref<128x32xf32, #tpu.memory_space<vmem>>) offsets(%dma_start3A_34 : memref<128xi32, #tpu.memory_space<vmem>>) semaphore(%arg21 : memref<!tpu.dma_semaphore, #tpu.memory_space<semaphore_mem>>)
      %add3A_38 = arith.constant 3 : i32
      %add3A_39 = arith.addi %mul3A_15, %add3A_38 : i32
      %dma_start3A_40 = arith.constant 0 : i32
      %dma_start3A_41 = tpu.memref_slice %arg7[%add3A_39, %dma_start3A_40] : memref<160x128xi32, #tpu.memory_space<vmem>> -> memref<1x128xi32, #tpu.memory_space<vmem>>
      %dma_start3A_42 = tpu.memref_squeeze %dma_start3A_41 : memref<1x128xi32, #tpu.memory_space<vmem>> -> memref<128xi32, #tpu.memory_space<vmem>>
      %dma_start3A_43 = arith.constant 0 : i32
      %dma_start3A_44 = arith.constant 0 : i32
      %dma_start3A_45 = tpu.memref_slice %arg17[%dma_start3A_43, %dma_start3A_44] : memref<10112x32xf32, #tpu.memory_space<vmem_shared>> -> memref<10112x32xf32, #tpu.memory_space<vmem_shared>>
      tpu.enqueue_indirect_dma source(%dma_start3A_45 : memref<10112x32xf32, #tpu.memory_space<vmem_shared>>) target(%arg12 : memref<128x32xf32, #tpu.memory_space<vmem>>) offsets(%dma_start3A_42 : memref<128xi32, #tpu.memory_space<vmem>>) semaphore(%arg22 : memref<!tpu.dma_semaphore, #tpu.memory_space<semaphore_mem>>)
      %add3A_46 = arith.constant 4 : i32
      %add3A_47 = arith.addi %mul3A_15, %add3A_46 : i32
      %dma_start3A_48 = arith.constant 0 : i32
      %dma_start3A_49 = tpu.memref_slice %arg7[%add3A_47, %dma_start3A_48] : memref<160x128xi32, #tpu.memory_space<vmem>> -> memref<1x128xi32, #tpu.memory_space<vmem>>
      %dma_start3A_50 = tpu.memref_squeeze %dma_start3A_49 : memref<1x128xi32, #tpu.memory_space<vmem>> -> memref<128xi32, #tpu.memory_space<vmem>>
      %dma_start3A_51 = arith.constant 0 : i32
      %dma_start3A_52 = arith.constant 0 : i32
      %dma_start3A_53 = tpu.memref_slice %arg17[%dma_start3A_51, %dma_start3A_52] : memref<10112x32xf32, #tpu.memory_space<vmem_shared>> -> memref<10112x32xf32, #tpu.memory_space<vmem_shared>>
      tpu.enqueue_indirect_dma source(%dma_start3A_53 : memref<10112x32xf32, #tpu.memory_space<vmem_shared>>) target(%arg13 : memref<128x32xf32, #tpu.memory_space<vmem>>) offsets(%dma_start3A_50 : memref<128xi32, #tpu.memory_space<vmem>>) semaphore(%arg23 : memref<!tpu.dma_semaphore, #tpu.memory_space<semaphore_mem>>)
      %add3A_54 = arith.constant 5 : i32
      %add3A_55 = arith.addi %mul3A_15, %add3A_54 : i32
      %dma_start3A_56 = arith.constant 0 : i32
      %dma_start3A_57 = tpu.memref_slice %arg7[%add3A_55, %dma_start3A_56] : memref<160x128xi32, #tpu.memory_space<vmem>> -> memref<1x128xi32, #tpu.memory_space<vmem>>
      %dma_start3A_58 = tpu.memref_squeeze %dma_start3A_57 : memref<1x128xi32, #tpu.memory_space<vmem>> -> memref<128xi32, #tpu.memory_space<vmem>>
      %dma_start3A_59 = arith.constant 0 : i32
      %dma_start3A_60 = arith.constant 0 : i32
      %dma_start3A_61 = tpu.memref_slice %arg17[%dma_start3A_59, %dma_start3A_60] : memref<10112x32xf32, #tpu.memory_space<vmem_shared>> -> memref<10112x32xf32, #tpu.memory_space<vmem_shared>>
      tpu.enqueue_indirect_dma source(%dma_start3A_61 : memref<10112x32xf32, #tpu.memory_space<vmem_shared>>) target(%arg14 : memref<128x32xf32, #tpu.memory_space<vmem>>) offsets(%dma_start3A_58 : memref<128xi32, #tpu.memory_space<vmem>>) semaphore(%arg24 : memref<!tpu.dma_semaphore, #tpu.memory_space<semaphore_mem>>)
      %add3A_62 = arith.constant 6 : i32
      %add3A_63 = arith.addi %mul3A_15, %add3A_62 : i32
      %dma_start3A_64 = arith.constant 0 : i32
      %dma_start3A_65 = tpu.memref_slice %arg7[%add3A_63, %dma_start3A_64] : memref<160x128xi32, #tpu.memory_space<vmem>> -> memref<1x128xi32, #tpu.memory_space<vmem>>
      %dma_start3A_66 = tpu.memref_squeeze %dma_start3A_65 : memref<1x128xi32, #tpu.memory_space<vmem>> -> memref<128xi32, #tpu.memory_space<vmem>>
      %dma_start3A_67 = arith.constant 0 : i32
      %dma_start3A_68 = arith.constant 0 : i32
      %dma_start3A_69 = tpu.memref_slice %arg17[%dma_start3A_67, %dma_start3A_68] : memref<10112x32xf32, #tpu.memory_space<vmem_shared>> -> memref<10112x32xf32, #tpu.memory_space<vmem_shared>>
      tpu.enqueue_indirect_dma source(%dma_start3A_69 : memref<10112x32xf32, #tpu.memory_space<vmem_shared>>) target(%arg15 : memref<128x32xf32, #tpu.memory_space<vmem>>) offsets(%dma_start3A_66 : memref<128xi32, #tpu.memory_space<vmem>>) semaphore(%arg25 : memref<!tpu.dma_semaphore, #tpu.memory_space<semaphore_mem>>)
      %add3A_70 = arith.constant 7 : i32
      %add3A_71 = arith.addi %mul3A_15, %add3A_70 : i32
      %dma_start3A_72 = arith.constant 0 : i32
      %dma_start3A_73 = tpu.memref_slice %arg7[%add3A_71, %dma_start3A_72] : memref<160x128xi32, #tpu.memory_space<vmem>> -> memref<1x128xi32, #tpu.memory_space<vmem>>
      %dma_start3A_74 = tpu.memref_squeeze %dma_start3A_73 : memref<1x128xi32, #tpu.memory_space<vmem>> -> memref<128xi32, #tpu.memory_space<vmem>>
      %dma_start3A_75 = arith.constant 0 : i32
      %dma_start3A_76 = arith.constant 0 : i32
      %dma_start3A_77 = tpu.memref_slice %arg17[%dma_start3A_75, %dma_start3A_76] : memref<10112x32xf32, #tpu.memory_space<vmem_shared>> -> memref<10112x32xf32, #tpu.memory_space<vmem_shared>>
      tpu.enqueue_indirect_dma source(%dma_start3A_77 : memref<10112x32xf32, #tpu.memory_space<vmem_shared>>) target(%arg16 : memref<128x32xf32, #tpu.memory_space<vmem>>) offsets(%dma_start3A_74 : memref<128xi32, #tpu.memory_space<vmem>>) semaphore(%arg26 : memref<!tpu.dma_semaphore, #tpu.memory_space<semaphore_mem>>)
      %dma_wait3A = arith.constant 0 : i32
      %dma_wait3A_78 = tpu.memref_slice %arg7[%add3A_16, %dma_wait3A] : memref<160x128xi32, #tpu.memory_space<vmem>> -> memref<1x128xi32, #tpu.memory_space<vmem>>
      %dma_wait3A_79 = tpu.memref_squeeze %dma_wait3A_78 : memref<1x128xi32, #tpu.memory_space<vmem>> -> memref<128xi32, #tpu.memory_space<vmem>>
      %dma_wait3A_80 = arith.constant 0 : i32
      %dma_wait3A_81 = arith.constant 0 : i32
      %dma_wait3A_82 = tpu.memref_slice %arg17[%dma_wait3A_80, %dma_wait3A_81] : memref<10112x32xf32, #tpu.memory_space<vmem_shared>> -> memref<10112x32xf32, #tpu.memory_space<vmem_shared>>
      tpu.wait_indirect_dma semaphore(%arg19 : memref<!tpu.dma_semaphore, #tpu.memory_space<semaphore_mem>>) src(%dma_wait3A_82 : memref<10112x32xf32, #tpu.memory_space<vmem_shared>>) dst(%arg9 : memref<128x32xf32, #tpu.memory_space<vmem>>)
      %add3A_83 = arith.constant 0 : i32
      %add3A_84 = arith.addi %mul3A_15, %add3A_83 : i32
      "tpu.region"() ({
        %run_scoped3A = tpu.sem_alloc : memref<!tpu.dma_semaphore, #tpu.memory_space<semaphore_mem>>
        %dma_start3A_141 = arith.constant 0 : i32
        %dma_start3A_142 = tpu.memref_slice %arg8[%add3A_84, %dma_start3A_141] : memref<160x128xi32, #tpu.memory_space<vmem>> -> memref<1x128xi32, #tpu.memory_space<vmem>>
        %dma_start3A_143 = tpu.memref_squeeze %dma_start3A_142 : memref<1x128xi32, #tpu.memory_space<vmem>> -> memref<128xi32, #tpu.memory_space<vmem>>
        %dma_start3A_144 = arith.constant 0 : i32
        %dma_start3A_145 = arith.constant 0 : i32
        %dma_start3A_146 = tpu.memref_slice %arg18[%dma_start3A_144, %dma_start3A_145] : memref<10112x32xf32, #tpu.memory_space<vmem_shared>> -> memref<10112x32xf32, #tpu.memory_space<vmem_shared>>
        tpu.enqueue_indirect_dma source(%arg9 : memref<128x32xf32, #tpu.memory_space<vmem>>) target(%dma_start3A_146 : memref<10112x32xf32, #tpu.memory_space<vmem_shared>>) offsets(%dma_start3A_143 : memref<128xi32, #tpu.memory_space<vmem>>) semaphore(%run_scoped3A : memref<!tpu.dma_semaphore, #tpu.memory_space<semaphore_mem>>) {add = true}
        %dma_wait3A_147 = arith.constant 0 : i32
        %dma_wait3A_148 = tpu.memref_slice %arg8[%add3A_84, %dma_wait3A_147] : memref<160x128xi32, #tpu.memory_space<vmem>> -> memref<1x128xi32, #tpu.memory_space<vmem>>
        %dma_wait3A_149 = tpu.memref_squeeze %dma_wait3A_148 : memref<1x128xi32, #tpu.memory_space<vmem>> -> memref<128xi32, #tpu.memory_space<vmem>>
        %dma_wait3A_150 = arith.constant 0 : i32
        %dma_wait3A_151 = arith.constant 0 : i32
        %dma_wait3A_152 = tpu.memref_slice %arg18[%dma_wait3A_150, %dma_wait3A_151] : memref<10112x32xf32, #tpu.memory_space<vmem_shared>> -> memref<10112x32xf32, #tpu.memory_space<vmem_shared>>
        tpu.wait_indirect_dma semaphore(%run_scoped3A : memref<!tpu.dma_semaphore, #tpu.memory_space<semaphore_mem>>) src(%arg9 : memref<128x32xf32, #tpu.memory_space<vmem>>) dst(%dma_wait3A_152 : memref<10112x32xf32, #tpu.memory_space<vmem_shared>>)
        tpu.yield
      }) : () -> ()
      %dma_wait3A_85 = arith.constant 0 : i32
      %dma_wait3A_86 = tpu.memref_slice %arg7[%add3A_23, %dma_wait3A_85] : memref<160x128xi32, #tpu.memory_space<vmem>> -> memref<1x128xi32, #tpu.memory_space<vmem>>
      %dma_wait3A_87 = tpu.memref_squeeze %dma_wait3A_86 : memref<1x128xi32, #tpu.memory_space<vmem>> -> memref<128xi32, #tpu.memory_space<vmem>>
      %dma_wait3A_88 = arith.constant 0 : i32
      %dma_wait3A_89 = arith.constant 0 : i32
      %dma_wait3A_90 = tpu.memref_slice %arg17[%dma_wait3A_88, %dma_wait3A_89] : memref<10112x32xf32, #tpu.memory_space<vmem_shared>> -> memref<10112x32xf32, #tpu.memory_space<vmem_shared>>
      tpu.wait_indirect_dma semaphore(%arg20 : memref<!tpu.dma_semaphore, #tpu.memory_space<semaphore_mem>>) src(%dma_wait3A_90 : memref<10112x32xf32, #tpu.memory_space<vmem_shared>>) dst(%arg10 : memref<128x32xf32, #tpu.memory_space<vmem>>)
      %add3A_91 = arith.constant 1 : i32
      %add3A_92 = arith.addi %mul3A_15, %add3A_91 : i32
      "tpu.region"() ({
        %run_scoped3A = tpu.sem_alloc : memref<!tpu.dma_semaphore, #tpu.memory_space<semaphore_mem>>
        %dma_start3A_141 = arith.constant 0 : i32
        %dma_start3A_142 = tpu.memref_slice %arg8[%add3A_92, %dma_start3A_141] : memref<160x128xi32, #tpu.memory_space<vmem>> -> memref<1x128xi32, #tpu.memory_space<vmem>>
        %dma_start3A_143 = tpu.memref_squeeze %dma_start3A_142 : memref<1x128xi32, #tpu.memory_space<vmem>> -> memref<128xi32, #tpu.memory_space<vmem>>
        %dma_start3A_144 = arith.constant 0 : i32
        %dma_start3A_145 = arith.constant 0 : i32
        %dma_start3A_146 = tpu.memref_slice %arg18[%dma_start3A_144, %dma_start3A_145] : memref<10112x32xf32, #tpu.memory_space<vmem_shared>> -> memref<10112x32xf32, #tpu.memory_space<vmem_shared>>
        tpu.enqueue_indirect_dma source(%arg10 : memref<128x32xf32, #tpu.memory_space<vmem>>) target(%dma_start3A_146 : memref<10112x32xf32, #tpu.memory_space<vmem_shared>>) offsets(%dma_start3A_143 : memref<128xi32, #tpu.memory_space<vmem>>) semaphore(%run_scoped3A : memref<!tpu.dma_semaphore, #tpu.memory_space<semaphore_mem>>) {add = true}
        %dma_wait3A_147 = arith.constant 0 : i32
        %dma_wait3A_148 = tpu.memref_slice %arg8[%add3A_92, %dma_wait3A_147] : memref<160x128xi32, #tpu.memory_space<vmem>> -> memref<1x128xi32, #tpu.memory_space<vmem>>
        %dma_wait3A_149 = tpu.memref_squeeze %dma_wait3A_148 : memref<1x128xi32, #tpu.memory_space<vmem>> -> memref<128xi32, #tpu.memory_space<vmem>>
        %dma_wait3A_150 = arith.constant 0 : i32
        %dma_wait3A_151 = arith.constant 0 : i32
        %dma_wait3A_152 = tpu.memref_slice %arg18[%dma_wait3A_150, %dma_wait3A_151] : memref<10112x32xf32, #tpu.memory_space<vmem_shared>> -> memref<10112x32xf32, #tpu.memory_space<vmem_shared>>
        tpu.wait_indirect_dma semaphore(%run_scoped3A : memref<!tpu.dma_semaphore, #tpu.memory_space<semaphore_mem>>) src(%arg10 : memref<128x32xf32, #tpu.memory_space<vmem>>) dst(%dma_wait3A_152 : memref<10112x32xf32, #tpu.memory_space<vmem_shared>>)
        tpu.yield
      }) : () -> ()
      %dma_wait3A_93 = arith.constant 0 : i32
      %dma_wait3A_94 = tpu.memref_slice %arg7[%add3A_31, %dma_wait3A_93] : memref<160x128xi32, #tpu.memory_space<vmem>> -> memref<1x128xi32, #tpu.memory_space<vmem>>
      %dma_wait3A_95 = tpu.memref_squeeze %dma_wait3A_94 : memref<1x128xi32, #tpu.memory_space<vmem>> -> memref<128xi32, #tpu.memory_space<vmem>>
      %dma_wait3A_96 = arith.constant 0 : i32
      %dma_wait3A_97 = arith.constant 0 : i32
      %dma_wait3A_98 = tpu.memref_slice %arg17[%dma_wait3A_96, %dma_wait3A_97] : memref<10112x32xf32, #tpu.memory_space<vmem_shared>> -> memref<10112x32xf32, #tpu.memory_space<vmem_shared>>
      tpu.wait_indirect_dma semaphore(%arg21 : memref<!tpu.dma_semaphore, #tpu.memory_space<semaphore_mem>>) src(%dma_wait3A_98 : memref<10112x32xf32, #tpu.memory_space<vmem_shared>>) dst(%arg11 : memref<128x32xf32, #tpu.memory_space<vmem>>)
      %add3A_99 = arith.constant 2 : i32
      %add3A_100 = arith.addi %mul3A_15, %add3A_99 : i32
      "tpu.region"() ({
        %run_scoped3A = tpu.sem_alloc : memref<!tpu.dma_semaphore, #tpu.memory_space<semaphore_mem>>
        %dma_start3A_141 = arith.constant 0 : i32
        %dma_start3A_142 = tpu.memref_slice %arg8[%add3A_100, %dma_start3A_141] : memref<160x128xi32, #tpu.memory_space<vmem>> -> memref<1x128xi32, #tpu.memory_space<vmem>>
        %dma_start3A_143 = tpu.memref_squeeze %dma_start3A_142 : memref<1x128xi32, #tpu.memory_space<vmem>> -> memref<128xi32, #tpu.memory_space<vmem>>
        %dma_start3A_144 = arith.constant 0 : i32
        %dma_start3A_145 = arith.constant 0 : i32
        %dma_start3A_146 = tpu.memref_slice %arg18[%dma_start3A_144, %dma_start3A_145] : memref<10112x32xf32, #tpu.memory_space<vmem_shared>> -> memref<10112x32xf32, #tpu.memory_space<vmem_shared>>
        tpu.enqueue_indirect_dma source(%arg11 : memref<128x32xf32, #tpu.memory_space<vmem>>) target(%dma_start3A_146 : memref<10112x32xf32, #tpu.memory_space<vmem_shared>>) offsets(%dma_start3A_143 : memref<128xi32, #tpu.memory_space<vmem>>) semaphore(%run_scoped3A : memref<!tpu.dma_semaphore, #tpu.memory_space<semaphore_mem>>) {add = true}
        %dma_wait3A_147 = arith.constant 0 : i32
        %dma_wait3A_148 = tpu.memref_slice %arg8[%add3A_100, %dma_wait3A_147] : memref<160x128xi32, #tpu.memory_space<vmem>> -> memref<1x128xi32, #tpu.memory_space<vmem>>
        %dma_wait3A_149 = tpu.memref_squeeze %dma_wait3A_148 : memref<1x128xi32, #tpu.memory_space<vmem>> -> memref<128xi32, #tpu.memory_space<vmem>>
        %dma_wait3A_150 = arith.constant 0 : i32
        %dma_wait3A_151 = arith.constant 0 : i32
        %dma_wait3A_152 = tpu.memref_slice %arg18[%dma_wait3A_150, %dma_wait3A_151] : memref<10112x32xf32, #tpu.memory_space<vmem_shared>> -> memref<10112x32xf32, #tpu.memory_space<vmem_shared>>
        tpu.wait_indirect_dma semaphore(%run_scoped3A : memref<!tpu.dma_semaphore, #tpu.memory_space<semaphore_mem>>) src(%arg11 : memref<128x32xf32, #tpu.memory_space<vmem>>) dst(%dma_wait3A_152 : memref<10112x32xf32, #tpu.memory_space<vmem_shared>>)
        tpu.yield
      }) : () -> ()
      %dma_wait3A_101 = arith.constant 0 : i32
      %dma_wait3A_102 = tpu.memref_slice %arg7[%add3A_39, %dma_wait3A_101] : memref<160x128xi32, #tpu.memory_space<vmem>> -> memref<1x128xi32, #tpu.memory_space<vmem>>
      %dma_wait3A_103 = tpu.memref_squeeze %dma_wait3A_102 : memref<1x128xi32, #tpu.memory_space<vmem>> -> memref<128xi32, #tpu.memory_space<vmem>>
      %dma_wait3A_104 = arith.constant 0 : i32
      %dma_wait3A_105 = arith.constant 0 : i32
      %dma_wait3A_106 = tpu.memref_slice %arg17[%dma_wait3A_104, %dma_wait3A_105] : memref<10112x32xf32, #tpu.memory_space<vmem_shared>> -> memref<10112x32xf32, #tpu.memory_space<vmem_shared>>
      tpu.wait_indirect_dma semaphore(%arg22 : memref<!tpu.dma_semaphore, #tpu.memory_space<semaphore_mem>>) src(%dma_wait3A_106 : memref<10112x32xf32, #tpu.memory_space<vmem_shared>>) dst(%arg12 : memref<128x32xf32, #tpu.memory_space<vmem>>)
      %add3A_107 = arith.constant 3 : i32
      %add3A_108 = arith.addi %mul3A_15, %add3A_107 : i32
      "tpu.region"() ({
        %run_scoped3A = tpu.sem_alloc : memref<!tpu.dma_semaphore, #tpu.memory_space<semaphore_mem>>
        %dma_start3A_141 = arith.constant 0 : i32
        %dma_start3A_142 = tpu.memref_slice %arg8[%add3A_108, %dma_start3A_141] : memref<160x128xi32, #tpu.memory_space<vmem>> -> memref<1x128xi32, #tpu.memory_space<vmem>>
        %dma_start3A_143 = tpu.memref_squeeze %dma_start3A_142 : memref<1x128xi32, #tpu.memory_space<vmem>> -> memref<128xi32, #tpu.memory_space<vmem>>
        %dma_start3A_144 = arith.constant 0 : i32
        %dma_start3A_145 = arith.constant 0 : i32
        %dma_start3A_146 = tpu.memref_slice %arg18[%dma_start3A_144, %dma_start3A_145] : memref<10112x32xf32, #tpu.memory_space<vmem_shared>> -> memref<10112x32xf32, #tpu.memory_space<vmem_shared>>
        tpu.enqueue_indirect_dma source(%arg12 : memref<128x32xf32, #tpu.memory_space<vmem>>) target(%dma_start3A_146 : memref<10112x32xf32, #tpu.memory_space<vmem_shared>>) offsets(%dma_start3A_143 : memref<128xi32, #tpu.memory_space<vmem>>) semaphore(%run_scoped3A : memref<!tpu.dma_semaphore, #tpu.memory_space<semaphore_mem>>) {add = true}
        %dma_wait3A_147 = arith.constant 0 : i32
        %dma_wait3A_148 = tpu.memref_slice %arg8[%add3A_108, %dma_wait3A_147] : memref<160x128xi32, #tpu.memory_space<vmem>> -> memref<1x128xi32, #tpu.memory_space<vmem>>
        %dma_wait3A_149 = tpu.memref_squeeze %dma_wait3A_148 : memref<1x128xi32, #tpu.memory_space<vmem>> -> memref<128xi32, #tpu.memory_space<vmem>>
        %dma_wait3A_150 = arith.constant 0 : i32
        %dma_wait3A_151 = arith.constant 0 : i32
        %dma_wait3A_152 = tpu.memref_slice %arg18[%dma_wait3A_150, %dma_wait3A_151] : memref<10112x32xf32, #tpu.memory_space<vmem_shared>> -> memref<10112x32xf32, #tpu.memory_space<vmem_shared>>
        tpu.wait_indirect_dma semaphore(%run_scoped3A : memref<!tpu.dma_semaphore, #tpu.memory_space<semaphore_mem>>) src(%arg12 : memref<128x32xf32, #tpu.memory_space<vmem>>) dst(%dma_wait3A_152 : memref<10112x32xf32, #tpu.memory_space<vmem_shared>>)
        tpu.yield
      }) : () -> ()
      %dma_wait3A_109 = arith.constant 0 : i32
      %dma_wait3A_110 = tpu.memref_slice %arg7[%add3A_47, %dma_wait3A_109] : memref<160x128xi32, #tpu.memory_space<vmem>> -> memref<1x128xi32, #tpu.memory_space<vmem>>
      %dma_wait3A_111 = tpu.memref_squeeze %dma_wait3A_110 : memref<1x128xi32, #tpu.memory_space<vmem>> -> memref<128xi32, #tpu.memory_space<vmem>>
      %dma_wait3A_112 = arith.constant 0 : i32
      %dma_wait3A_113 = arith.constant 0 : i32
      %dma_wait3A_114 = tpu.memref_slice %arg17[%dma_wait3A_112, %dma_wait3A_113] : memref<10112x32xf32, #tpu.memory_space<vmem_shared>> -> memref<10112x32xf32, #tpu.memory_space<vmem_shared>>
      tpu.wait_indirect_dma semaphore(%arg23 : memref<!tpu.dma_semaphore, #tpu.memory_space<semaphore_mem>>) src(%dma_wait3A_114 : memref<10112x32xf32, #tpu.memory_space<vmem_shared>>) dst(%arg13 : memref<128x32xf32, #tpu.memory_space<vmem>>)
      %add3A_115 = arith.constant 4 : i32
      %add3A_116 = arith.addi %mul3A_15, %add3A_115 : i32
      "tpu.region"() ({
        %run_scoped3A = tpu.sem_alloc : memref<!tpu.dma_semaphore, #tpu.memory_space<semaphore_mem>>
        %dma_start3A_141 = arith.constant 0 : i32
        %dma_start3A_142 = tpu.memref_slice %arg8[%add3A_116, %dma_start3A_141] : memref<160x128xi32, #tpu.memory_space<vmem>> -> memref<1x128xi32, #tpu.memory_space<vmem>>
        %dma_start3A_143 = tpu.memref_squeeze %dma_start3A_142 : memref<1x128xi32, #tpu.memory_space<vmem>> -> memref<128xi32, #tpu.memory_space<vmem>>
        %dma_start3A_144 = arith.constant 0 : i32
        %dma_start3A_145 = arith.constant 0 : i32
        %dma_start3A_146 = tpu.memref_slice %arg18[%dma_start3A_144, %dma_start3A_145] : memref<10112x32xf32, #tpu.memory_space<vmem_shared>> -> memref<10112x32xf32, #tpu.memory_space<vmem_shared>>
        tpu.enqueue_indirect_dma source(%arg13 : memref<128x32xf32, #tpu.memory_space<vmem>>) target(%dma_start3A_146 : memref<10112x32xf32, #tpu.memory_space<vmem_shared>>) offsets(%dma_start3A_143 : memref<128xi32, #tpu.memory_space<vmem>>) semaphore(%run_scoped3A : memref<!tpu.dma_semaphore, #tpu.memory_space<semaphore_mem>>) {add = true}
        %dma_wait3A_147 = arith.constant 0 : i32
        %dma_wait3A_148 = tpu.memref_slice %arg8[%add3A_116, %dma_wait3A_147] : memref<160x128xi32, #tpu.memory_space<vmem>> -> memref<1x128xi32, #tpu.memory_space<vmem>>
        %dma_wait3A_149 = tpu.memref_squeeze %dma_wait3A_148 : memref<1x128xi32, #tpu.memory_space<vmem>> -> memref<128xi32, #tpu.memory_space<vmem>>
        %dma_wait3A_150 = arith.constant 0 : i32
        %dma_wait3A_151 = arith.constant 0 : i32
        %dma_wait3A_152 = tpu.memref_slice %arg18[%dma_wait3A_150, %dma_wait3A_151] : memref<10112x32xf32, #tpu.memory_space<vmem_shared>> -> memref<10112x32xf32, #tpu.memory_space<vmem_shared>>
        tpu.wait_indirect_dma semaphore(%run_scoped3A : memref<!tpu.dma_semaphore, #tpu.memory_space<semaphore_mem>>) src(%arg13 : memref<128x32xf32, #tpu.memory_space<vmem>>) dst(%dma_wait3A_152 : memref<10112x32xf32, #tpu.memory_space<vmem_shared>>)
        tpu.yield
      }) : () -> ()
      %dma_wait3A_117 = arith.constant 0 : i32
      %dma_wait3A_118 = tpu.memref_slice %arg7[%add3A_55, %dma_wait3A_117] : memref<160x128xi32, #tpu.memory_space<vmem>> -> memref<1x128xi32, #tpu.memory_space<vmem>>
      %dma_wait3A_119 = tpu.memref_squeeze %dma_wait3A_118 : memref<1x128xi32, #tpu.memory_space<vmem>> -> memref<128xi32, #tpu.memory_space<vmem>>
      %dma_wait3A_120 = arith.constant 0 : i32
      %dma_wait3A_121 = arith.constant 0 : i32
      %dma_wait3A_122 = tpu.memref_slice %arg17[%dma_wait3A_120, %dma_wait3A_121] : memref<10112x32xf32, #tpu.memory_space<vmem_shared>> -> memref<10112x32xf32, #tpu.memory_space<vmem_shared>>
      tpu.wait_indirect_dma semaphore(%arg24 : memref<!tpu.dma_semaphore, #tpu.memory_space<semaphore_mem>>) src(%dma_wait3A_122 : memref<10112x32xf32, #tpu.memory_space<vmem_shared>>) dst(%arg14 : memref<128x32xf32, #tpu.memory_space<vmem>>)
      %add3A_123 = arith.constant 5 : i32
      %add3A_124 = arith.addi %mul3A_15, %add3A_123 : i32
      "tpu.region"() ({
        %run_scoped3A = tpu.sem_alloc : memref<!tpu.dma_semaphore, #tpu.memory_space<semaphore_mem>>
        %dma_start3A_141 = arith.constant 0 : i32
        %dma_start3A_142 = tpu.memref_slice %arg8[%add3A_124, %dma_start3A_141] : memref<160x128xi32, #tpu.memory_space<vmem>> -> memref<1x128xi32, #tpu.memory_space<vmem>>
        %dma_start3A_143 = tpu.memref_squeeze %dma_start3A_142 : memref<1x128xi32, #tpu.memory_space<vmem>> -> memref<128xi32, #tpu.memory_space<vmem>>
        %dma_start3A_144 = arith.constant 0 : i32
        %dma_start3A_145 = arith.constant 0 : i32
        %dma_start3A_146 = tpu.memref_slice %arg18[%dma_start3A_144, %dma_start3A_145] : memref<10112x32xf32, #tpu.memory_space<vmem_shared>> -> memref<10112x32xf32, #tpu.memory_space<vmem_shared>>
        tpu.enqueue_indirect_dma source(%arg14 : memref<128x32xf32, #tpu.memory_space<vmem>>) target(%dma_start3A_146 : memref<10112x32xf32, #tpu.memory_space<vmem_shared>>) offsets(%dma_start3A_143 : memref<128xi32, #tpu.memory_space<vmem>>) semaphore(%run_scoped3A : memref<!tpu.dma_semaphore, #tpu.memory_space<semaphore_mem>>) {add = true}
        %dma_wait3A_147 = arith.constant 0 : i32
        %dma_wait3A_148 = tpu.memref_slice %arg8[%add3A_124, %dma_wait3A_147] : memref<160x128xi32, #tpu.memory_space<vmem>> -> memref<1x128xi32, #tpu.memory_space<vmem>>
        %dma_wait3A_149 = tpu.memref_squeeze %dma_wait3A_148 : memref<1x128xi32, #tpu.memory_space<vmem>> -> memref<128xi32, #tpu.memory_space<vmem>>
        %dma_wait3A_150 = arith.constant 0 : i32
        %dma_wait3A_151 = arith.constant 0 : i32
        %dma_wait3A_152 = tpu.memref_slice %arg18[%dma_wait3A_150, %dma_wait3A_151] : memref<10112x32xf32, #tpu.memory_space<vmem_shared>> -> memref<10112x32xf32, #tpu.memory_space<vmem_shared>>
        tpu.wait_indirect_dma semaphore(%run_scoped3A : memref<!tpu.dma_semaphore, #tpu.memory_space<semaphore_mem>>) src(%arg14 : memref<128x32xf32, #tpu.memory_space<vmem>>) dst(%dma_wait3A_152 : memref<10112x32xf32, #tpu.memory_space<vmem_shared>>)
        tpu.yield
      }) : () -> ()
      %dma_wait3A_125 = arith.constant 0 : i32
      %dma_wait3A_126 = tpu.memref_slice %arg7[%add3A_63, %dma_wait3A_125] : memref<160x128xi32, #tpu.memory_space<vmem>> -> memref<1x128xi32, #tpu.memory_space<vmem>>
      %dma_wait3A_127 = tpu.memref_squeeze %dma_wait3A_126 : memref<1x128xi32, #tpu.memory_space<vmem>> -> memref<128xi32, #tpu.memory_space<vmem>>
      %dma_wait3A_128 = arith.constant 0 : i32
      %dma_wait3A_129 = arith.constant 0 : i32
      %dma_wait3A_130 = tpu.memref_slice %arg17[%dma_wait3A_128, %dma_wait3A_129] : memref<10112x32xf32, #tpu.memory_space<vmem_shared>> -> memref<10112x32xf32, #tpu.memory_space<vmem_shared>>
      tpu.wait_indirect_dma semaphore(%arg25 : memref<!tpu.dma_semaphore, #tpu.memory_space<semaphore_mem>>) src(%dma_wait3A_130 : memref<10112x32xf32, #tpu.memory_space<vmem_shared>>) dst(%arg15 : memref<128x32xf32, #tpu.memory_space<vmem>>)
      %add3A_131 = arith.constant 6 : i32
      %add3A_132 = arith.addi %mul3A_15, %add3A_131 : i32
      "tpu.region"() ({
        %run_scoped3A = tpu.sem_alloc : memref<!tpu.dma_semaphore, #tpu.memory_space<semaphore_mem>>
        %dma_start3A_141 = arith.constant 0 : i32
        %dma_start3A_142 = tpu.memref_slice %arg8[%add3A_132, %dma_start3A_141] : memref<160x128xi32, #tpu.memory_space<vmem>> -> memref<1x128xi32, #tpu.memory_space<vmem>>
        %dma_start3A_143 = tpu.memref_squeeze %dma_start3A_142 : memref<1x128xi32, #tpu.memory_space<vmem>> -> memref<128xi32, #tpu.memory_space<vmem>>
        %dma_start3A_144 = arith.constant 0 : i32
        %dma_start3A_145 = arith.constant 0 : i32
        %dma_start3A_146 = tpu.memref_slice %arg18[%dma_start3A_144, %dma_start3A_145] : memref<10112x32xf32, #tpu.memory_space<vmem_shared>> -> memref<10112x32xf32, #tpu.memory_space<vmem_shared>>
        tpu.enqueue_indirect_dma source(%arg15 : memref<128x32xf32, #tpu.memory_space<vmem>>) target(%dma_start3A_146 : memref<10112x32xf32, #tpu.memory_space<vmem_shared>>) offsets(%dma_start3A_143 : memref<128xi32, #tpu.memory_space<vmem>>) semaphore(%run_scoped3A : memref<!tpu.dma_semaphore, #tpu.memory_space<semaphore_mem>>) {add = true}
        %dma_wait3A_147 = arith.constant 0 : i32
        %dma_wait3A_148 = tpu.memref_slice %arg8[%add3A_132, %dma_wait3A_147] : memref<160x128xi32, #tpu.memory_space<vmem>> -> memref<1x128xi32, #tpu.memory_space<vmem>>
        %dma_wait3A_149 = tpu.memref_squeeze %dma_wait3A_148 : memref<1x128xi32, #tpu.memory_space<vmem>> -> memref<128xi32, #tpu.memory_space<vmem>>
        %dma_wait3A_150 = arith.constant 0 : i32
        %dma_wait3A_151 = arith.constant 0 : i32
        %dma_wait3A_152 = tpu.memref_slice %arg18[%dma_wait3A_150, %dma_wait3A_151] : memref<10112x32xf32, #tpu.memory_space<vmem_shared>> -> memref<10112x32xf32, #tpu.memory_space<vmem_shared>>
        tpu.wait_indirect_dma semaphore(%run_scoped3A : memref<!tpu.dma_semaphore, #tpu.memory_space<semaphore_mem>>) src(%arg15 : memref<128x32xf32, #tpu.memory_space<vmem>>) dst(%dma_wait3A_152 : memref<10112x32xf32, #tpu.memory_space<vmem_shared>>)
        tpu.yield
      }) : () -> ()
      %dma_wait3A_133 = arith.constant 0 : i32
      %dma_wait3A_134 = tpu.memref_slice %arg7[%add3A_71, %dma_wait3A_133] : memref<160x128xi32, #tpu.memory_space<vmem>> -> memref<1x128xi32, #tpu.memory_space<vmem>>
      %dma_wait3A_135 = tpu.memref_squeeze %dma_wait3A_134 : memref<1x128xi32, #tpu.memory_space<vmem>> -> memref<128xi32, #tpu.memory_space<vmem>>
      %dma_wait3A_136 = arith.constant 0 : i32
      %dma_wait3A_137 = arith.constant 0 : i32
      %dma_wait3A_138 = tpu.memref_slice %arg17[%dma_wait3A_136, %dma_wait3A_137] : memref<10112x32xf32, #tpu.memory_space<vmem_shared>> -> memref<10112x32xf32, #tpu.memory_space<vmem_shared>>
      tpu.wait_indirect_dma semaphore(%arg26 : memref<!tpu.dma_semaphore, #tpu.memory_space<semaphore_mem>>) src(%dma_wait3A_138 : memref<10112x32xf32, #tpu.memory_space<vmem_shared>>) dst(%arg16 : memref<128x32xf32, #tpu.memory_space<vmem>>)
      %add3A_139 = arith.constant 7 : i32
      %add3A_140 = arith.addi %mul3A_15, %add3A_139 : i32
      "tpu.region"() ({
        %run_scoped3A = tpu.sem_alloc : memref<!tpu.dma_semaphore, #tpu.memory_space<semaphore_mem>>
        %dma_start3A_141 = arith.constant 0 : i32
        %dma_start3A_142 = tpu.memref_slice %arg8[%add3A_140, %dma_start3A_141] : memref<160x128xi32, #tpu.memory_space<vmem>> -> memref<1x128xi32, #tpu.memory_space<vmem>>
        %dma_start3A_143 = tpu.memref_squeeze %dma_start3A_142 : memref<1x128xi32, #tpu.memory_space<vmem>> -> memref<128xi32, #tpu.memory_space<vmem>>
        %dma_start3A_144 = arith.constant 0 : i32
        %dma_start3A_145 = arith.constant 0 : i32
        %dma_start3A_146 = tpu.memref_slice %arg18[%dma_start3A_144, %dma_start3A_145] : memref<10112x32xf32, #tpu.memory_space<vmem_shared>> -> memref<10112x32xf32, #tpu.memory_space<vmem_shared>>
        tpu.enqueue_indirect_dma source(%arg16 : memref<128x32xf32, #tpu.memory_space<vmem>>) target(%dma_start3A_146 : memref<10112x32xf32, #tpu.memory_space<vmem_shared>>) offsets(%dma_start3A_143 : memref<128xi32, #tpu.memory_space<vmem>>) semaphore(%run_scoped3A : memref<!tpu.dma_semaphore, #tpu.memory_space<semaphore_mem>>) {add = true}
        %dma_wait3A_147 = arith.constant 0 : i32
        %dma_wait3A_148 = tpu.memref_slice %arg8[%add3A_140, %dma_wait3A_147] : memref<160x128xi32, #tpu.memory_space<vmem>> -> memref<1x128xi32, #tpu.memory_space<vmem>>
        %dma_wait3A_149 = tpu.memref_squeeze %dma_wait3A_148 : memref<1x128xi32, #tpu.memory_space<vmem>> -> memref<128xi32, #tpu.memory_space<vmem>>
        %dma_wait3A_150 = arith.constant 0 : i32
        %dma_wait3A_151 = arith.constant 0 : i32
        %dma_wait3A_152 = tpu.memref_slice %arg18[%dma_wait3A_150, %dma_wait3A_151] : memref<10112x32xf32, #tpu.memory_space<vmem_shared>> -> memref<10112x32xf32, #tpu.memory_space<vmem_shared>>
        tpu.wait_indirect_dma semaphore(%run_scoped3A : memref<!tpu.dma_semaphore, #tpu.memory_space<semaphore_mem>>) src(%arg16 : memref<128x32xf32, #tpu.memory_space<vmem>>) dst(%dma_wait3A_152 : memref<10112x32xf32, #tpu.memory_space<vmem_shared>>)
        tpu.yield
      }) : () -> ()
    }
    %scan3A_11 = arith.constant 20 : i32
    %barrier3A_12 = arith.constant 0 : index
    tpu.barrier barrier_id(%barrier3A_12)
    "tpu.region"() ({
      %run_scoped3A = tpu.sem_alloc : memref<!tpu.dma_semaphore, #tpu.memory_space<semaphore_mem>>
      %dma_start3A = arith.constant 0 : i32
      %dma_start3A_13 = tpu.memref_slice %arg6[%arg0, %mul3A_0, %dma_start3A] : memref<2x10112x32xf32, #tpu.memory_space<hbm>> -> memref<1x632x32xf32, #tpu.memory_space<hbm>>
      %dma_start3A_14 = tpu.memref_squeeze %dma_start3A_13 : memref<1x632x32xf32, #tpu.memory_space<hbm>> -> memref<632x32xf32, #tpu.memory_space<hbm>>
      %dma_start3A_15 = arith.constant 0 : i32
      %dma_start3A_16 = tpu.memref_slice %arg18[%mul3A_0, %dma_start3A_15] : memref<10112x32xf32, #tpu.memory_space<vmem_shared>> -> memref<632x32xf32, #tpu.memory_space<vmem_shared>>
      tpu.enqueue_dma source(%dma_start3A_16 : memref<632x32xf32, #tpu.memory_space<vmem_shared>>) target(%dma_start3A_14 : memref<632x32xf32, #tpu.memory_space<hbm>>) target_semaphore(%run_scoped3A : memref<!tpu.dma_semaphore, #tpu.memory_space<semaphore_mem>>)
      %dma_wait3A = arith.constant 0 : i32
      %dma_wait3A_17 = tpu.memref_slice %arg6[%arg0, %mul3A_0, %dma_wait3A] : memref<2x10112x32xf32, #tpu.memory_space<hbm>> -> memref<1x632x32xf32, #tpu.memory_space<hbm>>
      %dma_wait3A_18 = tpu.memref_squeeze %dma_wait3A_17 : memref<1x632x32xf32, #tpu.memory_space<hbm>> -> memref<632x32xf32, #tpu.memory_space<hbm>>
      %dma_wait3A_19 = arith.constant 0 : i32
      %dma_wait3A_20 = tpu.memref_slice %arg18[%mul3A_0, %dma_wait3A_19] : memref<10112x32xf32, #tpu.memory_space<vmem_shared>> -> memref<632x32xf32, #tpu.memory_space<vmem_shared>>
      tpu.wait_dma2 semaphore(%run_scoped3A : memref<!tpu.dma_semaphore, #tpu.memory_space<semaphore_mem>>) src(%dma_wait3A_20 : memref<632x32xf32, #tpu.memory_space<vmem_shared>>) dst(%dma_wait3A_18 : memref<632x32xf32, #tpu.memory_space<hbm>>)
      tpu.yield
    }) : () -> ()
    return
  }
}

#map = affine_map<(d0, d1) -> (0, 0, 0)>
#map1 = affine_map<(d0, d1) -> (0, 0)>
module attributes {stable_mosaic.version = 14 : i64} {
  func.func @_sc_deg_body(%arg0: i32, %arg1: i32, %arg2: memref<32x80x128xi32, #tpu.memory_space<hbm>>, %arg3: memref<10112x16xf32, #tpu.memory_space<hbm>>, %arg4: memref<128x16xf32, #tpu.memory_space<hbm>>, %arg5: memref<2x10112x16xf32, #tpu.memory_space<hbm>>, %arg6: memref<80x128xi32, #tpu.memory_space<vmem>>, %arg7: memref<128x16xf32, #tpu.memory_space<vmem>>, %arg8: memref<10112x16xf32, #tpu.memory_space<vmem_shared>>, %arg9: memref<!tpu.dma_semaphore, #tpu.memory_space<semaphore_mem>>) attributes {dimension_semantics = [#tpu.dimension_semantics<core_parallel>, #tpu.dimension_semantics<subcore_parallel>], iteration_bounds = array<i64: 2, 16>, scalar_prefetch = 0 : i64, scratch_operands = 4 : i64, tpu.core_type = #tpu.core_type<sc_vector_subcore>, window_params = [{transform_indices = #map}, {transform_indices = #map1}, {transform_indices = #map1}, {transform_indices = #map}]} {
    %mul3A = arith.constant 2 : i32
    %mul3A_0 = arith.muli %arg1, %mul3A : i32
    %add3A = arith.addi %mul3A_0, %arg0 : i32
    %mul3A_1 = arith.constant 632 : i32
    %mul3A_2 = arith.muli %arg1, %mul3A_1 : i32
    "tpu.region"() ({
      %run_scoped3A = tpu.sem_alloc : memref<!tpu.dma_semaphore, #tpu.memory_space<semaphore_mem>>
      %dma_start3A = arith.constant 0 : i32
      %dma_start3A_9 = tpu.memref_slice %arg8[%mul3A_2, %dma_start3A] : memref<10112x16xf32, #tpu.memory_space<vmem_shared>> -> memref<632x16xf32, #tpu.memory_space<vmem_shared>>
      %dma_start3A_10 = arith.constant 0 : i32
      %dma_start3A_11 = tpu.memref_slice %arg3[%mul3A_2, %dma_start3A_10] : memref<10112x16xf32, #tpu.memory_space<hbm>> -> memref<632x16xf32, #tpu.memory_space<hbm>>
      tpu.enqueue_dma source(%dma_start3A_11 : memref<632x16xf32, #tpu.memory_space<hbm>>) target(%dma_start3A_9 : memref<632x16xf32, #tpu.memory_space<vmem_shared>>) target_semaphore(%run_scoped3A : memref<!tpu.dma_semaphore, #tpu.memory_space<semaphore_mem>>)
      %dma_wait3A = arith.constant 0 : i32
      %dma_wait3A_12 = tpu.memref_slice %arg8[%mul3A_2, %dma_wait3A] : memref<10112x16xf32, #tpu.memory_space<vmem_shared>> -> memref<632x16xf32, #tpu.memory_space<vmem_shared>>
      %dma_wait3A_13 = arith.constant 0 : i32
      %dma_wait3A_14 = tpu.memref_slice %arg3[%mul3A_2, %dma_wait3A_13] : memref<10112x16xf32, #tpu.memory_space<hbm>> -> memref<632x16xf32, #tpu.memory_space<hbm>>
      tpu.wait_dma2 semaphore(%run_scoped3A : memref<!tpu.dma_semaphore, #tpu.memory_space<semaphore_mem>>) src(%dma_wait3A_14 : memref<632x16xf32, #tpu.memory_space<hbm>>) dst(%dma_wait3A_12 : memref<632x16xf32, #tpu.memory_space<vmem_shared>>)
      tpu.yield
    }) : () -> ()
    "tpu.region"() ({
      %run_scoped3A = tpu.sem_alloc : memref<!tpu.dma_semaphore, #tpu.memory_space<semaphore_mem>>
      tpu.enqueue_dma source(%arg4 : memref<128x16xf32, #tpu.memory_space<hbm>>) target(%arg7 : memref<128x16xf32, #tpu.memory_space<vmem>>) target_semaphore(%run_scoped3A : memref<!tpu.dma_semaphore, #tpu.memory_space<semaphore_mem>>)
      tpu.wait_dma2 semaphore(%run_scoped3A : memref<!tpu.dma_semaphore, #tpu.memory_space<semaphore_mem>>) src(%arg4 : memref<128x16xf32, #tpu.memory_space<hbm>>) dst(%arg7 : memref<128x16xf32, #tpu.memory_space<vmem>>)
      tpu.yield
    }) : () -> ()
    "tpu.region"() ({
      %run_scoped3A = tpu.sem_alloc : memref<!tpu.dma_semaphore, #tpu.memory_space<semaphore_mem>>
      %dma_start3A = arith.constant 0 : i32
      %dma_start3A_9 = arith.constant 0 : i32
      %dma_start3A_10 = tpu.memref_slice %arg2[%add3A, %dma_start3A, %dma_start3A_9] : memref<32x80x128xi32, #tpu.memory_space<hbm>> -> memref<1x80x128xi32, #tpu.memory_space<hbm>>
      %dma_start3A_11 = tpu.memref_squeeze %dma_start3A_10 : memref<1x80x128xi32, #tpu.memory_space<hbm>> -> memref<80x128xi32, #tpu.memory_space<hbm>>
      %dma_start3A_12 = arith.constant 0 : i32
      %dma_start3A_13 = arith.constant 0 : i32
      %dma_start3A_14 = tpu.memref_slice %arg2[%add3A, %dma_start3A_12, %dma_start3A_13] : memref<32x80x128xi32, #tpu.memory_space<hbm>> -> memref<1x80x128xi32, #tpu.memory_space<hbm>>
      %dma_start3A_15 = tpu.memref_squeeze %dma_start3A_14 : memref<1x80x128xi32, #tpu.memory_space<hbm>> -> memref<80x128xi32, #tpu.memory_space<hbm>>
      tpu.enqueue_dma source(%dma_start3A_15 : memref<80x128xi32, #tpu.memory_space<hbm>>) target(%arg6 : memref<80x128xi32, #tpu.memory_space<vmem>>) target_semaphore(%run_scoped3A : memref<!tpu.dma_semaphore, #tpu.memory_space<semaphore_mem>>)
      %dma_wait3A = arith.constant 0 : i32
      %dma_wait3A_16 = arith.constant 0 : i32
      %dma_wait3A_17 = tpu.memref_slice %arg2[%add3A, %dma_wait3A, %dma_wait3A_16] : memref<32x80x128xi32, #tpu.memory_space<hbm>> -> memref<1x80x128xi32, #tpu.memory_space<hbm>>
      %dma_wait3A_18 = tpu.memref_squeeze %dma_wait3A_17 : memref<1x80x128xi32, #tpu.memory_space<hbm>> -> memref<80x128xi32, #tpu.memory_space<hbm>>
      %dma_wait3A_19 = arith.constant 0 : i32
      %dma_wait3A_20 = arith.constant 0 : i32
      %dma_wait3A_21 = tpu.memref_slice %arg2[%add3A, %dma_wait3A_19, %dma_wait3A_20] : memref<32x80x128xi32, #tpu.memory_space<hbm>> -> memref<1x80x128xi32, #tpu.memory_space<hbm>>
      %dma_wait3A_22 = tpu.memref_squeeze %dma_wait3A_21 : memref<1x80x128xi32, #tpu.memory_space<hbm>> -> memref<80x128xi32, #tpu.memory_space<hbm>>
      tpu.wait_dma2 semaphore(%run_scoped3A : memref<!tpu.dma_semaphore, #tpu.memory_space<semaphore_mem>>) src(%dma_wait3A_22 : memref<80x128xi32, #tpu.memory_space<hbm>>) dst(%arg6 : memref<80x128xi32, #tpu.memory_space<vmem>>)
      tpu.yield
    }) : () -> ()
    %barrier3A = arith.constant 0 : index
    tpu.barrier barrier_id(%barrier3A)
    %scan3A = arith.constant 0 : i32
    %scan3A_3 = arith.constant 0 : i32
    %scan3A_4 = arith.constant 80 : i32
    %scan3A_5 = arith.addi %scan3A_3, %scan3A_4 : i32
    %scan3A_6 = arith.constant 1 : i32
    scf.for %scan3A_9 = %scan3A_3 to %scan3A_5 step %scan3A_6  : i32 {
      "tpu.region"() ({
        %run_scoped3A = tpu.sem_alloc : memref<!tpu.dma_semaphore, #tpu.memory_space<semaphore_mem>>
        %dma_start3A = arith.constant 0 : i32
        %dma_start3A_10 = tpu.memref_slice %arg6[%scan3A_9, %dma_start3A] : memref<80x128xi32, #tpu.memory_space<vmem>> -> memref<1x128xi32, #tpu.memory_space<vmem>>
        %dma_start3A_11 = tpu.memref_squeeze %dma_start3A_10 : memref<1x128xi32, #tpu.memory_space<vmem>> -> memref<128xi32, #tpu.memory_space<vmem>>
        %dma_start3A_12 = arith.constant 0 : i32
        %dma_start3A_13 = arith.constant 0 : i32
        %dma_start3A_14 = tpu.memref_slice %arg8[%dma_start3A_12, %dma_start3A_13] : memref<10112x16xf32, #tpu.memory_space<vmem_shared>> -> memref<10112x16xf32, #tpu.memory_space<vmem_shared>>
        tpu.enqueue_indirect_dma source(%arg7 : memref<128x16xf32, #tpu.memory_space<vmem>>) target(%dma_start3A_14 : memref<10112x16xf32, #tpu.memory_space<vmem_shared>>) offsets(%dma_start3A_11 : memref<128xi32, #tpu.memory_space<vmem>>) semaphore(%run_scoped3A : memref<!tpu.dma_semaphore, #tpu.memory_space<semaphore_mem>>) {add = true}
        %dma_wait3A = arith.constant 0 : i32
        %dma_wait3A_15 = tpu.memref_slice %arg6[%scan3A_9, %dma_wait3A] : memref<80x128xi32, #tpu.memory_space<vmem>> -> memref<1x128xi32, #tpu.memory_space<vmem>>
        %dma_wait3A_16 = tpu.memref_squeeze %dma_wait3A_15 : memref<1x128xi32, #tpu.memory_space<vmem>> -> memref<128xi32, #tpu.memory_space<vmem>>
        %dma_wait3A_17 = arith.constant 0 : i32
        %dma_wait3A_18 = arith.constant 0 : i32
        %dma_wait3A_19 = tpu.memref_slice %arg8[%dma_wait3A_17, %dma_wait3A_18] : memref<10112x16xf32, #tpu.memory_space<vmem_shared>> -> memref<10112x16xf32, #tpu.memory_space<vmem_shared>>
        tpu.wait_indirect_dma semaphore(%run_scoped3A : memref<!tpu.dma_semaphore, #tpu.memory_space<semaphore_mem>>) src(%arg7 : memref<128x16xf32, #tpu.memory_space<vmem>>) dst(%dma_wait3A_19 : memref<10112x16xf32, #tpu.memory_space<vmem_shared>>)
        tpu.yield
      }) : () -> ()
    }
    %scan3A_7 = arith.constant 80 : i32
    %barrier3A_8 = arith.constant 0 : index
    tpu.barrier barrier_id(%barrier3A_8)
    "tpu.region"() ({
      %run_scoped3A = tpu.sem_alloc : memref<!tpu.dma_semaphore, #tpu.memory_space<semaphore_mem>>
      %dma_start3A = arith.constant 0 : i32
      %dma_start3A_9 = tpu.memref_slice %arg5[%arg0, %mul3A_2, %dma_start3A] : memref<2x10112x16xf32, #tpu.memory_space<hbm>> -> memref<1x632x16xf32, #tpu.memory_space<hbm>>
      %dma_start3A_10 = tpu.memref_squeeze %dma_start3A_9 : memref<1x632x16xf32, #tpu.memory_space<hbm>> -> memref<632x16xf32, #tpu.memory_space<hbm>>
      %dma_start3A_11 = arith.constant 0 : i32
      %dma_start3A_12 = tpu.memref_slice %arg8[%mul3A_2, %dma_start3A_11] : memref<10112x16xf32, #tpu.memory_space<vmem_shared>> -> memref<632x16xf32, #tpu.memory_space<vmem_shared>>
      tpu.enqueue_dma source(%dma_start3A_12 : memref<632x16xf32, #tpu.memory_space<vmem_shared>>) target(%dma_start3A_10 : memref<632x16xf32, #tpu.memory_space<hbm>>) target_semaphore(%run_scoped3A : memref<!tpu.dma_semaphore, #tpu.memory_space<semaphore_mem>>)
      %dma_wait3A = arith.constant 0 : i32
      %dma_wait3A_13 = tpu.memref_slice %arg5[%arg0, %mul3A_2, %dma_wait3A] : memref<2x10112x16xf32, #tpu.memory_space<hbm>> -> memref<1x632x16xf32, #tpu.memory_space<hbm>>
      %dma_wait3A_14 = tpu.memref_squeeze %dma_wait3A_13 : memref<1x632x16xf32, #tpu.memory_space<hbm>> -> memref<632x16xf32, #tpu.memory_space<hbm>>
      %dma_wait3A_15 = arith.constant 0 : i32
      %dma_wait3A_16 = tpu.memref_slice %arg8[%mul3A_2, %dma_wait3A_15] : memref<10112x16xf32, #tpu.memory_space<vmem_shared>> -> memref<632x16xf32, #tpu.memory_space<vmem_shared>>
      tpu.wait_dma2 semaphore(%run_scoped3A : memref<!tpu.dma_semaphore, #tpu.memory_space<semaphore_mem>>) src(%dma_wait3A_16 : memref<632x16xf32, #tpu.memory_space<vmem_shared>>) dst(%dma_wait3A_14 : memref<632x16xf32, #tpu.memory_space<hbm>>)
      tpu.yield
    }) : () -> ()
    return
  }
}

#map = affine_map<(d0, d1) -> (0, 0, 0)>
#map1 = affine_map<(d0, d1) -> (0, 0)>
module attributes {stable_mosaic.version = 14 : i64} {
  func.func @_sc_agg_body(%arg0: i32, %arg1: i32, %arg2: memref<2x10000x32xf32, #tpu.memory_space<hbm>>, %arg3: memref<16x160x128xi32, #tpu.memory_space<hbm>>, %arg4: memref<16x160x128xi32, #tpu.memory_space<hbm>>, %arg5: memref<10112x32xf32, #tpu.memory_space<hbm>>, %arg6: memref<2x10112x32xf32, #tpu.memory_space<hbm>>, %arg7: memref<160x128xi32, #tpu.memory_space<vmem>>, %arg8: memref<160x128xi32, #tpu.memory_space<vmem>>, %arg9: memref<128x32xf32, #tpu.memory_space<vmem>>, %arg10: memref<128x32xf32, #tpu.memory_space<vmem>>, %arg11: memref<128x32xf32, #tpu.memory_space<vmem>>, %arg12: memref<128x32xf32, #tpu.memory_space<vmem>>, %arg13: memref<128x32xf32, #tpu.memory_space<vmem>>, %arg14: memref<128x32xf32, #tpu.memory_space<vmem>>, %arg15: memref<128x32xf32, #tpu.memory_space<vmem>>, %arg16: memref<128x32xf32, #tpu.memory_space<vmem>>, %arg17: memref<10112x32xf32, #tpu.memory_space<vmem_shared>>, %arg18: memref<10112x32xf32, #tpu.memory_space<vmem_shared>>, %arg19: memref<!tpu.dma_semaphore, #tpu.memory_space<semaphore_mem>>, %arg20: memref<!tpu.dma_semaphore, #tpu.memory_space<semaphore_mem>>, %arg21: memref<!tpu.dma_semaphore, #tpu.memory_space<semaphore_mem>>, %arg22: memref<!tpu.dma_semaphore, #tpu.memory_space<semaphore_mem>>, %arg23: memref<!tpu.dma_semaphore, #tpu.memory_space<semaphore_mem>>, %arg24: memref<!tpu.dma_semaphore, #tpu.memory_space<semaphore_mem>>, %arg25: memref<!tpu.dma_semaphore, #tpu.memory_space<semaphore_mem>>, %arg26: memref<!tpu.dma_semaphore, #tpu.memory_space<semaphore_mem>>) attributes {dimension_semantics = [#tpu.dimension_semantics<core_parallel>, #tpu.dimension_semantics<subcore_parallel>], iteration_bounds = array<i64: 2, 16>, scalar_prefetch = 0 : i64, scratch_operands = 20 : i64, tpu.core_type = #tpu.core_type<sc_vector_subcore>, window_params = [{transform_indices = #map}, {transform_indices = #map}, {transform_indices = #map}, {transform_indices = #map1}, {transform_indices = #map}]} {
    %mul3A = arith.constant 632 : i32
    %mul3A_0 = arith.muli %arg1, %mul3A : i32
    "tpu.region"() ({
      %run_scoped3A = tpu.sem_alloc : memref<!tpu.dma_semaphore, #tpu.memory_space<semaphore_mem>>
      %dma_start3A = arith.constant 0 : i32
      %dma_start3A_13 = tpu.memref_slice %arg18[%mul3A_0, %dma_start3A] : memref<10112x32xf32, #tpu.memory_space<vmem_shared>> -> memref<632x32xf32, #tpu.memory_space<vmem_shared>>
      %dma_start3A_14 = arith.constant 0 : i32
      %dma_start3A_15 = tpu.memref_slice %arg5[%mul3A_0, %dma_start3A_14] : memref<10112x32xf32, #tpu.memory_space<hbm>> -> memref<632x32xf32, #tpu.memory_space<hbm>>
      tpu.enqueue_dma source(%dma_start3A_15 : memref<632x32xf32, #tpu.memory_space<hbm>>) target(%dma_start3A_13 : memref<632x32xf32, #tpu.memory_space<vmem_shared>>) target_semaphore(%run_scoped3A : memref<!tpu.dma_semaphore, #tpu.memory_space<semaphore_mem>>)
      %dma_wait3A = arith.constant 0 : i32
      %dma_wait3A_16 = tpu.memref_slice %arg18[%mul3A_0, %dma_wait3A] : memref<10112x32xf32, #tpu.memory_space<vmem_shared>> -> memref<632x32xf32, #tpu.memory_space<vmem_shared>>
      %dma_wait3A_17 = arith.constant 0 : i32
      %dma_wait3A_18 = tpu.memref_slice %arg5[%mul3A_0, %dma_wait3A_17] : memref<10112x32xf32, #tpu.memory_space<hbm>> -> memref<632x32xf32, #tpu.memory_space<hbm>>
      tpu.wait_dma2 semaphore(%run_scoped3A : memref<!tpu.dma_semaphore, #tpu.memory_space<semaphore_mem>>) src(%dma_wait3A_18 : memref<632x32xf32, #tpu.memory_space<hbm>>) dst(%dma_wait3A_16 : memref<632x32xf32, #tpu.memory_space<vmem_shared>>)
      tpu.yield
    }) : () -> ()
    "tpu.region"() ({
      %run_scoped3A = tpu.sem_alloc : memref<!tpu.dma_semaphore, #tpu.memory_space<semaphore_mem>>
      %dma_start3A = arith.constant 0 : i32
      %dma_start3A_13 = arith.constant 0 : i32
      %dma_start3A_14 = tpu.memref_slice %arg3[%arg1, %dma_start3A, %dma_start3A_13] : memref<16x160x128xi32, #tpu.memory_space<hbm>> -> memref<1x160x128xi32, #tpu.memory_space<hbm>>
      %dma_start3A_15 = tpu.memref_squeeze %dma_start3A_14 : memref<1x160x128xi32, #tpu.memory_space<hbm>> -> memref<160x128xi32, #tpu.memory_space<hbm>>
      %dma_start3A_16 = arith.constant 0 : i32
      %dma_start3A_17 = arith.constant 0 : i32
      %dma_start3A_18 = tpu.memref_slice %arg3[%arg1, %dma_start3A_16, %dma_start3A_17] : memref<16x160x128xi32, #tpu.memory_space<hbm>> -> memref<1x160x128xi32, #tpu.memory_space<hbm>>
      %dma_start3A_19 = tpu.memref_squeeze %dma_start3A_18 : memref<1x160x128xi32, #tpu.memory_space<hbm>> -> memref<160x128xi32, #tpu.memory_space<hbm>>
      tpu.enqueue_dma source(%dma_start3A_19 : memref<160x128xi32, #tpu.memory_space<hbm>>) target(%arg7 : memref<160x128xi32, #tpu.memory_space<vmem>>) target_semaphore(%run_scoped3A : memref<!tpu.dma_semaphore, #tpu.memory_space<semaphore_mem>>)
      %dma_wait3A = arith.constant 0 : i32
      %dma_wait3A_20 = arith.constant 0 : i32
      %dma_wait3A_21 = tpu.memref_slice %arg3[%arg1, %dma_wait3A, %dma_wait3A_20] : memref<16x160x128xi32, #tpu.memory_space<hbm>> -> memref<1x160x128xi32, #tpu.memory_space<hbm>>
      %dma_wait3A_22 = tpu.memref_squeeze %dma_wait3A_21 : memref<1x160x128xi32, #tpu.memory_space<hbm>> -> memref<160x128xi32, #tpu.memory_space<hbm>>
      %dma_wait3A_23 = arith.constant 0 : i32
      %dma_wait3A_24 = arith.constant 0 : i32
      %dma_wait3A_25 = tpu.memref_slice %arg3[%arg1, %dma_wait3A_23, %dma_wait3A_24] : memref<16x160x128xi32, #tpu.memory_space<hbm>> -> memref<1x160x128xi32, #tpu.memory_space<hbm>>
      %dma_wait3A_26 = tpu.memref_squeeze %dma_wait3A_25 : memref<1x160x128xi32, #tpu.memory_space<hbm>> -> memref<160x128xi32, #tpu.memory_space<hbm>>
      tpu.wait_dma2 semaphore(%run_scoped3A : memref<!tpu.dma_semaphore, #tpu.memory_space<semaphore_mem>>) src(%dma_wait3A_26 : memref<160x128xi32, #tpu.memory_space<hbm>>) dst(%arg7 : memref<160x128xi32, #tpu.memory_space<vmem>>)
      tpu.yield
    }) : () -> ()
    "tpu.region"() ({
      %run_scoped3A = tpu.sem_alloc : memref<!tpu.dma_semaphore, #tpu.memory_space<semaphore_mem>>
      %dma_start3A = arith.constant 0 : i32
      %dma_start3A_13 = arith.constant 0 : i32
      %dma_start3A_14 = tpu.memref_slice %arg4[%arg1, %dma_start3A, %dma_start3A_13] : memref<16x160x128xi32, #tpu.memory_space<hbm>> -> memref<1x160x128xi32, #tpu.memory_space<hbm>>
      %dma_start3A_15 = tpu.memref_squeeze %dma_start3A_14 : memref<1x160x128xi32, #tpu.memory_space<hbm>> -> memref<160x128xi32, #tpu.memory_space<hbm>>
      %dma_start3A_16 = arith.constant 0 : i32
      %dma_start3A_17 = arith.constant 0 : i32
      %dma_start3A_18 = tpu.memref_slice %arg4[%arg1, %dma_start3A_16, %dma_start3A_17] : memref<16x160x128xi32, #tpu.memory_space<hbm>> -> memref<1x160x128xi32, #tpu.memory_space<hbm>>
      %dma_start3A_19 = tpu.memref_squeeze %dma_start3A_18 : memref<1x160x128xi32, #tpu.memory_space<hbm>> -> memref<160x128xi32, #tpu.memory_space<hbm>>
      tpu.enqueue_dma source(%dma_start3A_19 : memref<160x128xi32, #tpu.memory_space<hbm>>) target(%arg8 : memref<160x128xi32, #tpu.memory_space<vmem>>) target_semaphore(%run_scoped3A : memref<!tpu.dma_semaphore, #tpu.memory_space<semaphore_mem>>)
      %dma_wait3A = arith.constant 0 : i32
      %dma_wait3A_20 = arith.constant 0 : i32
      %dma_wait3A_21 = tpu.memref_slice %arg4[%arg1, %dma_wait3A, %dma_wait3A_20] : memref<16x160x128xi32, #tpu.memory_space<hbm>> -> memref<1x160x128xi32, #tpu.memory_space<hbm>>
      %dma_wait3A_22 = tpu.memref_squeeze %dma_wait3A_21 : memref<1x160x128xi32, #tpu.memory_space<hbm>> -> memref<160x128xi32, #tpu.memory_space<hbm>>
      %dma_wait3A_23 = arith.constant 0 : i32
      %dma_wait3A_24 = arith.constant 0 : i32
      %dma_wait3A_25 = tpu.memref_slice %arg4[%arg1, %dma_wait3A_23, %dma_wait3A_24] : memref<16x160x128xi32, #tpu.memory_space<hbm>> -> memref<1x160x128xi32, #tpu.memory_space<hbm>>
      %dma_wait3A_26 = tpu.memref_squeeze %dma_wait3A_25 : memref<1x160x128xi32, #tpu.memory_space<hbm>> -> memref<160x128xi32, #tpu.memory_space<hbm>>
      tpu.wait_dma2 semaphore(%run_scoped3A : memref<!tpu.dma_semaphore, #tpu.memory_space<semaphore_mem>>) src(%dma_wait3A_26 : memref<160x128xi32, #tpu.memory_space<hbm>>) dst(%arg8 : memref<160x128xi32, #tpu.memory_space<vmem>>)
      tpu.yield
    }) : () -> ()
    %lt3A = arith.constant 15 : i32
    %lt3A_1 = arith.cmpi slt, %arg1, %lt3A : i32
    %convert_element_type3A = arith.extui %lt3A_1 : i1 to i32
    %cond3A = arith.constant 0 : i32
    %cond3A_2 = arith.cmpi ne, %convert_element_type3A, %cond3A : i32
    scf.if %cond3A_2 {
      "tpu.region"() ({
        %run_scoped3A = tpu.sem_alloc : memref<!tpu.dma_semaphore, #tpu.memory_space<semaphore_mem>>
        %dma_start3A = arith.constant 0 : i32
        %dma_start3A_13 = tpu.memref_slice %arg17[%mul3A_0, %dma_start3A] : memref<10112x32xf32, #tpu.memory_space<vmem_shared>> -> memref<632x32xf32, #tpu.memory_space<vmem_shared>>
        %dma_start3A_14 = arith.constant 0 : i32
        %dma_start3A_15 = tpu.memref_slice %arg2[%arg0, %mul3A_0, %dma_start3A_14] : memref<2x10000x32xf32, #tpu.memory_space<hbm>> -> memref<1x632x32xf32, #tpu.memory_space<hbm>>
        %dma_start3A_16 = tpu.memref_squeeze %dma_start3A_15 : memref<1x632x32xf32, #tpu.memory_space<hbm>> -> memref<632x32xf32, #tpu.memory_space<hbm>>
        tpu.enqueue_dma source(%dma_start3A_16 : memref<632x32xf32, #tpu.memory_space<hbm>>) target(%dma_start3A_13 : memref<632x32xf32, #tpu.memory_space<vmem_shared>>) target_semaphore(%run_scoped3A : memref<!tpu.dma_semaphore, #tpu.memory_space<semaphore_mem>>)
        %dma_wait3A = arith.constant 0 : i32
        %dma_wait3A_17 = tpu.memref_slice %arg17[%mul3A_0, %dma_wait3A] : memref<10112x32xf32, #tpu.memory_space<vmem_shared>> -> memref<632x32xf32, #tpu.memory_space<vmem_shared>>
        %dma_wait3A_18 = arith.constant 0 : i32
        %dma_wait3A_19 = tpu.memref_slice %arg2[%arg0, %mul3A_0, %dma_wait3A_18] : memref<2x10000x32xf32, #tpu.memory_space<hbm>> -> memref<1x632x32xf32, #tpu.memory_space<hbm>>
        %dma_wait3A_20 = tpu.memref_squeeze %dma_wait3A_19 : memref<1x632x32xf32, #tpu.memory_space<hbm>> -> memref<632x32xf32, #tpu.memory_space<hbm>>
        tpu.wait_dma2 semaphore(%run_scoped3A : memref<!tpu.dma_semaphore, #tpu.memory_space<semaphore_mem>>) src(%dma_wait3A_20 : memref<632x32xf32, #tpu.memory_space<hbm>>) dst(%dma_wait3A_17 : memref<632x32xf32, #tpu.memory_space<vmem_shared>>)
        tpu.yield
      }) : () -> ()
    } else {
    }
    %eq3A = arith.constant 15 : i32
    %eq3A_3 = arith.cmpi eq, %arg1, %eq3A : i32
    %convert_element_type3A_4 = arith.extui %eq3A_3 : i1 to i32
    %cond3A_5 = arith.constant 0 : i32
    %cond3A_6 = arith.cmpi ne, %convert_element_type3A_4, %cond3A_5 : i32
    scf.if %cond3A_6 {
      "tpu.region"() ({
        %run_scoped3A = tpu.sem_alloc : memref<!tpu.dma_semaphore, #tpu.memory_space<semaphore_mem>>
        %dma_start3A = arith.constant 9480 : i32
        %dma_start3A_13 = arith.constant 0 : i32
        %dma_start3A_14 = tpu.memref_slice %arg17[%dma_start3A, %dma_start3A_13] : memref<10112x32xf32, #tpu.memory_space<vmem_shared>> -> memref<520x32xf32, #tpu.memory_space<vmem_shared>>
        %dma_start3A_15 = arith.constant 9480 : i32
        %dma_start3A_16 = arith.constant 0 : i32
        %dma_start3A_17 = tpu.memref_slice %arg2[%arg0, %dma_start3A_15, %dma_start3A_16] : memref<2x10000x32xf32, #tpu.memory_space<hbm>> -> memref<1x520x32xf32, #tpu.memory_space<hbm>>
        %dma_start3A_18 = tpu.memref_squeeze %dma_start3A_17 : memref<1x520x32xf32, #tpu.memory_space<hbm>> -> memref<520x32xf32, #tpu.memory_space<hbm>>
        tpu.enqueue_dma source(%dma_start3A_18 : memref<520x32xf32, #tpu.memory_space<hbm>>) target(%dma_start3A_14 : memref<520x32xf32, #tpu.memory_space<vmem_shared>>) target_semaphore(%run_scoped3A : memref<!tpu.dma_semaphore, #tpu.memory_space<semaphore_mem>>)
        %dma_wait3A = arith.constant 9480 : i32
        %dma_wait3A_19 = arith.constant 0 : i32
        %dma_wait3A_20 = tpu.memref_slice %arg17[%dma_wait3A, %dma_wait3A_19] : memref<10112x32xf32, #tpu.memory_space<vmem_shared>> -> memref<520x32xf32, #tpu.memory_space<vmem_shared>>
        %dma_wait3A_21 = arith.constant 9480 : i32
        %dma_wait3A_22 = arith.constant 0 : i32
        %dma_wait3A_23 = tpu.memref_slice %arg2[%arg0, %dma_wait3A_21, %dma_wait3A_22] : memref<2x10000x32xf32, #tpu.memory_space<hbm>> -> memref<1x520x32xf32, #tpu.memory_space<hbm>>
        %dma_wait3A_24 = tpu.memref_squeeze %dma_wait3A_23 : memref<1x520x32xf32, #tpu.memory_space<hbm>> -> memref<520x32xf32, #tpu.memory_space<hbm>>
        tpu.wait_dma2 semaphore(%run_scoped3A : memref<!tpu.dma_semaphore, #tpu.memory_space<semaphore_mem>>) src(%dma_wait3A_24 : memref<520x32xf32, #tpu.memory_space<hbm>>) dst(%dma_wait3A_20 : memref<520x32xf32, #tpu.memory_space<vmem_shared>>)
        tpu.yield
      }) : () -> ()
    } else {
    }
    %barrier3A = arith.constant 0 : index
    tpu.barrier barrier_id(%barrier3A)
    %scan3A = arith.constant 0 : i32
    %scan3A_7 = arith.constant 0 : i32
    %scan3A_8 = arith.constant 20 : i32
    %scan3A_9 = arith.addi %scan3A_7, %scan3A_8 : i32
    %scan3A_10 = arith.constant 1 : i32
    scf.for %scan3A_13 = %scan3A_7 to %scan3A_9 step %scan3A_10  : i32 {
      %mul3A_14 = arith.constant 8 : i32
      %mul3A_15 = arith.muli %scan3A_13, %mul3A_14 : i32
      %add3A = arith.constant 0 : i32
      %add3A_16 = arith.addi %mul3A_15, %add3A : i32
      %dma_start3A = arith.constant 0 : i32
      %dma_start3A_17 = tpu.memref_slice %arg7[%add3A_16, %dma_start3A] : memref<160x128xi32, #tpu.memory_space<vmem>> -> memref<1x128xi32, #tpu.memory_space<vmem>>
      %dma_start3A_18 = tpu.memref_squeeze %dma_start3A_17 : memref<1x128xi32, #tpu.memory_space<vmem>> -> memref<128xi32, #tpu.memory_space<vmem>>
      %dma_start3A_19 = arith.constant 0 : i32
      %dma_start3A_20 = arith.constant 0 : i32
      %dma_start3A_21 = tpu.memref_slice %arg17[%dma_start3A_19, %dma_start3A_20] : memref<10112x32xf32, #tpu.memory_space<vmem_shared>> -> memref<10112x32xf32, #tpu.memory_space<vmem_shared>>
      tpu.enqueue_indirect_dma source(%dma_start3A_21 : memref<10112x32xf32, #tpu.memory_space<vmem_shared>>) target(%arg9 : memref<128x32xf32, #tpu.memory_space<vmem>>) offsets(%dma_start3A_18 : memref<128xi32, #tpu.memory_space<vmem>>) semaphore(%arg19 : memref<!tpu.dma_semaphore, #tpu.memory_space<semaphore_mem>>)
      %add3A_22 = arith.constant 1 : i32
      %add3A_23 = arith.addi %mul3A_15, %add3A_22 : i32
      %dma_start3A_24 = arith.constant 0 : i32
      %dma_start3A_25 = tpu.memref_slice %arg7[%add3A_23, %dma_start3A_24] : memref<160x128xi32, #tpu.memory_space<vmem>> -> memref<1x128xi32, #tpu.memory_space<vmem>>
      %dma_start3A_26 = tpu.memref_squeeze %dma_start3A_25 : memref<1x128xi32, #tpu.memory_space<vmem>> -> memref<128xi32, #tpu.memory_space<vmem>>
      %dma_start3A_27 = arith.constant 0 : i32
      %dma_start3A_28 = arith.constant 0 : i32
      %dma_start3A_29 = tpu.memref_slice %arg17[%dma_start3A_27, %dma_start3A_28] : memref<10112x32xf32, #tpu.memory_space<vmem_shared>> -> memref<10112x32xf32, #tpu.memory_space<vmem_shared>>
      tpu.enqueue_indirect_dma source(%dma_start3A_29 : memref<10112x32xf32, #tpu.memory_space<vmem_shared>>) target(%arg10 : memref<128x32xf32, #tpu.memory_space<vmem>>) offsets(%dma_start3A_26 : memref<128xi32, #tpu.memory_space<vmem>>) semaphore(%arg20 : memref<!tpu.dma_semaphore, #tpu.memory_space<semaphore_mem>>)
      %add3A_30 = arith.constant 2 : i32
      %add3A_31 = arith.addi %mul3A_15, %add3A_30 : i32
      %dma_start3A_32 = arith.constant 0 : i32
      %dma_start3A_33 = tpu.memref_slice %arg7[%add3A_31, %dma_start3A_32] : memref<160x128xi32, #tpu.memory_space<vmem>> -> memref<1x128xi32, #tpu.memory_space<vmem>>
      %dma_start3A_34 = tpu.memref_squeeze %dma_start3A_33 : memref<1x128xi32, #tpu.memory_space<vmem>> -> memref<128xi32, #tpu.memory_space<vmem>>
      %dma_start3A_35 = arith.constant 0 : i32
      %dma_start3A_36 = arith.constant 0 : i32
      %dma_start3A_37 = tpu.memref_slice %arg17[%dma_start3A_35, %dma_start3A_36] : memref<10112x32xf32, #tpu.memory_space<vmem_shared>> -> memref<10112x32xf32, #tpu.memory_space<vmem_shared>>
      tpu.enqueue_indirect_dma source(%dma_start3A_37 : memref<10112x32xf32, #tpu.memory_space<vmem_shared>>) target(%arg11 : memref<128x32xf32, #tpu.memory_space<vmem>>) offsets(%dma_start3A_34 : memref<128xi32, #tpu.memory_space<vmem>>) semaphore(%arg21 : memref<!tpu.dma_semaphore, #tpu.memory_space<semaphore_mem>>)
      %add3A_38 = arith.constant 3 : i32
      %add3A_39 = arith.addi %mul3A_15, %add3A_38 : i32
      %dma_start3A_40 = arith.constant 0 : i32
      %dma_start3A_41 = tpu.memref_slice %arg7[%add3A_39, %dma_start3A_40] : memref<160x128xi32, #tpu.memory_space<vmem>> -> memref<1x128xi32, #tpu.memory_space<vmem>>
      %dma_start3A_42 = tpu.memref_squeeze %dma_start3A_41 : memref<1x128xi32, #tpu.memory_space<vmem>> -> memref<128xi32, #tpu.memory_space<vmem>>
      %dma_start3A_43 = arith.constant 0 : i32
      %dma_start3A_44 = arith.constant 0 : i32
      %dma_start3A_45 = tpu.memref_slice %arg17[%dma_start3A_43, %dma_start3A_44] : memref<10112x32xf32, #tpu.memory_space<vmem_shared>> -> memref<10112x32xf32, #tpu.memory_space<vmem_shared>>
      tpu.enqueue_indirect_dma source(%dma_start3A_45 : memref<10112x32xf32, #tpu.memory_space<vmem_shared>>) target(%arg12 : memref<128x32xf32, #tpu.memory_space<vmem>>) offsets(%dma_start3A_42 : memref<128xi32, #tpu.memory_space<vmem>>) semaphore(%arg22 : memref<!tpu.dma_semaphore, #tpu.memory_space<semaphore_mem>>)
      %add3A_46 = arith.constant 4 : i32
      %add3A_47 = arith.addi %mul3A_15, %add3A_46 : i32
      %dma_start3A_48 = arith.constant 0 : i32
      %dma_start3A_49 = tpu.memref_slice %arg7[%add3A_47, %dma_start3A_48] : memref<160x128xi32, #tpu.memory_space<vmem>> -> memref<1x128xi32, #tpu.memory_space<vmem>>
      %dma_start3A_50 = tpu.memref_squeeze %dma_start3A_49 : memref<1x128xi32, #tpu.memory_space<vmem>> -> memref<128xi32, #tpu.memory_space<vmem>>
      %dma_start3A_51 = arith.constant 0 : i32
      %dma_start3A_52 = arith.constant 0 : i32
      %dma_start3A_53 = tpu.memref_slice %arg17[%dma_start3A_51, %dma_start3A_52] : memref<10112x32xf32, #tpu.memory_space<vmem_shared>> -> memref<10112x32xf32, #tpu.memory_space<vmem_shared>>
      tpu.enqueue_indirect_dma source(%dma_start3A_53 : memref<10112x32xf32, #tpu.memory_space<vmem_shared>>) target(%arg13 : memref<128x32xf32, #tpu.memory_space<vmem>>) offsets(%dma_start3A_50 : memref<128xi32, #tpu.memory_space<vmem>>) semaphore(%arg23 : memref<!tpu.dma_semaphore, #tpu.memory_space<semaphore_mem>>)
      %add3A_54 = arith.constant 5 : i32
      %add3A_55 = arith.addi %mul3A_15, %add3A_54 : i32
      %dma_start3A_56 = arith.constant 0 : i32
      %dma_start3A_57 = tpu.memref_slice %arg7[%add3A_55, %dma_start3A_56] : memref<160x128xi32, #tpu.memory_space<vmem>> -> memref<1x128xi32, #tpu.memory_space<vmem>>
      %dma_start3A_58 = tpu.memref_squeeze %dma_start3A_57 : memref<1x128xi32, #tpu.memory_space<vmem>> -> memref<128xi32, #tpu.memory_space<vmem>>
      %dma_start3A_59 = arith.constant 0 : i32
      %dma_start3A_60 = arith.constant 0 : i32
      %dma_start3A_61 = tpu.memref_slice %arg17[%dma_start3A_59, %dma_start3A_60] : memref<10112x32xf32, #tpu.memory_space<vmem_shared>> -> memref<10112x32xf32, #tpu.memory_space<vmem_shared>>
      tpu.enqueue_indirect_dma source(%dma_start3A_61 : memref<10112x32xf32, #tpu.memory_space<vmem_shared>>) target(%arg14 : memref<128x32xf32, #tpu.memory_space<vmem>>) offsets(%dma_start3A_58 : memref<128xi32, #tpu.memory_space<vmem>>) semaphore(%arg24 : memref<!tpu.dma_semaphore, #tpu.memory_space<semaphore_mem>>)
      %add3A_62 = arith.constant 6 : i32
      %add3A_63 = arith.addi %mul3A_15, %add3A_62 : i32
      %dma_start3A_64 = arith.constant 0 : i32
      %dma_start3A_65 = tpu.memref_slice %arg7[%add3A_63, %dma_start3A_64] : memref<160x128xi32, #tpu.memory_space<vmem>> -> memref<1x128xi32, #tpu.memory_space<vmem>>
      %dma_start3A_66 = tpu.memref_squeeze %dma_start3A_65 : memref<1x128xi32, #tpu.memory_space<vmem>> -> memref<128xi32, #tpu.memory_space<vmem>>
      %dma_start3A_67 = arith.constant 0 : i32
      %dma_start3A_68 = arith.constant 0 : i32
      %dma_start3A_69 = tpu.memref_slice %arg17[%dma_start3A_67, %dma_start3A_68] : memref<10112x32xf32, #tpu.memory_space<vmem_shared>> -> memref<10112x32xf32, #tpu.memory_space<vmem_shared>>
      tpu.enqueue_indirect_dma source(%dma_start3A_69 : memref<10112x32xf32, #tpu.memory_space<vmem_shared>>) target(%arg15 : memref<128x32xf32, #tpu.memory_space<vmem>>) offsets(%dma_start3A_66 : memref<128xi32, #tpu.memory_space<vmem>>) semaphore(%arg25 : memref<!tpu.dma_semaphore, #tpu.memory_space<semaphore_mem>>)
      %add3A_70 = arith.constant 7 : i32
      %add3A_71 = arith.addi %mul3A_15, %add3A_70 : i32
      %dma_start3A_72 = arith.constant 0 : i32
      %dma_start3A_73 = tpu.memref_slice %arg7[%add3A_71, %dma_start3A_72] : memref<160x128xi32, #tpu.memory_space<vmem>> -> memref<1x128xi32, #tpu.memory_space<vmem>>
      %dma_start3A_74 = tpu.memref_squeeze %dma_start3A_73 : memref<1x128xi32, #tpu.memory_space<vmem>> -> memref<128xi32, #tpu.memory_space<vmem>>
      %dma_start3A_75 = arith.constant 0 : i32
      %dma_start3A_76 = arith.constant 0 : i32
      %dma_start3A_77 = tpu.memref_slice %arg17[%dma_start3A_75, %dma_start3A_76] : memref<10112x32xf32, #tpu.memory_space<vmem_shared>> -> memref<10112x32xf32, #tpu.memory_space<vmem_shared>>
      tpu.enqueue_indirect_dma source(%dma_start3A_77 : memref<10112x32xf32, #tpu.memory_space<vmem_shared>>) target(%arg16 : memref<128x32xf32, #tpu.memory_space<vmem>>) offsets(%dma_start3A_74 : memref<128xi32, #tpu.memory_space<vmem>>) semaphore(%arg26 : memref<!tpu.dma_semaphore, #tpu.memory_space<semaphore_mem>>)
      %dma_wait3A = arith.constant 0 : i32
      %dma_wait3A_78 = tpu.memref_slice %arg7[%add3A_16, %dma_wait3A] : memref<160x128xi32, #tpu.memory_space<vmem>> -> memref<1x128xi32, #tpu.memory_space<vmem>>
      %dma_wait3A_79 = tpu.memref_squeeze %dma_wait3A_78 : memref<1x128xi32, #tpu.memory_space<vmem>> -> memref<128xi32, #tpu.memory_space<vmem>>
      %dma_wait3A_80 = arith.constant 0 : i32
      %dma_wait3A_81 = arith.constant 0 : i32
      %dma_wait3A_82 = tpu.memref_slice %arg17[%dma_wait3A_80, %dma_wait3A_81] : memref<10112x32xf32, #tpu.memory_space<vmem_shared>> -> memref<10112x32xf32, #tpu.memory_space<vmem_shared>>
      tpu.wait_indirect_dma semaphore(%arg19 : memref<!tpu.dma_semaphore, #tpu.memory_space<semaphore_mem>>) src(%dma_wait3A_82 : memref<10112x32xf32, #tpu.memory_space<vmem_shared>>) dst(%arg9 : memref<128x32xf32, #tpu.memory_space<vmem>>)
      %add3A_83 = arith.constant 0 : i32
      %add3A_84 = arith.addi %mul3A_15, %add3A_83 : i32
      "tpu.region"() ({
        %run_scoped3A = tpu.sem_alloc : memref<!tpu.dma_semaphore, #tpu.memory_space<semaphore_mem>>
        %dma_start3A_141 = arith.constant 0 : i32
        %dma_start3A_142 = tpu.memref_slice %arg8[%add3A_84, %dma_start3A_141] : memref<160x128xi32, #tpu.memory_space<vmem>> -> memref<1x128xi32, #tpu.memory_space<vmem>>
        %dma_start3A_143 = tpu.memref_squeeze %dma_start3A_142 : memref<1x128xi32, #tpu.memory_space<vmem>> -> memref<128xi32, #tpu.memory_space<vmem>>
        %dma_start3A_144 = arith.constant 0 : i32
        %dma_start3A_145 = arith.constant 0 : i32
        %dma_start3A_146 = tpu.memref_slice %arg18[%dma_start3A_144, %dma_start3A_145] : memref<10112x32xf32, #tpu.memory_space<vmem_shared>> -> memref<10112x32xf32, #tpu.memory_space<vmem_shared>>
        tpu.enqueue_indirect_dma source(%arg9 : memref<128x32xf32, #tpu.memory_space<vmem>>) target(%dma_start3A_146 : memref<10112x32xf32, #tpu.memory_space<vmem_shared>>) offsets(%dma_start3A_143 : memref<128xi32, #tpu.memory_space<vmem>>) semaphore(%run_scoped3A : memref<!tpu.dma_semaphore, #tpu.memory_space<semaphore_mem>>) {add = true}
        %dma_wait3A_147 = arith.constant 0 : i32
        %dma_wait3A_148 = tpu.memref_slice %arg8[%add3A_84, %dma_wait3A_147] : memref<160x128xi32, #tpu.memory_space<vmem>> -> memref<1x128xi32, #tpu.memory_space<vmem>>
        %dma_wait3A_149 = tpu.memref_squeeze %dma_wait3A_148 : memref<1x128xi32, #tpu.memory_space<vmem>> -> memref<128xi32, #tpu.memory_space<vmem>>
        %dma_wait3A_150 = arith.constant 0 : i32
        %dma_wait3A_151 = arith.constant 0 : i32
        %dma_wait3A_152 = tpu.memref_slice %arg18[%dma_wait3A_150, %dma_wait3A_151] : memref<10112x32xf32, #tpu.memory_space<vmem_shared>> -> memref<10112x32xf32, #tpu.memory_space<vmem_shared>>
        tpu.wait_indirect_dma semaphore(%run_scoped3A : memref<!tpu.dma_semaphore, #tpu.memory_space<semaphore_mem>>) src(%arg9 : memref<128x32xf32, #tpu.memory_space<vmem>>) dst(%dma_wait3A_152 : memref<10112x32xf32, #tpu.memory_space<vmem_shared>>)
        tpu.yield
      }) : () -> ()
      %dma_wait3A_85 = arith.constant 0 : i32
      %dma_wait3A_86 = tpu.memref_slice %arg7[%add3A_23, %dma_wait3A_85] : memref<160x128xi32, #tpu.memory_space<vmem>> -> memref<1x128xi32, #tpu.memory_space<vmem>>
      %dma_wait3A_87 = tpu.memref_squeeze %dma_wait3A_86 : memref<1x128xi32, #tpu.memory_space<vmem>> -> memref<128xi32, #tpu.memory_space<vmem>>
      %dma_wait3A_88 = arith.constant 0 : i32
      %dma_wait3A_89 = arith.constant 0 : i32
      %dma_wait3A_90 = tpu.memref_slice %arg17[%dma_wait3A_88, %dma_wait3A_89] : memref<10112x32xf32, #tpu.memory_space<vmem_shared>> -> memref<10112x32xf32, #tpu.memory_space<vmem_shared>>
      tpu.wait_indirect_dma semaphore(%arg20 : memref<!tpu.dma_semaphore, #tpu.memory_space<semaphore_mem>>) src(%dma_wait3A_90 : memref<10112x32xf32, #tpu.memory_space<vmem_shared>>) dst(%arg10 : memref<128x32xf32, #tpu.memory_space<vmem>>)
      %add3A_91 = arith.constant 1 : i32
      %add3A_92 = arith.addi %mul3A_15, %add3A_91 : i32
      "tpu.region"() ({
        %run_scoped3A = tpu.sem_alloc : memref<!tpu.dma_semaphore, #tpu.memory_space<semaphore_mem>>
        %dma_start3A_141 = arith.constant 0 : i32
        %dma_start3A_142 = tpu.memref_slice %arg8[%add3A_92, %dma_start3A_141] : memref<160x128xi32, #tpu.memory_space<vmem>> -> memref<1x128xi32, #tpu.memory_space<vmem>>
        %dma_start3A_143 = tpu.memref_squeeze %dma_start3A_142 : memref<1x128xi32, #tpu.memory_space<vmem>> -> memref<128xi32, #tpu.memory_space<vmem>>
        %dma_start3A_144 = arith.constant 0 : i32
        %dma_start3A_145 = arith.constant 0 : i32
        %dma_start3A_146 = tpu.memref_slice %arg18[%dma_start3A_144, %dma_start3A_145] : memref<10112x32xf32, #tpu.memory_space<vmem_shared>> -> memref<10112x32xf32, #tpu.memory_space<vmem_shared>>
        tpu.enqueue_indirect_dma source(%arg10 : memref<128x32xf32, #tpu.memory_space<vmem>>) target(%dma_start3A_146 : memref<10112x32xf32, #tpu.memory_space<vmem_shared>>) offsets(%dma_start3A_143 : memref<128xi32, #tpu.memory_space<vmem>>) semaphore(%run_scoped3A : memref<!tpu.dma_semaphore, #tpu.memory_space<semaphore_mem>>) {add = true}
        %dma_wait3A_147 = arith.constant 0 : i32
        %dma_wait3A_148 = tpu.memref_slice %arg8[%add3A_92, %dma_wait3A_147] : memref<160x128xi32, #tpu.memory_space<vmem>> -> memref<1x128xi32, #tpu.memory_space<vmem>>
        %dma_wait3A_149 = tpu.memref_squeeze %dma_wait3A_148 : memref<1x128xi32, #tpu.memory_space<vmem>> -> memref<128xi32, #tpu.memory_space<vmem>>
        %dma_wait3A_150 = arith.constant 0 : i32
        %dma_wait3A_151 = arith.constant 0 : i32
        %dma_wait3A_152 = tpu.memref_slice %arg18[%dma_wait3A_150, %dma_wait3A_151] : memref<10112x32xf32, #tpu.memory_space<vmem_shared>> -> memref<10112x32xf32, #tpu.memory_space<vmem_shared>>
        tpu.wait_indirect_dma semaphore(%run_scoped3A : memref<!tpu.dma_semaphore, #tpu.memory_space<semaphore_mem>>) src(%arg10 : memref<128x32xf32, #tpu.memory_space<vmem>>) dst(%dma_wait3A_152 : memref<10112x32xf32, #tpu.memory_space<vmem_shared>>)
        tpu.yield
      }) : () -> ()
      %dma_wait3A_93 = arith.constant 0 : i32
      %dma_wait3A_94 = tpu.memref_slice %arg7[%add3A_31, %dma_wait3A_93] : memref<160x128xi32, #tpu.memory_space<vmem>> -> memref<1x128xi32, #tpu.memory_space<vmem>>
      %dma_wait3A_95 = tpu.memref_squeeze %dma_wait3A_94 : memref<1x128xi32, #tpu.memory_space<vmem>> -> memref<128xi32, #tpu.memory_space<vmem>>
      %dma_wait3A_96 = arith.constant 0 : i32
      %dma_wait3A_97 = arith.constant 0 : i32
      %dma_wait3A_98 = tpu.memref_slice %arg17[%dma_wait3A_96, %dma_wait3A_97] : memref<10112x32xf32, #tpu.memory_space<vmem_shared>> -> memref<10112x32xf32, #tpu.memory_space<vmem_shared>>
      tpu.wait_indirect_dma semaphore(%arg21 : memref<!tpu.dma_semaphore, #tpu.memory_space<semaphore_mem>>) src(%dma_wait3A_98 : memref<10112x32xf32, #tpu.memory_space<vmem_shared>>) dst(%arg11 : memref<128x32xf32, #tpu.memory_space<vmem>>)
      %add3A_99 = arith.constant 2 : i32
      %add3A_100 = arith.addi %mul3A_15, %add3A_99 : i32
      "tpu.region"() ({
        %run_scoped3A = tpu.sem_alloc : memref<!tpu.dma_semaphore, #tpu.memory_space<semaphore_mem>>
        %dma_start3A_141 = arith.constant 0 : i32
        %dma_start3A_142 = tpu.memref_slice %arg8[%add3A_100, %dma_start3A_141] : memref<160x128xi32, #tpu.memory_space<vmem>> -> memref<1x128xi32, #tpu.memory_space<vmem>>
        %dma_start3A_143 = tpu.memref_squeeze %dma_start3A_142 : memref<1x128xi32, #tpu.memory_space<vmem>> -> memref<128xi32, #tpu.memory_space<vmem>>
        %dma_start3A_144 = arith.constant 0 : i32
        %dma_start3A_145 = arith.constant 0 : i32
        %dma_start3A_146 = tpu.memref_slice %arg18[%dma_start3A_144, %dma_start3A_145] : memref<10112x32xf32, #tpu.memory_space<vmem_shared>> -> memref<10112x32xf32, #tpu.memory_space<vmem_shared>>
        tpu.enqueue_indirect_dma source(%arg11 : memref<128x32xf32, #tpu.memory_space<vmem>>) target(%dma_start3A_146 : memref<10112x32xf32, #tpu.memory_space<vmem_shared>>) offsets(%dma_start3A_143 : memref<128xi32, #tpu.memory_space<vmem>>) semaphore(%run_scoped3A : memref<!tpu.dma_semaphore, #tpu.memory_space<semaphore_mem>>) {add = true}
        %dma_wait3A_147 = arith.constant 0 : i32
        %dma_wait3A_148 = tpu.memref_slice %arg8[%add3A_100, %dma_wait3A_147] : memref<160x128xi32, #tpu.memory_space<vmem>> -> memref<1x128xi32, #tpu.memory_space<vmem>>
        %dma_wait3A_149 = tpu.memref_squeeze %dma_wait3A_148 : memref<1x128xi32, #tpu.memory_space<vmem>> -> memref<128xi32, #tpu.memory_space<vmem>>
        %dma_wait3A_150 = arith.constant 0 : i32
        %dma_wait3A_151 = arith.constant 0 : i32
        %dma_wait3A_152 = tpu.memref_slice %arg18[%dma_wait3A_150, %dma_wait3A_151] : memref<10112x32xf32, #tpu.memory_space<vmem_shared>> -> memref<10112x32xf32, #tpu.memory_space<vmem_shared>>
        tpu.wait_indirect_dma semaphore(%run_scoped3A : memref<!tpu.dma_semaphore, #tpu.memory_space<semaphore_mem>>) src(%arg11 : memref<128x32xf32, #tpu.memory_space<vmem>>) dst(%dma_wait3A_152 : memref<10112x32xf32, #tpu.memory_space<vmem_shared>>)
        tpu.yield
      }) : () -> ()
      %dma_wait3A_101 = arith.constant 0 : i32
      %dma_wait3A_102 = tpu.memref_slice %arg7[%add3A_39, %dma_wait3A_101] : memref<160x128xi32, #tpu.memory_space<vmem>> -> memref<1x128xi32, #tpu.memory_space<vmem>>
      %dma_wait3A_103 = tpu.memref_squeeze %dma_wait3A_102 : memref<1x128xi32, #tpu.memory_space<vmem>> -> memref<128xi32, #tpu.memory_space<vmem>>
      %dma_wait3A_104 = arith.constant 0 : i32
      %dma_wait3A_105 = arith.constant 0 : i32
      %dma_wait3A_106 = tpu.memref_slice %arg17[%dma_wait3A_104, %dma_wait3A_105] : memref<10112x32xf32, #tpu.memory_space<vmem_shared>> -> memref<10112x32xf32, #tpu.memory_space<vmem_shared>>
      tpu.wait_indirect_dma semaphore(%arg22 : memref<!tpu.dma_semaphore, #tpu.memory_space<semaphore_mem>>) src(%dma_wait3A_106 : memref<10112x32xf32, #tpu.memory_space<vmem_shared>>) dst(%arg12 : memref<128x32xf32, #tpu.memory_space<vmem>>)
      %add3A_107 = arith.constant 3 : i32
      %add3A_108 = arith.addi %mul3A_15, %add3A_107 : i32
      "tpu.region"() ({
        %run_scoped3A = tpu.sem_alloc : memref<!tpu.dma_semaphore, #tpu.memory_space<semaphore_mem>>
        %dma_start3A_141 = arith.constant 0 : i32
        %dma_start3A_142 = tpu.memref_slice %arg8[%add3A_108, %dma_start3A_141] : memref<160x128xi32, #tpu.memory_space<vmem>> -> memref<1x128xi32, #tpu.memory_space<vmem>>
        %dma_start3A_143 = tpu.memref_squeeze %dma_start3A_142 : memref<1x128xi32, #tpu.memory_space<vmem>> -> memref<128xi32, #tpu.memory_space<vmem>>
        %dma_start3A_144 = arith.constant 0 : i32
        %dma_start3A_145 = arith.constant 0 : i32
        %dma_start3A_146 = tpu.memref_slice %arg18[%dma_start3A_144, %dma_start3A_145] : memref<10112x32xf32, #tpu.memory_space<vmem_shared>> -> memref<10112x32xf32, #tpu.memory_space<vmem_shared>>
        tpu.enqueue_indirect_dma source(%arg12 : memref<128x32xf32, #tpu.memory_space<vmem>>) target(%dma_start3A_146 : memref<10112x32xf32, #tpu.memory_space<vmem_shared>>) offsets(%dma_start3A_143 : memref<128xi32, #tpu.memory_space<vmem>>) semaphore(%run_scoped3A : memref<!tpu.dma_semaphore, #tpu.memory_space<semaphore_mem>>) {add = true}
        %dma_wait3A_147 = arith.constant 0 : i32
        %dma_wait3A_148 = tpu.memref_slice %arg8[%add3A_108, %dma_wait3A_147] : memref<160x128xi32, #tpu.memory_space<vmem>> -> memref<1x128xi32, #tpu.memory_space<vmem>>
        %dma_wait3A_149 = tpu.memref_squeeze %dma_wait3A_148 : memref<1x128xi32, #tpu.memory_space<vmem>> -> memref<128xi32, #tpu.memory_space<vmem>>
        %dma_wait3A_150 = arith.constant 0 : i32
        %dma_wait3A_151 = arith.constant 0 : i32
        %dma_wait3A_152 = tpu.memref_slice %arg18[%dma_wait3A_150, %dma_wait3A_151] : memref<10112x32xf32, #tpu.memory_space<vmem_shared>> -> memref<10112x32xf32, #tpu.memory_space<vmem_shared>>
        tpu.wait_indirect_dma semaphore(%run_scoped3A : memref<!tpu.dma_semaphore, #tpu.memory_space<semaphore_mem>>) src(%arg12 : memref<128x32xf32, #tpu.memory_space<vmem>>) dst(%dma_wait3A_152 : memref<10112x32xf32, #tpu.memory_space<vmem_shared>>)
        tpu.yield
      }) : () -> ()
      %dma_wait3A_109 = arith.constant 0 : i32
      %dma_wait3A_110 = tpu.memref_slice %arg7[%add3A_47, %dma_wait3A_109] : memref<160x128xi32, #tpu.memory_space<vmem>> -> memref<1x128xi32, #tpu.memory_space<vmem>>
      %dma_wait3A_111 = tpu.memref_squeeze %dma_wait3A_110 : memref<1x128xi32, #tpu.memory_space<vmem>> -> memref<128xi32, #tpu.memory_space<vmem>>
      %dma_wait3A_112 = arith.constant 0 : i32
      %dma_wait3A_113 = arith.constant 0 : i32
      %dma_wait3A_114 = tpu.memref_slice %arg17[%dma_wait3A_112, %dma_wait3A_113] : memref<10112x32xf32, #tpu.memory_space<vmem_shared>> -> memref<10112x32xf32, #tpu.memory_space<vmem_shared>>
      tpu.wait_indirect_dma semaphore(%arg23 : memref<!tpu.dma_semaphore, #tpu.memory_space<semaphore_mem>>) src(%dma_wait3A_114 : memref<10112x32xf32, #tpu.memory_space<vmem_shared>>) dst(%arg13 : memref<128x32xf32, #tpu.memory_space<vmem>>)
      %add3A_115 = arith.constant 4 : i32
      %add3A_116 = arith.addi %mul3A_15, %add3A_115 : i32
      "tpu.region"() ({
        %run_scoped3A = tpu.sem_alloc : memref<!tpu.dma_semaphore, #tpu.memory_space<semaphore_mem>>
        %dma_start3A_141 = arith.constant 0 : i32
        %dma_start3A_142 = tpu.memref_slice %arg8[%add3A_116, %dma_start3A_141] : memref<160x128xi32, #tpu.memory_space<vmem>> -> memref<1x128xi32, #tpu.memory_space<vmem>>
        %dma_start3A_143 = tpu.memref_squeeze %dma_start3A_142 : memref<1x128xi32, #tpu.memory_space<vmem>> -> memref<128xi32, #tpu.memory_space<vmem>>
        %dma_start3A_144 = arith.constant 0 : i32
        %dma_start3A_145 = arith.constant 0 : i32
        %dma_start3A_146 = tpu.memref_slice %arg18[%dma_start3A_144, %dma_start3A_145] : memref<10112x32xf32, #tpu.memory_space<vmem_shared>> -> memref<10112x32xf32, #tpu.memory_space<vmem_shared>>
        tpu.enqueue_indirect_dma source(%arg13 : memref<128x32xf32, #tpu.memory_space<vmem>>) target(%dma_start3A_146 : memref<10112x32xf32, #tpu.memory_space<vmem_shared>>) offsets(%dma_start3A_143 : memref<128xi32, #tpu.memory_space<vmem>>) semaphore(%run_scoped3A : memref<!tpu.dma_semaphore, #tpu.memory_space<semaphore_mem>>) {add = true}
        %dma_wait3A_147 = arith.constant 0 : i32
        %dma_wait3A_148 = tpu.memref_slice %arg8[%add3A_116, %dma_wait3A_147] : memref<160x128xi32, #tpu.memory_space<vmem>> -> memref<1x128xi32, #tpu.memory_space<vmem>>
        %dma_wait3A_149 = tpu.memref_squeeze %dma_wait3A_148 : memref<1x128xi32, #tpu.memory_space<vmem>> -> memref<128xi32, #tpu.memory_space<vmem>>
        %dma_wait3A_150 = arith.constant 0 : i32
        %dma_wait3A_151 = arith.constant 0 : i32
        %dma_wait3A_152 = tpu.memref_slice %arg18[%dma_wait3A_150, %dma_wait3A_151] : memref<10112x32xf32, #tpu.memory_space<vmem_shared>> -> memref<10112x32xf32, #tpu.memory_space<vmem_shared>>
        tpu.wait_indirect_dma semaphore(%run_scoped3A : memref<!tpu.dma_semaphore, #tpu.memory_space<semaphore_mem>>) src(%arg13 : memref<128x32xf32, #tpu.memory_space<vmem>>) dst(%dma_wait3A_152 : memref<10112x32xf32, #tpu.memory_space<vmem_shared>>)
        tpu.yield
      }) : () -> ()
      %dma_wait3A_117 = arith.constant 0 : i32
      %dma_wait3A_118 = tpu.memref_slice %arg7[%add3A_55, %dma_wait3A_117] : memref<160x128xi32, #tpu.memory_space<vmem>> -> memref<1x128xi32, #tpu.memory_space<vmem>>
      %dma_wait3A_119 = tpu.memref_squeeze %dma_wait3A_118 : memref<1x128xi32, #tpu.memory_space<vmem>> -> memref<128xi32, #tpu.memory_space<vmem>>
      %dma_wait3A_120 = arith.constant 0 : i32
      %dma_wait3A_121 = arith.constant 0 : i32
      %dma_wait3A_122 = tpu.memref_slice %arg17[%dma_wait3A_120, %dma_wait3A_121] : memref<10112x32xf32, #tpu.memory_space<vmem_shared>> -> memref<10112x32xf32, #tpu.memory_space<vmem_shared>>
      tpu.wait_indirect_dma semaphore(%arg24 : memref<!tpu.dma_semaphore, #tpu.memory_space<semaphore_mem>>) src(%dma_wait3A_122 : memref<10112x32xf32, #tpu.memory_space<vmem_shared>>) dst(%arg14 : memref<128x32xf32, #tpu.memory_space<vmem>>)
      %add3A_123 = arith.constant 5 : i32
      %add3A_124 = arith.addi %mul3A_15, %add3A_123 : i32
      "tpu.region"() ({
        %run_scoped3A = tpu.sem_alloc : memref<!tpu.dma_semaphore, #tpu.memory_space<semaphore_mem>>
        %dma_start3A_141 = arith.constant 0 : i32
        %dma_start3A_142 = tpu.memref_slice %arg8[%add3A_124, %dma_start3A_141] : memref<160x128xi32, #tpu.memory_space<vmem>> -> memref<1x128xi32, #tpu.memory_space<vmem>>
        %dma_start3A_143 = tpu.memref_squeeze %dma_start3A_142 : memref<1x128xi32, #tpu.memory_space<vmem>> -> memref<128xi32, #tpu.memory_space<vmem>>
        %dma_start3A_144 = arith.constant 0 : i32
        %dma_start3A_145 = arith.constant 0 : i32
        %dma_start3A_146 = tpu.memref_slice %arg18[%dma_start3A_144, %dma_start3A_145] : memref<10112x32xf32, #tpu.memory_space<vmem_shared>> -> memref<10112x32xf32, #tpu.memory_space<vmem_shared>>
        tpu.enqueue_indirect_dma source(%arg14 : memref<128x32xf32, #tpu.memory_space<vmem>>) target(%dma_start3A_146 : memref<10112x32xf32, #tpu.memory_space<vmem_shared>>) offsets(%dma_start3A_143 : memref<128xi32, #tpu.memory_space<vmem>>) semaphore(%run_scoped3A : memref<!tpu.dma_semaphore, #tpu.memory_space<semaphore_mem>>) {add = true}
        %dma_wait3A_147 = arith.constant 0 : i32
        %dma_wait3A_148 = tpu.memref_slice %arg8[%add3A_124, %dma_wait3A_147] : memref<160x128xi32, #tpu.memory_space<vmem>> -> memref<1x128xi32, #tpu.memory_space<vmem>>
        %dma_wait3A_149 = tpu.memref_squeeze %dma_wait3A_148 : memref<1x128xi32, #tpu.memory_space<vmem>> -> memref<128xi32, #tpu.memory_space<vmem>>
        %dma_wait3A_150 = arith.constant 0 : i32
        %dma_wait3A_151 = arith.constant 0 : i32
        %dma_wait3A_152 = tpu.memref_slice %arg18[%dma_wait3A_150, %dma_wait3A_151] : memref<10112x32xf32, #tpu.memory_space<vmem_shared>> -> memref<10112x32xf32, #tpu.memory_space<vmem_shared>>
        tpu.wait_indirect_dma semaphore(%run_scoped3A : memref<!tpu.dma_semaphore, #tpu.memory_space<semaphore_mem>>) src(%arg14 : memref<128x32xf32, #tpu.memory_space<vmem>>) dst(%dma_wait3A_152 : memref<10112x32xf32, #tpu.memory_space<vmem_shared>>)
        tpu.yield
      }) : () -> ()
      %dma_wait3A_125 = arith.constant 0 : i32
      %dma_wait3A_126 = tpu.memref_slice %arg7[%add3A_63, %dma_wait3A_125] : memref<160x128xi32, #tpu.memory_space<vmem>> -> memref<1x128xi32, #tpu.memory_space<vmem>>
      %dma_wait3A_127 = tpu.memref_squeeze %dma_wait3A_126 : memref<1x128xi32, #tpu.memory_space<vmem>> -> memref<128xi32, #tpu.memory_space<vmem>>
      %dma_wait3A_128 = arith.constant 0 : i32
      %dma_wait3A_129 = arith.constant 0 : i32
      %dma_wait3A_130 = tpu.memref_slice %arg17[%dma_wait3A_128, %dma_wait3A_129] : memref<10112x32xf32, #tpu.memory_space<vmem_shared>> -> memref<10112x32xf32, #tpu.memory_space<vmem_shared>>
      tpu.wait_indirect_dma semaphore(%arg25 : memref<!tpu.dma_semaphore, #tpu.memory_space<semaphore_mem>>) src(%dma_wait3A_130 : memref<10112x32xf32, #tpu.memory_space<vmem_shared>>) dst(%arg15 : memref<128x32xf32, #tpu.memory_space<vmem>>)
      %add3A_131 = arith.constant 6 : i32
      %add3A_132 = arith.addi %mul3A_15, %add3A_131 : i32
      "tpu.region"() ({
        %run_scoped3A = tpu.sem_alloc : memref<!tpu.dma_semaphore, #tpu.memory_space<semaphore_mem>>
        %dma_start3A_141 = arith.constant 0 : i32
        %dma_start3A_142 = tpu.memref_slice %arg8[%add3A_132, %dma_start3A_141] : memref<160x128xi32, #tpu.memory_space<vmem>> -> memref<1x128xi32, #tpu.memory_space<vmem>>
        %dma_start3A_143 = tpu.memref_squeeze %dma_start3A_142 : memref<1x128xi32, #tpu.memory_space<vmem>> -> memref<128xi32, #tpu.memory_space<vmem>>
        %dma_start3A_144 = arith.constant 0 : i32
        %dma_start3A_145 = arith.constant 0 : i32
        %dma_start3A_146 = tpu.memref_slice %arg18[%dma_start3A_144, %dma_start3A_145] : memref<10112x32xf32, #tpu.memory_space<vmem_shared>> -> memref<10112x32xf32, #tpu.memory_space<vmem_shared>>
        tpu.enqueue_indirect_dma source(%arg15 : memref<128x32xf32, #tpu.memory_space<vmem>>) target(%dma_start3A_146 : memref<10112x32xf32, #tpu.memory_space<vmem_shared>>) offsets(%dma_start3A_143 : memref<128xi32, #tpu.memory_space<vmem>>) semaphore(%run_scoped3A : memref<!tpu.dma_semaphore, #tpu.memory_space<semaphore_mem>>) {add = true}
        %dma_wait3A_147 = arith.constant 0 : i32
        %dma_wait3A_148 = tpu.memref_slice %arg8[%add3A_132, %dma_wait3A_147] : memref<160x128xi32, #tpu.memory_space<vmem>> -> memref<1x128xi32, #tpu.memory_space<vmem>>
        %dma_wait3A_149 = tpu.memref_squeeze %dma_wait3A_148 : memref<1x128xi32, #tpu.memory_space<vmem>> -> memref<128xi32, #tpu.memory_space<vmem>>
        %dma_wait3A_150 = arith.constant 0 : i32
        %dma_wait3A_151 = arith.constant 0 : i32
        %dma_wait3A_152 = tpu.memref_slice %arg18[%dma_wait3A_150, %dma_wait3A_151] : memref<10112x32xf32, #tpu.memory_space<vmem_shared>> -> memref<10112x32xf32, #tpu.memory_space<vmem_shared>>
        tpu.wait_indirect_dma semaphore(%run_scoped3A : memref<!tpu.dma_semaphore, #tpu.memory_space<semaphore_mem>>) src(%arg15 : memref<128x32xf32, #tpu.memory_space<vmem>>) dst(%dma_wait3A_152 : memref<10112x32xf32, #tpu.memory_space<vmem_shared>>)
        tpu.yield
      }) : () -> ()
      %dma_wait3A_133 = arith.constant 0 : i32
      %dma_wait3A_134 = tpu.memref_slice %arg7[%add3A_71, %dma_wait3A_133] : memref<160x128xi32, #tpu.memory_space<vmem>> -> memref<1x128xi32, #tpu.memory_space<vmem>>
      %dma_wait3A_135 = tpu.memref_squeeze %dma_wait3A_134 : memref<1x128xi32, #tpu.memory_space<vmem>> -> memref<128xi32, #tpu.memory_space<vmem>>
      %dma_wait3A_136 = arith.constant 0 : i32
      %dma_wait3A_137 = arith.constant 0 : i32
      %dma_wait3A_138 = tpu.memref_slice %arg17[%dma_wait3A_136, %dma_wait3A_137] : memref<10112x32xf32, #tpu.memory_space<vmem_shared>> -> memref<10112x32xf32, #tpu.memory_space<vmem_shared>>
      tpu.wait_indirect_dma semaphore(%arg26 : memref<!tpu.dma_semaphore, #tpu.memory_space<semaphore_mem>>) src(%dma_wait3A_138 : memref<10112x32xf32, #tpu.memory_space<vmem_shared>>) dst(%arg16 : memref<128x32xf32, #tpu.memory_space<vmem>>)
      %add3A_139 = arith.constant 7 : i32
      %add3A_140 = arith.addi %mul3A_15, %add3A_139 : i32
      "tpu.region"() ({
        %run_scoped3A = tpu.sem_alloc : memref<!tpu.dma_semaphore, #tpu.memory_space<semaphore_mem>>
        %dma_start3A_141 = arith.constant 0 : i32
        %dma_start3A_142 = tpu.memref_slice %arg8[%add3A_140, %dma_start3A_141] : memref<160x128xi32, #tpu.memory_space<vmem>> -> memref<1x128xi32, #tpu.memory_space<vmem>>
        %dma_start3A_143 = tpu.memref_squeeze %dma_start3A_142 : memref<1x128xi32, #tpu.memory_space<vmem>> -> memref<128xi32, #tpu.memory_space<vmem>>
        %dma_start3A_144 = arith.constant 0 : i32
        %dma_start3A_145 = arith.constant 0 : i32
        %dma_start3A_146 = tpu.memref_slice %arg18[%dma_start3A_144, %dma_start3A_145] : memref<10112x32xf32, #tpu.memory_space<vmem_shared>> -> memref<10112x32xf32, #tpu.memory_space<vmem_shared>>
        tpu.enqueue_indirect_dma source(%arg16 : memref<128x32xf32, #tpu.memory_space<vmem>>) target(%dma_start3A_146 : memref<10112x32xf32, #tpu.memory_space<vmem_shared>>) offsets(%dma_start3A_143 : memref<128xi32, #tpu.memory_space<vmem>>) semaphore(%run_scoped3A : memref<!tpu.dma_semaphore, #tpu.memory_space<semaphore_mem>>) {add = true}
        %dma_wait3A_147 = arith.constant 0 : i32
        %dma_wait3A_148 = tpu.memref_slice %arg8[%add3A_140, %dma_wait3A_147] : memref<160x128xi32, #tpu.memory_space<vmem>> -> memref<1x128xi32, #tpu.memory_space<vmem>>
        %dma_wait3A_149 = tpu.memref_squeeze %dma_wait3A_148 : memref<1x128xi32, #tpu.memory_space<vmem>> -> memref<128xi32, #tpu.memory_space<vmem>>
        %dma_wait3A_150 = arith.constant 0 : i32
        %dma_wait3A_151 = arith.constant 0 : i32
        %dma_wait3A_152 = tpu.memref_slice %arg18[%dma_wait3A_150, %dma_wait3A_151] : memref<10112x32xf32, #tpu.memory_space<vmem_shared>> -> memref<10112x32xf32, #tpu.memory_space<vmem_shared>>
        tpu.wait_indirect_dma semaphore(%run_scoped3A : memref<!tpu.dma_semaphore, #tpu.memory_space<semaphore_mem>>) src(%arg16 : memref<128x32xf32, #tpu.memory_space<vmem>>) dst(%dma_wait3A_152 : memref<10112x32xf32, #tpu.memory_space<vmem_shared>>)
        tpu.yield
      }) : () -> ()
    }
    %scan3A_11 = arith.constant 20 : i32
    %barrier3A_12 = arith.constant 0 : index
    tpu.barrier barrier_id(%barrier3A_12)
    "tpu.region"() ({
      %run_scoped3A = tpu.sem_alloc : memref<!tpu.dma_semaphore, #tpu.memory_space<semaphore_mem>>
      %dma_start3A = arith.constant 0 : i32
      %dma_start3A_13 = tpu.memref_slice %arg6[%arg0, %mul3A_0, %dma_start3A] : memref<2x10112x32xf32, #tpu.memory_space<hbm>> -> memref<1x632x32xf32, #tpu.memory_space<hbm>>
      %dma_start3A_14 = tpu.memref_squeeze %dma_start3A_13 : memref<1x632x32xf32, #tpu.memory_space<hbm>> -> memref<632x32xf32, #tpu.memory_space<hbm>>
      %dma_start3A_15 = arith.constant 0 : i32
      %dma_start3A_16 = tpu.memref_slice %arg18[%mul3A_0, %dma_start3A_15] : memref<10112x32xf32, #tpu.memory_space<vmem_shared>> -> memref<632x32xf32, #tpu.memory_space<vmem_shared>>
      tpu.enqueue_dma source(%dma_start3A_16 : memref<632x32xf32, #tpu.memory_space<vmem_shared>>) target(%dma_start3A_14 : memref<632x32xf32, #tpu.memory_space<hbm>>) target_semaphore(%run_scoped3A : memref<!tpu.dma_semaphore, #tpu.memory_space<semaphore_mem>>)
      %dma_wait3A = arith.constant 0 : i32
      %dma_wait3A_17 = tpu.memref_slice %arg6[%arg0, %mul3A_0, %dma_wait3A] : memref<2x10112x32xf32, #tpu.memory_space<hbm>> -> memref<1x632x32xf32, #tpu.memory_space<hbm>>
      %dma_wait3A_18 = tpu.memref_squeeze %dma_wait3A_17 : memref<1x632x32xf32, #tpu.memory_space<hbm>> -> memref<632x32xf32, #tpu.memory_space<hbm>>
      %dma_wait3A_19 = arith.constant 0 : i32
      %dma_wait3A_20 = tpu.memref_slice %arg18[%mul3A_0, %dma_wait3A_19] : memref<10112x32xf32, #tpu.memory_space<vmem_shared>> -> memref<632x32xf32, #tpu.memory_space<vmem_shared>>
      tpu.wait_dma2 semaphore(%run_scoped3A : memref<!tpu.dma_semaphore, #tpu.memory_space<semaphore_mem>>) src(%dma_wait3A_20 : memref<632x32xf32, #tpu.memory_space<vmem_shared>>) dst(%dma_wait3A_18 : memref<632x32xf32, #tpu.memory_space<hbm>>)
      tpu.yield
    }) : () -> ()
    return
  }
}

module attributes {stable_mosaic.version = 14 : i64} {
  func.func @_pre_body(%arg0: i32, %arg1: memref<1000x128xf32, #tpu.memory_space<vmem>>, %arg2: memref<128x64xf32, #tpu.memory_space<vmem>>, %arg3: memref<128x64xf32, #tpu.memory_space<vmem>>, %arg4: memref<2x1000x32xf32, #tpu.memory_space<vmem>>, %arg5: memref<1000x64xf32, #tpu.memory_space<vmem>>) attributes {dimension_semantics = [#tpu.dimension_semantics<arbitrary>], iteration_bounds = array<i64: 10>, scalar_prefetch = 0 : i64, scratch_operands = 0 : i64, tpu.core_type = #tpu.core_type<tc>, window_params = [{transform_indices = @transform_0, window_bounds = array<i64: 1000, 128>}, {pipeline_mode = #tpu.pipeline_mode<synchronous>, transform_indices = @transform_1, window_bounds = array<i64: 128, 64>}, {pipeline_mode = #tpu.pipeline_mode<synchronous>, transform_indices = @transform_2, window_bounds = array<i64: 128, 64>}, {transform_indices = @transform_3, window_bounds = array<i64: 2, 1000, 32>}, {transform_indices = @transform_4, window_bounds = array<i64: 1000, 64>}]} {
    %get3A = arith.constant 0 : index
    %get3A_0 = arith.constant 0 : index
    %get3A_1 = vector.load %arg1[%get3A, %get3A_0] : memref<1000x128xf32, #tpu.memory_space<vmem>>, vector<1000x128xf32>
    %get3A_2 = arith.constant 0 : index
    %get3A_3 = arith.constant 0 : index
    %get3A_4 = vector.load %arg2[%get3A_2, %get3A_3] : memref<128x64xf32, #tpu.memory_space<vmem>>, vector<128x64xf32>
    %dot_general3A = arith.constant dense<0.000000e+00> : vector<1000x64xf32>
    %dot_general3A_5 = tpu.matmul %get3A_1, %get3A_4, %dot_general3A {dimension_numbers = #tpu.dot_dimension_numbers<[1], [0], [0], [1], [0, 0, 1, 1], [], []>, transpose_lhs_hint = false} : vector<1000x128xf32>, vector<128x64xf32>, vector<1000x64xf32> -> vector<1000x64xf32>
    %slice3A = vector.extract_strided_slice %dot_general3A_5 {offsets = [0, 0], sizes = [1000, 32], strides = [1, 1]} : vector<1000x64xf32> to vector<1000x32xf32>
    %swap3A = arith.constant 0 : index
    %swap3A_6 = arith.constant 0 : index
    %swap3A_7 = arith.constant 0 : index
    %swap3A_8 = vector.load %arg4[%swap3A, %swap3A_6, %swap3A_7] : memref<2x1000x32xf32, #tpu.memory_space<vmem>>, vector<1x1000x32xf32>
    %swap3A_9 = vector.shape_cast %swap3A_8 : vector<1x1000x32xf32> to vector<1000x32xf32>
    %swap3A_10 = vector.shape_cast %slice3A : vector<1000x32xf32> to vector<1x1000x32xf32>
    tpu.vector_store %arg4[%swap3A, %swap3A_6, %swap3A_7], %swap3A_10 {strides = array<i32>} : memref<2x1000x32xf32, #tpu.memory_space<vmem>>, vector<1x1000x32xf32>,
    %slice3A_11 = vector.extract_strided_slice %dot_general3A_5 {offsets = [0, 32], sizes = [1000, 32], strides = [1, 1]} : vector<1000x64xf32> to vector<1000x32xf32>
    %swap3A_12 = arith.constant 1 : index
    %swap3A_13 = arith.constant 0 : index
    %swap3A_14 = arith.constant 0 : index
    %swap3A_15 = vector.load %arg4[%swap3A_12, %swap3A_13, %swap3A_14] : memref<2x1000x32xf32, #tpu.memory_space<vmem>>, vector<1x1000x32xf32>
    %swap3A_16 = vector.shape_cast %swap3A_15 : vector<1x1000x32xf32> to vector<1000x32xf32>
    %swap3A_17 = vector.shape_cast %slice3A_11 : vector<1000x32xf32> to vector<1x1000x32xf32>
    tpu.vector_store %arg4[%swap3A_12, %swap3A_13, %swap3A_14], %swap3A_17 {strides = array<i32>} : memref<2x1000x32xf32, #tpu.memory_space<vmem>>, vector<1x1000x32xf32>,
    %get3A_18 = arith.constant 0 : index
    %get3A_19 = arith.constant 0 : index
    %get3A_20 = vector.load %arg3[%get3A_18, %get3A_19] : memref<128x64xf32, #tpu.memory_space<vmem>>, vector<128x64xf32>
    %dot_general3A_21 = arith.constant dense<0.000000e+00> : vector<1000x64xf32>
    %dot_general3A_22 = tpu.matmul %get3A_1, %get3A_20, %dot_general3A_21 {dimension_numbers = #tpu.dot_dimension_numbers<[1], [0], [0], [1], [0, 0, 1, 1], [], []>, transpose_lhs_hint = false} : vector<1000x128xf32>, vector<128x64xf32>, vector<1000x64xf32> -> vector<1000x64xf32>
    %swap3A_23 = arith.constant 0 : index
    %swap3A_24 = arith.constant 0 : index
    %swap3A_25 = vector.load %arg5[%swap3A_23, %swap3A_24] : memref<1000x64xf32, #tpu.memory_space<vmem>>, vector<1000x64xf32>
    tpu.vector_store %arg5[%swap3A_23, %swap3A_24], %dot_general3A_22 {strides = array<i32>} : memref<1000x64xf32, #tpu.memory_space<vmem>>, vector<1000x64xf32>,
    return
  }
  func.func @transform_0(%arg0: i32) -> (i32, i32) {
    %c0_i32 = arith.constant 0 : i32
    %c0_i32_0 = arith.constant 0 : i32
    return %arg0, %c0_i32 : i32, i32
  }
  func.func @transform_1(%arg0: i32) -> (i32, i32) {
    %c0_i32 = arith.constant 0 : i32
    %c0_i32_0 = arith.constant 0 : i32
    %c0_i32_1 = arith.constant 0 : i32
    return %c0_i32, %c0_i32_0 : i32, i32
  }
  func.func @transform_2(%arg0: i32) -> (i32, i32) {
    %c0_i32 = arith.constant 0 : i32
    %c0_i32_0 = arith.constant 0 : i32
    %c0_i32_1 = arith.constant 0 : i32
    return %c0_i32, %c0_i32_0 : i32, i32
  }
  func.func @transform_3(%arg0: i32) -> (i32, i32, i32) {
    %c0_i32 = arith.constant 0 : i32
    %c0_i32_0 = arith.constant 0 : i32
    %c0_i32_1 = arith.constant 0 : i32
    return %c0_i32, %arg0, %c0_i32_0 : i32, i32, i32
  }
  func.func @transform_4(%arg0: i32) -> (i32, i32) {
    %c0_i32 = arith.constant 0 : i32
    %c0_i32_0 = arith.constant 0 : i32
    return %arg0, %c0_i32 : i32, i32
  }
}

module attributes {stable_mosaic.version = 14 : i64} {
  func.func @_mid_body(%arg0: i32, %arg1: memref<1x1000x32xf32, #tpu.memory_space<vmem>>, %arg2: memref<1x1000x32xf32, #tpu.memory_space<vmem>>, %arg3: memref<1000x16xf32, #tpu.memory_space<vmem>>, %arg4: memref<1000x16xf32, #tpu.memory_space<vmem>>, %arg5: memref<1000x64xf32, #tpu.memory_space<vmem>>, %arg6: memref<1x64xf32, #tpu.memory_space<vmem>>, %arg7: memref<2x1000x32xf32, #tpu.memory_space<vmem>>) attributes {dimension_semantics = [#tpu.dimension_semantics<arbitrary>], iteration_bounds = array<i64: 10>, scalar_prefetch = 0 : i64, scratch_operands = 0 : i64, tpu.core_type = #tpu.core_type<tc>, window_params = [{transform_indices = @transform_0, window_bounds = array<i64: 1, 1000, 32>}, {transform_indices = @transform_1, window_bounds = array<i64: 1, 1000, 32>}, {transform_indices = @transform_2, window_bounds = array<i64: 1000, 16>}, {transform_indices = @transform_3, window_bounds = array<i64: 1000, 16>}, {transform_indices = @transform_4, window_bounds = array<i64: 1000, 64>}, {pipeline_mode = #tpu.pipeline_mode<synchronous>, transform_indices = @transform_5, window_bounds = array<i64: 1, 64>}, {transform_indices = @transform_6, window_bounds = array<i64: 2, 1000, 32>}]} {
    %get3A = arith.constant 0 : index
    %get3A_0 = arith.constant 0 : index
    %get3A_1 = vector.load %arg3[%get3A, %get3A_0] : memref<1000x16xf32, #tpu.memory_space<vmem>>, vector<1000x16xf32>
    %slice3A = vector.extract_strided_slice %get3A_1 {offsets = [0, 0], sizes = [1000, 1], strides = [1, 1]} : vector<1000x16xf32> to vector<1000x1xf32>
    %get3A_2 = arith.constant 0 : index
    %get3A_3 = arith.constant 0 : index
    %get3A_4 = vector.load %arg4[%get3A_2, %get3A_3] : memref<1000x16xf32, #tpu.memory_space<vmem>>, vector<1000x16xf32>
    %slice3A_5 = vector.extract_strided_slice %get3A_4 {offsets = [0, 0], sizes = [1000, 1], strides = [1, 1]} : vector<1000x16xf32> to vector<1000x1xf32>
    %add3A = arith.addf %slice3A, %slice3A_5 : vector<1000x1xf32>
    %max3A = arith.constant 1.000000e+00 : f32
    %max3A_6 = vector.broadcast %max3A : f32 to vector<1000x1xf32>
    %max3A_7 = arith.maximumf %add3A, %max3A_6 : vector<1000x1xf32>
    %get3A_8 = arith.constant 0 : index
    %get3A_9 = arith.constant 0 : index
    %get3A_10 = arith.constant 0 : index
    %get3A_11 = vector.load %arg1[%get3A_8, %get3A_9, %get3A_10] : memref<1x1000x32xf32, #tpu.memory_space<vmem>>, vector<1x1000x32xf32>
    %get3A_12 = vector.shape_cast %get3A_11 : vector<1x1000x32xf32> to vector<1000x32xf32>
    %get3A_13 = arith.constant 0 : index
    %get3A_14 = arith.constant 0 : index
    %get3A_15 = arith.constant 0 : index
    %get3A_16 = vector.load %arg2[%get3A_13, %get3A_14, %get3A_15] : memref<1x1000x32xf32, #tpu.memory_space<vmem>>, vector<1x1000x32xf32>
    %get3A_17 = vector.shape_cast %get3A_16 : vector<1x1000x32xf32> to vector<1000x32xf32>
    %concatenate3A = tpu.concatenate %get3A_12, %get3A_17 in 1 : vector<1000x32xf32>, vector<1000x32xf32> -> vector<1000x64xf32>
    %div3A = vector.broadcast %max3A_7 : vector<1000x1xf32> to vector<1000x64xf32>
    %div3A_18 = arith.divf %concatenate3A, %div3A : vector<1000x64xf32>
    %get3A_19 = arith.constant 0 : index
    %get3A_20 = arith.constant 0 : index
    %get3A_21 = vector.load %arg6[%get3A_19, %get3A_20] : memref<1x64xf32, #tpu.memory_space<vmem>>, vector<1x64xf32>
    %add3A_22 = vector.broadcast %get3A_21 : vector<1x64xf32> to vector<1000x64xf32>
    %add3A_23 = arith.addf %div3A_18, %add3A_22 : vector<1000x64xf32>
    %get3A_24 = arith.constant 0 : index
    %get3A_25 = arith.constant 0 : index
    %get3A_26 = vector.load %arg5[%get3A_24, %get3A_25] : memref<1000x64xf32, #tpu.memory_space<vmem>>, vector<1000x64xf32>
    %add3A_27 = arith.addf %add3A_23, %get3A_26 : vector<1000x64xf32>
    %max3A_28 = arith.constant 0.000000e+00 : f32
    %max3A_29 = vector.broadcast %max3A_28 : f32 to vector<1000x64xf32>
    %max3A_30 = arith.maximumf %add3A_27, %max3A_29 : vector<1000x64xf32>
    %slice3A_31 = vector.extract_strided_slice %max3A_30 {offsets = [0, 0], sizes = [1000, 32], strides = [1, 1]} : vector<1000x64xf32> to vector<1000x32xf32>
    %swap3A = arith.constant 0 : index
    %swap3A_32 = arith.constant 0 : index
    %swap3A_33 = arith.constant 0 : index
    %swap3A_34 = vector.load %arg7[%swap3A, %swap3A_32, %swap3A_33] : memref<2x1000x32xf32, #tpu.memory_space<vmem>>, vector<1x1000x32xf32>
    %swap3A_35 = vector.shape_cast %swap3A_34 : vector<1x1000x32xf32> to vector<1000x32xf32>
    %swap3A_36 = vector.shape_cast %slice3A_31 : vector<1000x32xf32> to vector<1x1000x32xf32>
    tpu.vector_store %arg7[%swap3A, %swap3A_32, %swap3A_33], %swap3A_36 {strides = array<i32>} : memref<2x1000x32xf32, #tpu.memory_space<vmem>>, vector<1x1000x32xf32>,
    %slice3A_37 = vector.extract_strided_slice %max3A_30 {offsets = [0, 32], sizes = [1000, 32], strides = [1, 1]} : vector<1000x64xf32> to vector<1000x32xf32>
    %swap3A_38 = arith.constant 1 : index
    %swap3A_39 = arith.constant 0 : index
    %swap3A_40 = arith.constant 0 : index
    %swap3A_41 = vector.load %arg7[%swap3A_38, %swap3A_39, %swap3A_40] : memref<2x1000x32xf32, #tpu.memory_space<vmem>>, vector<1x1000x32xf32>
    %swap3A_42 = vector.shape_cast %swap3A_41 : vector<1x1000x32xf32> to vector<1000x32xf32>
    %swap3A_43 = vector.shape_cast %slice3A_37 : vector<1000x32xf32> to vector<1x1000x32xf32>
    tpu.vector_store %arg7[%swap3A_38, %swap3A_39, %swap3A_40], %swap3A_43 {strides = array<i32>} : memref<2x1000x32xf32, #tpu.memory_space<vmem>>, vector<1x1000x32xf32>,
    return
  }
  func.func @transform_0(%arg0: i32) -> (i32, i32, i32) {
    %c0_i32 = arith.constant 0 : i32
    %c0_i32_0 = arith.constant 0 : i32
    %c0_i32_1 = arith.constant 0 : i32
    return %c0_i32, %arg0, %c0_i32_0 : i32, i32, i32
  }
  func.func @transform_1(%arg0: i32) -> (i32, i32, i32) {
    %c1_i32 = arith.constant 1 : i32
    %c0_i32 = arith.constant 0 : i32
    %c0_i32_0 = arith.constant 0 : i32
    return %c1_i32, %arg0, %c0_i32 : i32, i32, i32
  }
  func.func @transform_2(%arg0: i32) -> (i32, i32) {
    %c0_i32 = arith.constant 0 : i32
    %c0_i32_0 = arith.constant 0 : i32
    return %arg0, %c0_i32 : i32, i32
  }
  func.func @transform_3(%arg0: i32) -> (i32, i32) {
    %c0_i32 = arith.constant 0 : i32
    %c0_i32_0 = arith.constant 0 : i32
    return %arg0, %c0_i32 : i32, i32
  }
  func.func @transform_4(%arg0: i32) -> (i32, i32) {
    %c0_i32 = arith.constant 0 : i32
    %c0_i32_0 = arith.constant 0 : i32
    return %arg0, %c0_i32 : i32, i32
  }
  func.func @transform_5(%arg0: i32) -> (i32, i32) {
    %c0_i32 = arith.constant 0 : i32
    %c0_i32_0 = arith.constant 0 : i32
    %c0_i32_1 = arith.constant 0 : i32
    return %c0_i32, %c0_i32_0 : i32, i32
  }
  func.func @transform_6(%arg0: i32) -> (i32, i32, i32) {
    %c0_i32 = arith.constant 0 : i32
    %c0_i32_0 = arith.constant 0 : i32
    %c0_i32_1 = arith.constant 0 : i32
    return %c0_i32, %arg0, %c0_i32_0 : i32, i32, i32
  }
}

module attributes {stable_mosaic.version = 14 : i64} {
  func.func @_post_body(%arg0: i32, %arg1: memref<1x1000x32xf32, #tpu.memory_space<vmem>>, %arg2: memref<1x1000x32xf32, #tpu.memory_space<vmem>>, %arg3: memref<1000x16xf32, #tpu.memory_space<vmem>>, %arg4: memref<1000x16xf32, #tpu.memory_space<vmem>>, %arg5: memref<1x1000x32xf32, #tpu.memory_space<vmem>>, %arg6: memref<1x1000x32xf32, #tpu.memory_space<vmem>>, %arg7: memref<1000x1xi32, #tpu.memory_space<vmem>>, %arg8: memref<64x128xf32, #tpu.memory_space<vmem>>, %arg9: memref<64x128xf32, #tpu.memory_space<vmem>>, %arg10: memref<1x128xf32, #tpu.memory_space<vmem>>, %arg11: memref<128x10xf32, #tpu.memory_space<vmem>>, %arg12: memref<1x10xf32, #tpu.memory_space<vmem>>, %arg13: memref<64x10xf32, #tpu.memory_space<vmem>>, %arg14: memref<64x64xf32, #tpu.memory_space<vmem>>, %arg15: memref<64x64xf32, #tpu.memory_space<vmem>>, %arg16: memref<64x128xf32, #tpu.memory_space<vmem>>) attributes {dimension_semantics = [#tpu.dimension_semantics<arbitrary>], iteration_bounds = array<i64: 10>, scalar_prefetch = 0 : i64, scratch_operands = 3 : i64, tpu.core_type = #tpu.core_type<tc>, window_params = [{transform_indices = @transform_0, window_bounds = array<i64: 1, 1000, 32>}, {transform_indices = @transform_1, window_bounds = array<i64: 1, 1000, 32>}, {transform_indices = @transform_2, window_bounds = array<i64: 1000, 16>}, {transform_indices = @transform_3, window_bounds = array<i64: 1000, 16>}, {transform_indices = @transform_4, window_bounds = array<i64: 1, 1000, 32>}, {transform_indices = @transform_5, window_bounds = array<i64: 1, 1000, 32>}, {transform_indices = @transform_6, window_bounds = array<i64: 1000, 1>}, {pipeline_mode = #tpu.pipeline_mode<synchronous>, transform_indices = @transform_7, window_bounds = array<i64: 64, 128>}, {pipeline_mode = #tpu.pipeline_mode<synchronous>, transform_indices = @transform_8, window_bounds = array<i64: 64, 128>}, {pipeline_mode = #tpu.pipeline_mode<synchronous>, transform_indices = @transform_9, window_bounds = array<i64: 1, 128>}, {pipeline_mode = #tpu.pipeline_mode<synchronous>, transform_indices = @transform_10, window_bounds = array<i64: 128, 10>}, {pipeline_mode = #tpu.pipeline_mode<synchronous>, transform_indices = @transform_11, window_bounds = array<i64: 1, 10>}, {pipeline_mode = #tpu.pipeline_mode<synchronous>, transform_indices = @transform_12, window_bounds = array<i64: 64, 10>}]} {
    %eq3A = arith.constant 0 : i32
    %eq3A_0 = arith.cmpi eq, %arg0, %eq3A : i32
    %convert_element_type3A = arith.extui %eq3A_0 : i1 to i32
    %cond3A = arith.constant 0 : i32
    %cond3A_1 = arith.cmpi ne, %convert_element_type3A, %cond3A : i32
    scf.if %cond3A_1 {
      %broadcast_in_dim3A_71 = arith.constant 0.000000e+00 : f32
      %broadcast_in_dim3A_72 = vector.broadcast %broadcast_in_dim3A_71 : f32 to vector<64x64xf32>
      %swap3A_73 = arith.constant 0 : index
      %swap3A_74 = arith.constant 0 : index
      %swap3A_75 = vector.load %arg14[%swap3A_73, %swap3A_74] : memref<64x64xf32, #tpu.memory_space<vmem>>, vector<64x64xf32>
      tpu.vector_store %arg14[%swap3A_73, %swap3A_74], %broadcast_in_dim3A_72 {strides = array<i32>} : memref<64x64xf32, #tpu.memory_space<vmem>>, vector<64x64xf32>,
      %broadcast_in_dim3A_76 = arith.constant 0.000000e+00 : f32
      %broadcast_in_dim3A_77 = vector.broadcast %broadcast_in_dim3A_76 : f32 to vector<64x64xf32>
      %swap3A_78 = arith.constant 0 : index
      %swap3A_79 = arith.constant 0 : index
      %swap3A_80 = vector.load %arg15[%swap3A_78, %swap3A_79] : memref<64x64xf32, #tpu.memory_space<vmem>>, vector<64x64xf32>
      tpu.vector_store %arg15[%swap3A_78, %swap3A_79], %broadcast_in_dim3A_77 {strides = array<i32>} : memref<64x64xf32, #tpu.memory_space<vmem>>, vector<64x64xf32>,
      %broadcast_in_dim3A_81 = arith.constant 0.000000e+00 : f32
      %broadcast_in_dim3A_82 = vector.broadcast %broadcast_in_dim3A_81 : f32 to vector<64x128xf32>
      %swap3A_83 = arith.constant 0 : index
      %swap3A_84 = arith.constant 0 : index
      %swap3A_85 = vector.load %arg16[%swap3A_83, %swap3A_84] : memref<64x128xf32, #tpu.memory_space<vmem>>, vector<64x128xf32>
      tpu.vector_store %arg16[%swap3A_83, %swap3A_84], %broadcast_in_dim3A_82 {strides = array<i32>} : memref<64x128xf32, #tpu.memory_space<vmem>>, vector<64x128xf32>,
    } else {
    }
    %get3A = arith.constant 0 : index
    %get3A_2 = arith.constant 0 : index
    %get3A_3 = vector.load %arg3[%get3A, %get3A_2] : memref<1000x16xf32, #tpu.memory_space<vmem>>, vector<1000x16xf32>
    %slice3A = vector.extract_strided_slice %get3A_3 {offsets = [0, 0], sizes = [1000, 1], strides = [1, 1]} : vector<1000x16xf32> to vector<1000x1xf32>
    %get3A_4 = arith.constant 0 : index
    %get3A_5 = arith.constant 0 : index
    %get3A_6 = vector.load %arg4[%get3A_4, %get3A_5] : memref<1000x16xf32, #tpu.memory_space<vmem>>, vector<1000x16xf32>
    %slice3A_7 = vector.extract_strided_slice %get3A_6 {offsets = [0, 0], sizes = [1000, 1], strides = [1, 1]} : vector<1000x16xf32> to vector<1000x1xf32>
    %add3A = arith.addf %slice3A, %slice3A_7 : vector<1000x1xf32>
    %max3A = arith.constant 1.000000e+00 : f32
    %max3A_8 = vector.broadcast %max3A : f32 to vector<1000x1xf32>
    %max3A_9 = arith.maximumf %add3A, %max3A_8 : vector<1000x1xf32>
    %get3A_10 = arith.constant 0 : index
    %get3A_11 = arith.constant 0 : index
    %get3A_12 = arith.constant 0 : index
    %get3A_13 = vector.load %arg1[%get3A_10, %get3A_11, %get3A_12] : memref<1x1000x32xf32, #tpu.memory_space<vmem>>, vector<1x1000x32xf32>
    %get3A_14 = vector.shape_cast %get3A_13 : vector<1x1000x32xf32> to vector<1000x32xf32>
    %get3A_15 = arith.constant 0 : index
    %get3A_16 = arith.constant 0 : index
    %get3A_17 = arith.constant 0 : index
    %get3A_18 = vector.load %arg2[%get3A_15, %get3A_16, %get3A_17] : memref<1x1000x32xf32, #tpu.memory_space<vmem>>, vector<1x1000x32xf32>
    %get3A_19 = vector.shape_cast %get3A_18 : vector<1x1000x32xf32> to vector<1000x32xf32>
    %concatenate3A = tpu.concatenate %get3A_14, %get3A_19 in 1 : vector<1000x32xf32>, vector<1000x32xf32> -> vector<1000x64xf32>
    %div3A = vector.broadcast %max3A_9 : vector<1000x1xf32> to vector<1000x64xf32>
    %div3A_20 = arith.divf %concatenate3A, %div3A : vector<1000x64xf32>
    %get3A_21 = arith.constant 0 : index
    %get3A_22 = arith.constant 0 : index
    %get3A_23 = arith.constant 0 : index
    %get3A_24 = vector.load %arg5[%get3A_21, %get3A_22, %get3A_23] : memref<1x1000x32xf32, #tpu.memory_space<vmem>>, vector<1x1000x32xf32>
    %get3A_25 = vector.shape_cast %get3A_24 : vector<1x1000x32xf32> to vector<1000x32xf32>
    %get3A_26 = arith.constant 0 : index
    %get3A_27 = arith.constant 0 : index
    %get3A_28 = arith.constant 0 : index
    %get3A_29 = vector.load %arg6[%get3A_26, %get3A_27, %get3A_28] : memref<1x1000x32xf32, #tpu.memory_space<vmem>>, vector<1x1000x32xf32>
    %get3A_30 = vector.shape_cast %get3A_29 : vector<1x1000x32xf32> to vector<1000x32xf32>
    %concatenate3A_31 = tpu.concatenate %get3A_25, %get3A_30 in 1 : vector<1000x32xf32>, vector<1000x32xf32> -> vector<1000x64xf32>
    %get3A_32 = arith.constant 0 : index
    %get3A_33 = arith.constant 0 : index
    %get3A_34 = vector.load %arg7[%get3A_32, %get3A_33] : memref<1000x1xi32, #tpu.memory_space<vmem>>, vector<1000x1xi32>
    %iota3A = tpu.iota {dimensions = array<i32: 1>} : vector<1x64xi32>
    %eq3A_35 = vector.broadcast %get3A_34 : vector<1000x1xi32> to vector<1000x64xi32>
    %eq3A_36 = vector.broadcast %iota3A : vector<1x64xi32> to vector<1000x64xi32>
    %eq3A_37 = arith.cmpi eq, %eq3A_35, %eq3A_36 : vector<1000x64xi32>
    %convert_element_type3A_38 = arith.extui %eq3A_37 : vector<1000x64xi1> to vector<1000x64xi32>
    %convert_element_type3A_39 = arith.sitofp %convert_element_type3A_38 : vector<1000x64xi32> to vector<1000x64xf32>
    %get3A_40 = arith.constant 0 : index
    %get3A_41 = arith.constant 0 : index
    %get3A_42 = vector.load %arg14[%get3A_40, %get3A_41] : memref<64x64xf32, #tpu.memory_space<vmem>>, vector<64x64xf32>
    %dot_general3A = arith.constant dense<0.000000e+00> : vector<64x64xf32>
    %dot_general3A_43 = tpu.matmul %convert_element_type3A_39, %div3A_20, %dot_general3A {dimension_numbers = #tpu.dot_dimension_numbers<[0], [0], [1], [1], [0, 1, 1, 1], [], []>, transpose_lhs_hint = false} : vector<1000x64xf32>, vector<1000x64xf32>, vector<64x64xf32> -> vector<64x64xf32>
    %add3A_44 = arith.addf %get3A_42, %dot_general3A_43 : vector<64x64xf32>
    %swap3A = arith.constant 0 : index
    %swap3A_45 = arith.constant 0 : index
    %swap3A_46 = vector.load %arg14[%swap3A, %swap3A_45] : memref<64x64xf32, #tpu.memory_space<vmem>>, vector<64x64xf32>
    tpu.vector_store %arg14[%swap3A, %swap3A_45], %add3A_44 {strides = array<i32>} : memref<64x64xf32, #tpu.memory_space<vmem>>, vector<64x64xf32>,
    %get3A_47 = arith.constant 0 : index
    %get3A_48 = arith.constant 0 : index
    %get3A_49 = vector.load %arg15[%get3A_47, %get3A_48] : memref<64x64xf32, #tpu.memory_space<vmem>>, vector<64x64xf32>
    %dot_general3A_50 = arith.constant dense<0.000000e+00> : vector<64x64xf32>
    %dot_general3A_51 = tpu.matmul %convert_element_type3A_39, %concatenate3A_31, %dot_general3A_50 {dimension_numbers = #tpu.dot_dimension_numbers<[0], [0], [1], [1], [0, 1, 1, 1], [], []>, transpose_lhs_hint = false} : vector<1000x64xf32>, vector<1000x64xf32>, vector<64x64xf32> -> vector<64x64xf32>
    %add3A_52 = arith.addf %get3A_49, %dot_general3A_51 : vector<64x64xf32>
    %swap3A_53 = arith.constant 0 : index
    %swap3A_54 = arith.constant 0 : index
    %swap3A_55 = vector.load %arg15[%swap3A_53, %swap3A_54] : memref<64x64xf32, #tpu.memory_space<vmem>>, vector<64x64xf32>
    tpu.vector_store %arg15[%swap3A_53, %swap3A_54], %add3A_52 {strides = array<i32>} : memref<64x64xf32, #tpu.memory_space<vmem>>, vector<64x64xf32>,
    %get3A_56 = arith.constant 0 : index
    %get3A_57 = arith.constant 0 : index
    %get3A_58 = vector.load %arg16[%get3A_56, %get3A_57] : memref<64x128xf32, #tpu.memory_space<vmem>>, vector<64x128xf32>
    %broadcast_in_dim3A = arith.constant 1.000000e+00 : f32
    %broadcast_in_dim3A_59 = vector.broadcast %broadcast_in_dim3A : f32 to vector<1000x128xf32>
    %dot_general3A_60 = arith.constant dense<0.000000e+00> : vector<64x128xf32>
    %dot_general3A_61 = tpu.matmul %convert_element_type3A_39, %broadcast_in_dim3A_59, %dot_general3A_60 {dimension_numbers = #tpu.dot_dimension_numbers<[0], [0], [1], [1], [0, 1, 1, 1], [], []>, transpose_lhs_hint = false} : vector<1000x64xf32>, vector<1000x128xf32>, vector<64x128xf32> -> vector<64x128xf32>
    %add3A_62 = arith.addf %get3A_58, %dot_general3A_61 : vector<64x128xf32>
    %swap3A_63 = arith.constant 0 : index
    %swap3A_64 = arith.constant 0 : index
    %swap3A_65 = vector.load %arg16[%swap3A_63, %swap3A_64] : memref<64x128xf32, #tpu.memory_space<vmem>>, vector<64x128xf32>
    tpu.vector_store %arg16[%swap3A_63, %swap3A_64], %add3A_62 {strides = array<i32>} : memref<64x128xf32, #tpu.memory_space<vmem>>, vector<64x128xf32>,
    %eq3A_66 = arith.constant 9 : i32
    %eq3A_67 = arith.cmpi eq, %arg0, %eq3A_66 : i32
    %convert_element_type3A_68 = arith.extui %eq3A_67 : i1 to i32
    %cond3A_69 = arith.constant 0 : i32
    %cond3A_70 = arith.cmpi ne, %convert_element_type3A_68, %cond3A_69 : i32
    scf.if %cond3A_70 {
      %get3A_71 = arith.constant 0 : index
      %get3A_72 = arith.constant 0 : index
      %get3A_73 = vector.load %arg16[%get3A_71, %get3A_72] : memref<64x128xf32, #tpu.memory_space<vmem>>, vector<64x128xf32>
      %slice3A_74 = vector.extract_strided_slice %get3A_73 {offsets = [0, 0], sizes = [64, 1], strides = [1, 1]} : vector<64x128xf32> to vector<64x1xf32>
      %get3A_75 = arith.constant 0 : index
      %get3A_76 = arith.constant 0 : index
      %get3A_77 = vector.load %arg14[%get3A_75, %get3A_76] : memref<64x64xf32, #tpu.memory_space<vmem>>, vector<64x64xf32>
      %get3A_78 = arith.constant 0 : index
      %get3A_79 = arith.constant 0 : index
      %get3A_80 = vector.load %arg8[%get3A_78, %get3A_79] : memref<64x128xf32, #tpu.memory_space<vmem>>, vector<64x128xf32>
      %dot_general3A_81 = arith.constant dense<0.000000e+00> : vector<64x128xf32>
      %dot_general3A_82 = tpu.matmul %get3A_77, %get3A_80, %dot_general3A_81 {dimension_numbers = #tpu.dot_dimension_numbers<[1], [0], [0], [1], [0, 0, 1, 1], [], []>, transpose_lhs_hint = false} : vector<64x64xf32>, vector<64x128xf32>, vector<64x128xf32> -> vector<64x128xf32>
      %get3A_83 = arith.constant 0 : index
      %get3A_84 = arith.constant 0 : index
      %get3A_85 = vector.load %arg15[%get3A_83, %get3A_84] : memref<64x64xf32, #tpu.memory_space<vmem>>, vector<64x64xf32>
      %get3A_86 = arith.constant 0 : index
      %get3A_87 = arith.constant 0 : index
      %get3A_88 = vector.load %arg9[%get3A_86, %get3A_87] : memref<64x128xf32, #tpu.memory_space<vmem>>, vector<64x128xf32>
      %dot_general3A_89 = arith.constant dense<0.000000e+00> : vector<64x128xf32>
      %dot_general3A_90 = tpu.matmul %get3A_85, %get3A_88, %dot_general3A_89 {dimension_numbers = #tpu.dot_dimension_numbers<[1], [0], [0], [1], [0, 0, 1, 1], [], []>, transpose_lhs_hint = false} : vector<64x64xf32>, vector<64x128xf32>, vector<64x128xf32> -> vector<64x128xf32>
      %add3A_91 = arith.addf %dot_general3A_82, %dot_general3A_90 : vector<64x128xf32>
      %get3A_92 = arith.constant 0 : index
      %get3A_93 = arith.constant 0 : index
      %get3A_94 = vector.load %arg10[%get3A_92, %get3A_93] : memref<1x128xf32, #tpu.memory_space<vmem>>, vector<1x128xf32>
      %mul3A = vector.broadcast %slice3A_74 : vector<64x1xf32> to vector<64x128xf32>
      %mul3A_95 = vector.broadcast %get3A_94 : vector<1x128xf32> to vector<64x128xf32>
      %mul3A_96 = arith.mulf %mul3A, %mul3A_95 : vector<64x128xf32>
      %add3A_97 = arith.addf %add3A_91, %mul3A_96 : vector<64x128xf32>
      %max3A_98 = arith.constant 1.000000e+00 : f32
      %max3A_99 = vector.broadcast %max3A_98 : f32 to vector<64x1xf32>
      %max3A_100 = arith.maximumf %slice3A_74, %max3A_99 : vector<64x1xf32>
      %div3A_101 = vector.broadcast %max3A_100 : vector<64x1xf32> to vector<64x128xf32>
      %div3A_102 = arith.divf %add3A_97, %div3A_101 : vector<64x128xf32>
      %get3A_103 = arith.constant 0 : index
      %get3A_104 = arith.constant 0 : index
      %get3A_105 = vector.load %arg11[%get3A_103, %get3A_104] : memref<128x10xf32, #tpu.memory_space<vmem>>, vector<128x10xf32>
      %dot_general3A_106 = arith.constant dense<0.000000e+00> : vector<64x10xf32>
      %dot_general3A_107 = tpu.matmul %div3A_102, %get3A_105, %dot_general3A_106 {dimension_numbers = #tpu.dot_dimension_numbers<[1], [0], [0], [1], [0, 0, 1, 1], [], []>, transpose_lhs_hint = false} : vector<64x128xf32>, vector<128x10xf32>, vector<64x10xf32> -> vector<64x10xf32>
      %get3A_108 = arith.constant 0 : index
      %get3A_109 = arith.constant 0 : index
      %get3A_110 = vector.load %arg12[%get3A_108, %get3A_109] : memref<1x10xf32, #tpu.memory_space<vmem>>, vector<1x10xf32>
      %add3A_111 = vector.broadcast %get3A_110 : vector<1x10xf32> to vector<64x10xf32>
      %add3A_112 = arith.addf %dot_general3A_107, %add3A_111 : vector<64x10xf32>
      %reduce_max3A = arith.constant dense<0xFF800000> : vector<64xf32>
      %reduce_max3A_113 = vector.multi_reduction <maximumf>, %add3A_112, %reduce_max3A [1] : vector<64x10xf32> to vector<64xf32>
      %broadcast_in_dim3A_114 = vector.shape_cast %reduce_max3A_113 : vector<64xf32> to vector<64x1xf32>
      %sub3A = vector.broadcast %broadcast_in_dim3A_114 : vector<64x1xf32> to vector<64x10xf32>
      %sub3A_115 = arith.subf %add3A_112, %sub3A : vector<64x10xf32>
      %exp3A = math.exp %sub3A_115 : vector<64x10xf32>
      %reduce_sum3A = arith.constant dense<0.000000e+00> : vector<64xf32>
      %reduce_sum3A_116 = vector.multi_reduction <add>, %exp3A, %reduce_sum3A [1] : vector<64x10xf32> to vector<64xf32>
      %broadcast_in_dim3A_117 = vector.shape_cast %reduce_sum3A_116 : vector<64xf32> to vector<64x1xf32>
      %log3A = math.log %broadcast_in_dim3A_117 : vector<64x1xf32>
      %sub3A_118 = vector.broadcast %log3A : vector<64x1xf32> to vector<64x10xf32>
      %sub3A_119 = arith.subf %sub3A_115, %sub3A_118 : vector<64x10xf32>
      %swap3A_120 = arith.constant 0 : index
      %swap3A_121 = arith.constant 0 : index
      %swap3A_122 = vector.load %arg13[%swap3A_120, %swap3A_121] : memref<64x10xf32, #tpu.memory_space<vmem>>, vector<64x10xf32>
      tpu.vector_store %arg13[%swap3A_120, %swap3A_121], %sub3A_119 {strides = array<i32>} : memref<64x10xf32, #tpu.memory_space<vmem>>, vector<64x10xf32>,
    } else {
    }
    return
  }
  func.func @transform_0(%arg0: i32) -> (i32, i32, i32) {
    %c0_i32 = arith.constant 0 : i32
    %c0_i32_0 = arith.constant 0 : i32
    %c0_i32_1 = arith.constant 0 : i32
    return %c0_i32, %arg0, %c0_i32_0 : i32, i32, i32
  }
  func.func @transform_1(%arg0: i32) -> (i32, i32, i32) {
    %c1_i32 = arith.constant 1 : i32
    %c0_i32 = arith.constant 0 : i32
    %c0_i32_0 = arith.constant 0 : i32
    return %c1_i32, %arg0, %c0_i32 : i32, i32, i32
  }
  func.func @transform_2(%arg0: i32) -> (i32, i32) {
    %c0_i32 = arith.constant 0 : i32
    %c0_i32_0 = arith.constant 0 : i32
    return %arg0, %c0_i32 : i32, i32
  }
  func.func @transform_3(%arg0: i32) -> (i32, i32) {
    %c0_i32 = arith.constant 0 : i32
    %c0_i32_0 = arith.constant 0 : i32
    return %arg0, %c0_i32 : i32, i32
  }
  func.func @transform_4(%arg0: i32) -> (i32, i32, i32) {
    %c0_i32 = arith.constant 0 : i32
    %c0_i32_0 = arith.constant 0 : i32
    %c0_i32_1 = arith.constant 0 : i32
    return %c0_i32, %arg0, %c0_i32_0 : i32, i32, i32
  }
  func.func @transform_5(%arg0: i32) -> (i32, i32, i32) {
    %c1_i32 = arith.constant 1 : i32
    %c0_i32 = arith.constant 0 : i32
    %c0_i32_0 = arith.constant 0 : i32
    return %c1_i32, %arg0, %c0_i32 : i32, i32, i32
  }
  func.func @transform_6(%arg0: i32) -> (i32, i32) {
    %c0_i32 = arith.constant 0 : i32
    %c0_i32_0 = arith.constant 0 : i32
    return %arg0, %c0_i32 : i32, i32
  }
  func.func @transform_7(%arg0: i32) -> (i32, i32) {
    %c0_i32 = arith.constant 0 : i32
    %c0_i32_0 = arith.constant 0 : i32
    %c0_i32_1 = arith.constant 0 : i32
    return %c0_i32, %c0_i32_0 : i32, i32
  }
  func.func @transform_8(%arg0: i32) -> (i32, i32) {
    %c0_i32 = arith.constant 0 : i32
    %c0_i32_0 = arith.constant 0 : i32
    %c0_i32_1 = arith.constant 0 : i32
    return %c0_i32, %c0_i32_0 : i32, i32
  }
  func.func @transform_9(%arg0: i32) -> (i32, i32) {
    %c0_i32 = arith.constant 0 : i32
    %c0_i32_0 = arith.constant 0 : i32
    %c0_i32_1 = arith.constant 0 : i32
    return %c0_i32, %c0_i32_0 : i32, i32
  }
  func.func @transform_10(%arg0: i32) -> (i32, i32) {
    %c0_i32 = arith.constant 0 : i32
    %c0_i32_0 = arith.constant 0 : i32
    %c0_i32_1 = arith.constant 0 : i32
    return %c0_i32, %c0_i32_0 : i32, i32
  }
  func.func @transform_11(%arg0: i32) -> (i32, i32) {
    %c0_i32 = arith.constant 0 : i32
    %c0_i32_0 = arith.constant 0 : i32
    %c0_i32_1 = arith.constant 0 : i32
    return %c0_i32, %c0_i32_0 : i32, i32
  }
  func.func @transform_12(%arg0: i32) -> (i32, i32) {
    %c0_i32 = arith.constant 0 : i32
    %c0_i32_0 = arith.constant 0 : i32
    %c0_i32_1 = arith.constant 0 : i32
    return %c0_i32, %c0_i32_0 : i32, i32
  }
}

</mosaic_0001>

<sc_bundles>
// kernel: kernel.11.cloned.1.call-start
scs
__scs_entry_jumppad:
0x0: {  	(pc) =	sbr.rel $0x88, $3  }
0x1: {  	(tag) =	ssettag $0x0;
	lr =	simm.s32 $0x1  }
0x2: {  	[smem:$0x3F96] =	sst lr;
	_ =	strace $0xD0000000  }
0x3: {  	_ = 	snop  }
0x4: {  	_ = 	snop  }
0x5: {  	_ = 	snop  }
0x6: {  	_ = 	snop  }
0x7: {  	_ = 	snop  }
__scs_overlays_trampoline_lowered:
0x8: {  	[smem:$0x3FA5] =	sst s0  }
0x9: {  	[smem:$0x3FA6] =	sst s1  }
0xa: {  	[smem:$0x3FA7] =	sst s2  }
0xb: {  	[smem:$0x3FA8] =	sst s3  }
0xc: {  	[smem:$0x3FA9] =	sst s4  }
0xd: {  	[smem:$0x3FAA] =	sst s5  }
0xe: {  	[smem:$0x3FAB] =	sst s6  }
0xf: {  	[smem:$0x3FAC] =	sst s7  }
0x10: {  	[smem:$0x3FAD] =	sst s8  }
0x11: {  	[smem:$0x3FAE] =	sst s9;
	s0 =	simm.s32 @!p0 $0x0  }
0x12: {  	s1 =	sld [smem:$0x3F94];
	s0 =	simm.s32 @p0 $0x1  }
0x13: {  	[smem:$0x3FAF] =	sst s0;
	s0 =	simm.s32 @!p1 $0x0  }
0x14: {  	s2 =	sld [smem:$0x3F93];
	s0 =	simm.s32 @p1 $0x1  }
0x15: {  	[smem:$0x3FB0] =	sst s0;
	s0 =	simm.s32 @!p2 $0x0  }
0x16: {  	s3 =	sld [smem:$0x3FDB];
	s0 =	simm.s32 @p2 $0x1  }
0x17: {  	s4 =	simm.s32 $0x1BF5;
	[smem:$0x3FB2] =	sst s0  }
0x18: {  	s0 =	sld [smem:$0x3F95];
	_ =	swait.ge [sflag:s4], $0x0  }
0x19: {  	s7 =	sld [smem:$0x3F96]  }
0x1a: {  	s8 =	sadd.s32 $0xFFFFE003, lr  }
0x1b: {  	s9 =	sadd.s32 $0xFFFFFEF7, lr;
	s5 =	simm.s32 $0xFFFFFFFF;
	p2 =	slt.u32 s8, $0xFFFFF086  }
0x1c: {  	p1 =	slt.u32 s9, $0xF7A;
	s5 =	simm.s32 @!p2 $0x0  }
0x1d: {  	s5 =	simm.s32 @p1 $0x1;
	p0 =	seq.s32 s7, s2  }
0x1e: {  	s7 =	smul.u32 @!p0 $0xF7A, s2;
	p2 =	seq.s32 @!p0 s5, $0x0  }
0x1f: {  	s9 =	smul.u32 $0xF7A, s1;
	s8 =	simm.s32 @!p0 $0x1BF5;
	p2 =	por !p2, p0  }
0x20: {  	[sflag:s8] =	ssyncset.s32 @!p0 $0xFFFFF086;
	s6 =	sadd.s32 @!p0 s3, s7;
	s7 =	simm.s32 @!p0 $0x108  }
0x21: {  	s3 =	sadd.s32 s3, s9;
	s6 =	sadd.s32 @!p0 $0x88, s6;
	s7 =	simm.s32 @p2 $0x1082  }
0x22: {  	[simem:s7], [sflag:s8] =	dma.local @!p0 [hbm:s6], $0xF7A  }
0x23: {  	s9 =	sor.u32 $0xD0000000, s2;
	s6 =	simm.s32 $0x108;
	_ =	swait.ge @!p0 [sflag:s8], $0x0  }
0x24: {  	s3 =	sadd.s32 $0x88, s3;
	s6 =	simm.s32 @!p1 $0x1082;
	[sflag:s4] =	ssyncset.s32 $0xFFFFF086  }
0x25: {  	[simem:s6], [sflag:s4] =	dma.local [hbm:s3], $0xF7A  }
0x26: {  	[smem:$0x3F96] =	sst s1;
	(tag) =	ssettag s2;
	_ =	strace s9  }
0x27: {  	s1 =	sld [smem:$0x3FA6]  }
0x28: {  	s2 =	sld [smem:$0x3FA7]  }
0x29: {  	s4 =	sld [smem:$0x3FA9]  }
0x2a: {  	p0 =	seq.s32 s5, $0x0;
	s5 =	sld [smem:$0x3FAA]  }
0x2b: {  	s6 =	sld [smem:$0x3FAB]  }
0x2c: {  	s7 =	sld [smem:$0x3FAC]  }
0x2d: {  	s3 =	simm.s32 $0x108;
	s8 =	sld [smem:$0x3FAD]  }
0x2e: {  	s3 =	simm.s32 @!p0 $0x1082;
	s9 =	sld [smem:$0x3FAE]  }
0x2f: {  	lr =	sadd.s32 s0, s3;
	s0 =	sld [smem:$0x3FA5]  }
0x30: {  	s3 =	sld [smem:$0x3FA8]  }
0x31: {  	[smem:$0x3FB1] =	sst s10  }
0x32: {  	s10 =	sld [smem:$0x3FAF];
	_ =	sdelay $0x3  }
0x33: {  	p0 =	seq.s32 s10, $0x1;
	s10 =	sld [smem:$0x3FB1];
	_ =	sdelay $0x3  }
0x34: {  	[smem:$0x3FB1] =	sst s10  }
0x35: {  	s10 =	sld [smem:$0x3FB0];
	_ =	sdelay $0x3  }
0x36: {  	p1 =	seq.s32 s10, $0x1;
	s10 =	sld [smem:$0x3FB1];
	_ =	sdelay $0x3  }
0x37: {  	[smem:$0x3FB1] =	sst s10  }
0x38: {  	s10 =	sld [smem:$0x3FB2]  }
0x39: {  	_ = 	snop;
	(pc) =	sbr.ind lr, $3  }
0x3a: {  	_ = 	snop  }
0x3b: {  	_ = 	snop  }
0x3c: {  	p2 =	seq.s32 s10, $0x1;
	s10 =	sld [smem:$0x3FB1]  }
0x3d: {  	_ =	shalt  }
0x3e: {  	_ =	shalt  }
0x3f: {  	_ =	shalt  }
0x40: {  	_ =	shalt  }
0x41: {  	_ =	shalt  }
0x42: {  	_ =	shalt  }
0x43: {  	_ =	shalt  }
0x44: {  	_ =	shalt  }
0x45: {  	_ =	shalt  }
0x46: {  	_ =	shalt  }
0x47: {  	_ =	shalt  }
0x48: {  	_ =	shalt  }
0x49: {  	_ =	shalt  }
0x4a: {  	_ =	shalt  }
0x4b: {  	_ =	shalt  }
0x4c: {  	_ =	shalt  }
0x4d: {  	_ =	shalt  }
0x4e: {  	_ =	shalt  }
0x4f: {  	_ =	shalt  }
0x50: {  	_ =	shalt  }
0x51: {  	_ =	shalt  }
0x52: {  	_ =	shalt  }
0x53: {  	_ =	shalt  }
0x54: {  	_ =	shalt  }
0x55: {  	_ =	shalt  }
0x56: {  	_ =	shalt  }
0x57: {  	_ =	shalt  }
0x58: {  	_ =	shalt  }
0x59: {  	_ =	shalt  }
0x5a: {  	_ =	shalt  }
0x5b: {  	_ =	shalt  }
0x5c: {  	_ =	shalt  }
0x5d: {  	_ =	shalt  }
0x5e: {  	_ =	shalt  }
0x5f: {  	_ =	shalt  }
0x60: {  	_ =	shalt  }
0x61: {  	_ =	shalt  }
0x62: {  	_ =	shalt  }
0x63: {  	_ =	shalt  }
0x64: {  	_ =	shalt  }
0x65: {  	_ =	shalt  }
0x66: {  	_ =	shalt  }
0x67: {  	_ =	shalt  }
0x68: {  	_ =	shalt  }
0x69: {  	_ =	shalt  }
0x6a: {  	_ =	shalt  }
0x6b: {  	_ =	shalt  }
0x6c: {  	_ =	shalt  }
0x6d: {  	_ =	shalt  }
0x6e: {  	_ =	shalt  }
0x6f: {  	_ =	shalt  }
0x70: {  	_ =	shalt  }
0x71: {  	_ =	shalt  }
0x72: {  	_ =	shalt  }
0x73: {  	_ =	shalt  }
0x74: {  	_ =	shalt  }
0x75: {  	_ =	shalt  }
0x76: {  	_ =	shalt  }
0x77: {  	_ =	shalt  }
0x78: {  	_ =	shalt  }
0x79: {  	_ =	shalt  }
0x7a: {  	_ =	shalt  }
0x7b: {  	_ =	shalt  }
0x7c: {  	_ =	shalt  }
0x7d: {  	_ =	shalt  }
0x7e: {  	_ =	shalt  }
0x7f: {  	_ =	shalt  }
0x80: {  	_ =	shalt  }
0x81: {  	_ =	shalt  }
0x82: {  	_ =	shalt  }
0x83: {  	_ =	shalt  }
0x84: {  	_ =	shalt  }
0x85: {  	_ =	shalt  }
0x86: {  	_ =	shalt  }
0x87: {  	_ =	shalt  }
.Lfunc_end0:
.L_simem_size_0:
called_computation.1_lowered:
.L_overlay_start_0:
0x88: {  	s2 =	sld [smem:$0x3FD9]  }
0x89: {  	s3 =	sld [smem:$0x3FFE];
	_ =	sdelay $0x1  }
0x8a: {  	s1 =	srdreg.scid  }
0x8b: {  	s0 =	sand.u32 $0x1, s1  }
0x8c: {  	s16 =	sshll.u32 s0, $0xA;
	s2 =	sadd.s32 s3, s2  }
0x8d: {  	s2 =	sadd.s32 s2, s16  }
0x8e: {  	[smem:$0x3FBD] =	sst s2  }
0x8f: {  	_ = 	snop  }
0x90: {  	(tm) =	ssettm $0x1  }
0x91: {  	s17 =	sld [smem:$0x3FFB];
	_ =	sdelay $0x3  }
0x92: {  	_ =	strace s17  }
0x93: {  	s2 =	sld [smem:$0x3FFC];
	_ =	sdelay $0x3  }
0x94: {  	_ =	strace s2  }
0x95: {  	s2 =	sld [smem:$0x3FFD];
	_ =	sdelay $0x3  }
0x96: {  	_ =	strace s2  }
0x97: {  	_ =	strace $0x8FFFFFFF  }
0x98: {  	s18 =	sld [smem:$0x3FDB];
	_ =	sdelay $0x1  }
0x99: {  	s19 =	simm.s32 $_scs_section_size  }
0x9a: {  	s4 =	simm.s32 $_size__tile_overlayer_lowered;
	s5 =	simm.s32 $_tile_overlayer_lowered  }
0x9b: {  	s22 =	simm.s32 $0x1BFF;
	s21 =	sshll.u32 s5, $0x1;
	s2 =	sadd.s32 s19, s18  }
0x9c: {  	s6 =	simm.s32 $0x0;
	s20 =	sshll.u32 s4, $0x1;
	s4 =	sadd.s32 s21, s2  }
0x9d: {  	[timem:s6], [sflag:s22] =	dma.local [hbm:s4], s20  }
0x9e: {  	_ =	swait.ge [sflag:s22], s20  }
0x9f: {  	s3 =	ssub.s32 $0x0, s20;
	[sflag:s22] =	ssyncset.done $0x0  }
0xa0: {  	[sflag:s22] =	ssyncadd.s32 s3;
	_ =	sdelay $0x1  }
0xa1: {  	s23 =	simm.s32 $0x1B8B  }
0xa2: {  	_ =	swait.ge [sflag:s23], $0x1  }
0xa3: {  	[sflag:s23] =	ssyncset.done $0x0  }
0xa4: {  	s25 =	simm.s32 $0x1B8E;
	s24 =	sld [smem:$0x3FFE];
	[sflag:s23] =	ssyncadd.s32 $0xFFFFFFFF  }
0xa5: {  	s26 =	simm.s32 $execute0_lowered;
	[smem:$0x3FD2] =	sst s25  }
0xa6: {  	s4 =	sshll.u32 s26, $0x1;
	_ =	strace $0x80000046;
	[dreg:$0x1] =	wrdreg $0xFFFFFFFF  }
0xa7: {  	s28 =	simm.s32 $_size_execute0_lowered;
	s2 =	sadd.s32 s2, s4;
	[dreg:$0x0] =	wrdreg $0x0  }
0xa8: {  	s4 =	sshll.u32 s28, $0x1;
	[dreg:$0x2] =	wrdreg s2  }
0xa9: {  	[dreg:$0x3] =	wrdreg s4  }
0xaa: {  	[dreg:$0x4] =	wrdreg $0xC0  }
0xab: {  	_ =	task [dreg:s6], $0x5FFFF  }
0xac: {  	[dreg:$0x1] =	wrdreg $0xFFFFFFFF  }
0xad: {  	[dreg:$0x0] =	wrdreg $0x60  }
0xae: {  	[dreg:$0x2] =	wrdreg s24  }
0xaf: {  	[dreg:$0x3] =	wrdreg $0x16F000  }
0xb0: {  	[dreg:$0x4] =	wrdreg $0x120000  }
0xb1: {  	[dreg:$0x5] =	wrdreg $0xA  }
0xb2: {  	_ =	task.clear_ibuf [dreg:s6], $0x6FFFF;
	_ =	strace $0x90000046  }
0xb3: {  	s29 =	simm.s32 $0xA;
	_ =	strace $0x80000048  }
0xb4: {  	_ =	swait.ge [sflag:s29], $0x1  }
0xb5: {  	[sflag:s29] =	ssyncadd.s32 $0xFFFFFFFF  }
0xb6: {  	_ =	strace $0x90000048  }
0xb7: {  	_ =	sfence  }
0xb8: {  	s30 =	sld [smem:$0x0];
	_ =	sdelay $0x2  }
0xb9: {  	s31 =	sshll.u32 s1, $0xD;
	s1 =	sshrl.u32 s1, $0x2  }
0xba: {  	s3 =	sand.u32 $0x4000, s31;
	s1 =	sadd.s32 s1, s30  }
0xbb: {  	s0 =	sor.u32 s3, s0;
	s1 =	sshll.u32 s1, $0x11  }
0xbc: {  	s0 =	sor.u32 s1, s0  }
0xbd: {  	s0 =	sadd.s32 $0x8F2B, s0  }
0xbe: {  	[sflag:s0] =	ssyncadd.remote.s32 $0x1  }
0xbf: {  	_ =	sfence.sel $0xFFFF  }
0xc0: {  	[dreg:$0x0] =	wrdreg $0xFFFFFFFF;
	(pc) =	sbr.abs _section_cstart, $3  }
0xc1: {  	[dreg:$0x1] =	wrdreg $0xFFFFFFFF  }
0xc2: {  	_ =	task.clear_ibuf [dreg:s6], $0x2FFFF;
	_ =	strace $0x9FFFFFFF  }
0xc3: {  	(tm) =	ssettm $0x7FFFFFFF  }
tec
execute0_lowered:
.L_overlay_start_1:
0x0: {  	(tag) =	ssettag $0x1  }
0x1: {  	s0 =	rddreg [dreg:$0x0]  }
0x2: {  	s2 =	rddreg [dreg:$0x1]  }
0x3: {  	s3 =	rddreg [dreg:$0x2];
	s13 =	stileid.u32  }
0x4: {  	s4 =	srdreg.scid;
	s6 =	simm.s32 $0x0;
	s14 =	simm.s32 $0x9  }
0x5: {  	s18 =	simm.s32 $0x80;
	s19 =	simm.s32 $0xA000;
	s20 =	simm.s32 $0xB000  }
0x6: {  	s21 =	simm.s32 $0xC000;
	s28 =	simm.s32 $0x1;
	s29 =	simm.s32 $0x2  }
0x7: {  	s30 =	simm.s32 $0x3;
	s31 =	simm.s32 $0x4;
	s1 =	smul.u32 $0xA00, s13  }
0x8: {  	s15 =	simm.s32 $0x7;
	s5 =	smul.u32 $0x4F00, s13;
	s4 =	sand.u32 $0x1, s4  }
0x9: {  	[smem:$0x7FF] =	sst s6;
	s7 =	sadd.s32 $0x1C00, s0;
	s24 =	sshll.u32 s13, $0x6  }
0xa: {  	p0 =	seq.s32 s13, $0xF;
	s22 =	smul.u32 $0x4F000, s4;
	_ =	strace $0x80000047  }
0xb: {  	s9 =	ssub.s32 $0x2, s4;
	s4 =	smul.u32 $0x4E200, s4;
	s1 =	sadd.s32 s1, s0  }
0xc: {  	s8 =	sshrl.u32 s5, $0x3;
	s23 =	sshrl.u32 s9, $0x1;
	s10 =	sadd.s32 s5, s2  }
0xd: {  	s6 =	sadd.s32 s5, s22;
	s8 =	sadd.s32 s8, s0;
	s9 =	ssub.s32 s9, s23  }
0xe: {  	s25 =	sadd.s32 $0x1F600, s1;
	s1 =	sadd.s32 $0x15600, s1;
	s26 =	sadd.s32 s5, s4  }
0xf: {  	s5 =	sadd.s32 s5, s3;
	s4 =	sshrl.u32 s4, $0x3;
	s13 =	sshrl.u32 s10, $0x3  }
0x10: {  	s22 =	simm.s32 $0xD000;
	s23 =	simm.s32 $0xE000;
	[dreg:$0x5] =	wrdreg s25  }
0x11: {  	s6 =	sshrl.u32 s6, $0x3;
	s8 =	sadd.s32 $0x29600, s8;
	[dreg:$0x6] =	wrdreg s1  }
0x12: {  	s1 =	sshrl.u32 s26, $0x3;
	s4 =	sadd.s32 s7, s4;
	s12 =	smax.u32 s9, $0x1  }
0x13: {  	s17 =	sshrl.u32 @!p0 s5, $0x3;
	s25 =	simm.s32 $0x10000;
	s26 =	simm.s32 $0x11000  }
0x14: {  	s5 =	simm.s32 $0x0;
	s0 =	sadd.s32 s6, s0;
	[dreg:$0x4] =	wrdreg s8  }
0x15: {  	s6 =	sor.u32 $0x1C09, s24;
	s1 =	sadd.s32 s7, s1;
	s4 =	sadd.s32 $0x9420, s4  }
0x16: {  	s24 =	simm.s32 $0xF000;
	[dreg:$0x7] =	wrdreg s1;
	s1 =	sadd.s32 $0x4A100, s3  }
0x17: {  	[dreg:$0x8] =	wrdreg s4;
	s11 =	sadd.s32 $0x33400, s0;
	s0 =	simm.s32 $0x5  }
0x18: {  	s4 =	simm.s32 $0x8;
	s16 =	sshrl.u32 @p0 s1, $0x3;
	s1 =	simm.s32 $0x6  }
.LBB2_1:
0x19: {  	s7 =	rddreg [dreg:$0x4]  }
0x1a: {  	[spmem:s13], [sflag:s6] =	dma.local [hbm:s7], $0x9E0  }
0x1b: {  	_ =	swait.ge [sflag:s14], $0x9E0  }
0x1c: {  	[sflag:s14] =	ssyncset.done $0x0  }
0x1d: {  	s7 =	simm.s32 $0x0;
	s8 =	rddreg [dreg:$0x5];
	[sflag:s14] =	ssyncadd.s32 $0xFFFFF620  }
0x1e: {  	[tilespmem:s7], [sflag:$0x9] =	stream.linear.gather [hbm4b:s8+s7], $0x5000, $0x38;
	[tilespmem:$0x1BE00] =	vst v63  }
0x1f: {  	_ =	swait.ge [sflag:s14], $0x5000  }
0x20: {  	[sflag:s14] =	ssyncset.done $0x0  }
0x21: {  	s9 =	simm.s32 $0x5000;
	s10 =	rddreg [dreg:$0x6];
	[sflag:s14] =	ssyncadd.s32 $0xFFFFB000  }
0x22: {  	[tilespmem:s9], [sflag:$0x9] =	stream.linear.gather [hbm4b:s10+s7], $0x5000, $0x38;
	[tilespmem:$0x1BE00] =	vst v63  }
0x23: {  	_ =	swait.ge [sflag:s14], $0x5000  }
0x24: {  	[sflag:s14] =	ssyncset.done $0x0  }
0x25: {  	s7 =	rddreg [dreg:$0x8];
	[sflag:s14] =	ssyncadd.s32 $0xFFFFB000  }
0x26: {  	[spmem:s16], [sflag:s6] =	dma.local @p0 [hbm:s7], $0x820  }
0x27: {  	s7 =	simm.s32 @p0 $0x9  }
0x28: {  	_ =	swait.ge @p0 [sflag:s7], $0x820  }
0x29: {  	[sflag:s7] =	ssyncset.done @p0 $0x0  }
0x2a: {  	[sflag:s7] =	ssyncadd.s32 @p0 $0xFFFFF7E0;
	s7 =	rddreg [dreg:$0x7]  }
0x2b: {  	[spmem:s17], [sflag:s6] =	dma.local @!p0 [hbm:s7], $0x9E0  }
0x2c: {  	s7 =	simm.s32 @!p0 $0x9  }
0x2d: {  	_ =	swait.ge @!p0 [sflag:s7], $0x9E0  }
0x2e: {  	[sflag:s7] =	ssyncset.done @!p0 $0x0  }
0x2f: {  	[sflag:s7] =	ssyncadd.s32 @!p0 $0xFFFFF620  }
0x30: {  	s10 =	simm.s32 $0x0;
	[bflag:$0x0] =	sbarrier.arrive $0xFFFF  }
0x31: {  	[tilespmem:s19], [sflag:$0x1] =	stream.indirect.gather [spmem:s3], $0x20, s10, s18, $0xb8;
	[tilespmem:$0x1BE00] =	vst v63  }
0x32: {  	s8 =	simm.s32 $0x80  }
0x33: {  	[tilespmem:s20], [sflag:$0x2] =	stream.indirect.gather [spmem:s3], $0x20, s8, s18, $0xb8;
	[tilespmem:$0x1BE00] =	vst v63  }
0x34: {  	s9 =	simm.s32 $0x100  }
0x35: {  	[tilespmem:s21], [sflag:$0x3] =	stream.indirect.gather [spmem:s3], $0x20, s9, s18, $0xb8;
	[tilespmem:$0x1BE00] =	vst v63  }
0x36: {  	s10 =	simm.s32 $0x180  }
0x37: {  	[tilespmem:s22], [sflag:$0x4] =	stream.indirect.gather [spmem:s3], $0x20, s10, s18, $0xb8;
	[tilespmem:$0x1BE00] =	vst v63  }
0x38: {  	s8 =	simm.s32 $0x200  }
0x39: {  	[tilespmem:s23], [sflag:$0x5] =	stream.indirect.gather [spmem:s3], $0x20, s8, s18, $0xb8;
	[tilespmem:$0x1BE00] =	vst v63  }
0x3a: {  	s9 =	simm.s32 $0x280  }
0x3b: {  	[tilespmem:s24], [sflag:$0x6] =	stream.indirect.gather [spmem:s3], $0x20, s9, s18, $0xb8;
	[tilespmem:$0x1BE00] =	vst v63  }
0x3c: {  	s10 =	simm.s32 $0x300  }
0x3d: {  	[tilespmem:s25], [sflag:$0x7] =	stream.indirect.gather [spmem:s3], $0x20, s10, s18, $0xb8;
	[tilespmem:$0x1BE00] =	vst v63  }
0x3e: {  	s8 =	simm.s32 $0x380  }
0x3f: {  	[tilespmem:s26], [sflag:$0x8] =	stream.indirect.gather [spmem:s3], $0x20, s8, s18, $0xb8;
	[tilespmem:$0x1BE00] =	vst v63  }
0x40: {  	_ =	swait.ge [sflag:s28], $0x1000  }
0x41: {  	[sflag:s28] =	ssyncset.done $0x0  }
0x42: {  	s9 =	simm.s32 $0x5000;
	[sflag:s28] =	ssyncadd.s32 $0xFFFFF000  }
0x43: {  	[spmem:s2] =	stream.indirect.scatter.add.f32 [tilespmem:s19], [sflag:$0x9], $0x20, s9, s18, $0xb8;
	[tilespmem:$0x1BE00] =	vst v63  }
0x44: {  	_ =	swait.ge [sflag:s14], $0x1000  }
0x45: {  	[sflag:s14] =	ssyncset.done $0x0  }
0x46: {  	[sflag:s14] =	ssyncadd.s32 $0xFFFFF000  }
0x47: {  	_ =	swait.ge [sflag:s29], $0x1000  }
0x48: {  	[sflag:s29] =	ssyncset.done $0x0  }
0x49: {  	s10 =	simm.s32 $0x5080;
	[sflag:s29] =	ssyncadd.s32 $0xFFFFF000  }
0x4a: {  	[spmem:s2] =	stream.indirect.scatter.add.f32 [tilespmem:s20], [sflag:$0x9], $0x20, s10, s18, $0xb8;
	[tilespmem:$0x1BE00] =	vst v63  }
0x4b: {  	_ =	swait.ge [sflag:s14], $0x1000  }
0x4c: {  	[sflag:s14] =	ssyncset.done $0x0  }
0x4d: {  	[sflag:s14] =	ssyncadd.s32 $0xFFFFF000  }
0x4e: {  	_ =	swait.ge [sflag:s30], $0x1000  }
0x4f: {  	[sflag:s30] =	ssyncset.done $0x0  }
0x50: {  	s8 =	simm.s32 $0x5100;
	[sflag:s30] =	ssyncadd.s32 $0xFFFFF000  }
0x51: {  	[spmem:s2] =	stream.indirect.scatter.add.f32 [tilespmem:s21], [sflag:$0x9], $0x20, s8, s18, $0xb8;
	[tilespmem:$0x1BE00] =	vst v63  }
0x52: {  	_ =	swait.ge [sflag:s14], $0x1000  }
0x53: {  	[sflag:s14] =	ssyncset.done $0x0  }
0x54: {  	[sflag:s14] =	ssyncadd.s32 $0xFFFFF000  }
0x55: {  	_ =	swait.ge [sflag:s31], $0x1000  }
0x56: {  	[sflag:s31] =	ssyncset.done $0x0  }
0x57: {  	s9 =	simm.s32 $0x5180;
	[sflag:s31] =	ssyncadd.s32 $0xFFFFF000  }
0x58: {  	[spmem:s2] =	stream.indirect.scatter.add.f32 [tilespmem:s22], [sflag:$0x9], $0x20, s9, s18, $0xb8;
	[tilespmem:$0x1BE00] =	vst v63  }
0x59: {  	_ =	swait.ge [sflag:s14], $0x1000  }
0x5a: {  	[sflag:s14] =	ssyncset.done $0x0  }
0x5b: {  	[sflag:s14] =	ssyncadd.s32 $0xFFFFF000  }
0x5c: {  	_ =	swait.ge [sflag:s0], $0x1000  }
0x5d: {  	[sflag:s0] =	ssyncset.done $0x0  }
0x5e: {  	s10 =	simm.s32 $0x5200;
	[sflag:s0] =	ssyncadd.s32 $0xFFFFF000  }
0x5f: {  	[spmem:s2] =	stream.indirect.scatter.add.f32 [tilespmem:s23], [sflag:$0x9], $0x20, s10, s18, $0xb8;
	[tilespmem:$0x1BE00] =	vst v63  }
0x60: {  	_ =	swait.ge [sflag:s14], $0x1000  }
0x61: {  	[sflag:s14] =	ssyncset.done $0x0  }
0x62: {  	[sflag:s14] =	ssyncadd.s32 $0xFFFFF000  }
0x63: {  	_ =	swait.ge [sflag:s1], $0x1000  }
0x64: {  	[sflag:s1] =	ssyncset.done $0x0  }
0x65: {  	s8 =	simm.s32 $0x5280;
	[sflag:s1] =	ssyncadd.s32 $0xFFFFF000  }
0x66: {  	[spmem:s2] =	stream.indirect.scatter.add.f32 [tilespmem:s24], [sflag:$0x9], $0x20, s8, s18, $0xb8;
	[tilespmem:$0x1BE00] =	vst v63  }
0x67: {  	_ =	swait.ge [sflag:s14], $0x1000  }
0x68: {  	[sflag:s14] =	ssyncset.done $0x0  }
0x69: {  	[sflag:s14] =	ssyncadd.s32 $0xFFFFF000  }
0x6a: {  	_ =	swait.ge [sflag:s15], $0x1000  }
0x6b: {  	[sflag:s15] =	ssyncset.done $0x0  }
0x6c: {  	s9 =	simm.s32 $0x5300;
	[sflag:s15] =	ssyncadd.s32 $0xFFFFF000  }
0x6d: {  	[spmem:s2] =	stream.indirect.scatter.add.f32 [tilespmem:s25], [sflag:$0x9], $0x20, s9, s18, $0xb8;
	[tilespmem:$0x1BE00] =	vst v63  }
0x6e: {  	_ =	swait.ge [sflag:s14], $0x1000  }
0x6f: {  	[sflag:s14] =	ssyncset.done $0x0  }
0x70: {  	[sflag:s14] =	ssyncadd.s32 $0xFFFFF000  }
0x71: {  	_ =	swait.ge [sflag:s4], $0x1000  }
0x72: {  	[sflag:s4] =	ssyncset.done $0x0  }
0x73: {  	s10 =	simm.s32 $0x5380;
	[sflag:s4] =	ssyncadd.s32 $0xFFFFF000  }
0x74: {  	[spmem:s2] =	stream.indirect.scatter.add.f32 [tilespmem:s26], [sflag:$0x9], $0x20, s10, s18, $0xb8;
	[tilespmem:$0x1BE00] =	vst v63  }
0x75: {  	_ =	swait.ge [sflag:s14], $0x1000  }
0x76: {  	s7 =	simm.s32 $0x1000;
	s8 =	simm.s32 $0x2000;
	[sflag:s14] =	ssyncset.done $0x0  }
.LBB2_2:
0x77: {  	s9 =	sshra.s32 s7, $0x2  }
0x78: {  	[sflag:s14] =	ssyncadd.s32 $0xFFFFF000;
	s7 =	smov.u32 s8;
	s10 =	sadd.s32 $0x1000, s8  }
0x79: {  	[tilespmem:s19], [sflag:$0x1] =	stream.indirect.gather [spmem:s3], $0x20, s9, s18, $0xb8;
	[tilespmem:$0x1BE00] =	vst v63  }
0x7a: {  	p1 =	sne.s32 s8, $0x13000;
	s8 =	sadd.s32 $0x80, s9  }
0x7b: {  	[tilespmem:s20], [sflag:$0x2] =	stream.indirect.gather [spmem:s3], $0x20, s8, s18, $0xb8;
	[tilespmem:$0x1BE00] =	vst v63  }
0x7c: {  	s8 =	sadd.s32 $0x100, s9  }
0x7d: {  	[tilespmem:s21], [sflag:$0x3] =	stream.indirect.gather [spmem:s3], $0x20, s8, s18, $0xb8;
	[tilespmem:$0x1BE00] =	vst v63  }
0x7e: {  	s8 =	sadd.s32 $0x180, s9  }
0x7f: {  	[tilespmem:s22], [sflag:$0x4] =	stream.indirect.gather [spmem:s3], $0x20, s8, s18, $0xb8;
	[tilespmem:$0x1BE00] =	vst v63  }
0x80: {  	s8 =	sadd.s32 $0x200, s9  }
0x81: {  	[tilespmem:s23], [sflag:$0x5] =	stream.indirect.gather [spmem:s3], $0x20, s8, s18, $0xb8;
	[tilespmem:$0x1BE00] =	vst v63  }
0x82: {  	s8 =	sadd.s32 $0x280, s9  }
0x83: {  	[tilespmem:s24], [sflag:$0x6] =	stream.indirect.gather [spmem:s3], $0x20, s8, s18, $0xb8;
	[tilespmem:$0x1BE00] =	vst v63  }
0x84: {  	s8 =	sadd.s32 $0x300, s9  }
0x85: {  	[tilespmem:s25], [sflag:$0x7] =	stream.indirect.gather [spmem:s3], $0x20, s8, s18, $0xb8;
	[tilespmem:$0x1BE00] =	vst v63  }
0x86: {  	s8 =	sadd.s32 $0x380, s9  }
0x87: {  	[tilespmem:s26], [sflag:$0x8] =	stream.indirect.gather [spmem:s3], $0x20, s8, s18, $0xb8;
	[tilespmem:$0x1BE00] =	vst v63  }
0x88: {  	_ =	swait.ge [sflag:s28], $0x1000  }
0x89: {  	[sflag:s28] =	ssyncset.done $0x0  }
0x8a: {  	s8 =	sadd.s32 $0x5000, s9;
	[sflag:s28] =	ssyncadd.s32 $0xFFFFF000  }
0x8b: {  	[spmem:s2] =	stream.indirect.scatter.add.f32 [tilespmem:s19], [sflag:$0x9], $0x20, s8, s18, $0xb8;
	[tilespmem:$0x1BE00] =	vst v63  }
0x8c: {  	_ =	swait.ge [sflag:s14], $0x1000  }
0x8d: {  	[sflag:s14] =	ssyncset.done $0x0  }
0x8e: {  	[sflag:s14] =	ssyncadd.s32 $0xFFFFF000  }
0x8f: {  	_ =	swait.ge [sflag:s29], $0x1000  }
0x90: {  	[sflag:s29] =	ssyncset.done $0x0  }
0x91: {  	s8 =	sadd.s32 $0x5080, s9;
	[sflag:s29] =	ssyncadd.s32 $0xFFFFF000  }
0x92: {  	[spmem:s2] =	stream.indirect.scatter.add.f32 [tilespmem:s20], [sflag:$0x9], $0x20, s8, s18, $0xb8;
	[tilespmem:$0x1BE00] =	vst v63  }
0x93: {  	_ =	swait.ge [sflag:s14], $0x1000  }
0x94: {  	[sflag:s14] =	ssyncset.done $0x0  }
0x95: {  	[sflag:s14] =	ssyncadd.s32 $0xFFFFF000  }
0x96: {  	_ =	swait.ge [sflag:s30], $0x1000  }
0x97: {  	[sflag:s30] =	ssyncset.done $0x0  }
0x98: {  	s8 =	sadd.s32 $0x5100, s9;
	[sflag:s30] =	ssyncadd.s32 $0xFFFFF000  }
0x99: {  	[spmem:s2] =	stream.indirect.scatter.add.f32 [tilespmem:s21], [sflag:$0x9], $0x20, s8, s18, $0xb8;
	[tilespmem:$0x1BE00] =	vst v63  }
0x9a: {  	_ =	swait.ge [sflag:s14], $0x1000  }
0x9b: {  	[sflag:s14] =	ssyncset.done $0x0  }
0x9c: {  	[sflag:s14] =	ssyncadd.s32 $0xFFFFF000  }
0x9d: {  	_ =	swait.ge [sflag:s31], $0x1000  }
0x9e: {  	[sflag:s31] =	ssyncset.done $0x0  }
0x9f: {  	s8 =	sadd.s32 $0x5180, s9;
	[sflag:s31] =	ssyncadd.s32 $0xFFFFF000  }
0xa0: {  	[spmem:s2] =	stream.indirect.scatter.add.f32 [tilespmem:s22], [sflag:$0x9], $0x20, s8, s18, $0xb8;
	[tilespmem:$0x1BE00] =	vst v63  }
0xa1: {  	_ =	swait.ge [sflag:s14], $0x1000  }
0xa2: {  	[sflag:s14] =	ssyncset.done $0x0  }
0xa3: {  	[sflag:s14] =	ssyncadd.s32 $0xFFFFF000  }
0xa4: {  	_ =	swait.ge [sflag:s0], $0x1000  }
0xa5: {  	[sflag:s0] =	ssyncset.done $0x0  }
0xa6: {  	s8 =	sadd.s32 $0x5200, s9;
	[sflag:s0] =	ssyncadd.s32 $0xFFFFF000  }
0xa7: {  	[spmem:s2] =	stream.indirect.scatter.add.f32 [tilespmem:s23], [sflag:$0x9], $0x20, s8, s18, $0xb8;
	[tilespmem:$0x1BE00] =	vst v63  }
0xa8: {  	_ =	swait.ge [sflag:s14], $0x1000  }
0xa9: {  	[sflag:s14] =	ssyncset.done $0x0  }
0xaa: {  	[sflag:s14] =	ssyncadd.s32 $0xFFFFF000  }
0xab: {  	_ =	swait.ge [sflag:s1], $0x1000  }
0xac: {  	[sflag:s1] =	ssyncset.done $0x0  }
0xad: {  	s8 =	sadd.s32 $0x5280, s9;
	[sflag:s1] =	ssyncadd.s32 $0xFFFFF000  }
0xae: {  	[spmem:s2] =	stream.indirect.scatter.add.f32 [tilespmem:s24], [sflag:$0x9], $0x20, s8, s18, $0xb8;
	[tilespmem:$0x1BE00] =	vst v63  }
0xaf: {  	_ =	swait.ge [sflag:s14], $0x1000  }
0xb0: {  	[sflag:s14] =	ssyncset.done $0x0  }
0xb1: {  	[sflag:s14] =	ssyncadd.s32 $0xFFFFF000  }
0xb2: {  	_ =	swait.ge [sflag:s15], $0x1000  }
0xb3: {  	[sflag:s15] =	ssyncset.done $0x0  }
0xb4: {  	s8 =	sadd.s32 $0x5300, s9;
	[sflag:s15] =	ssyncadd.s32 $0xFFFFF000  }
0xb5: {  	[spmem:s2] =	stream.indirect.scatter.add.f32 [tilespmem:s25], [sflag:$0x9], $0x20, s8, s18, $0xb8;
	[tilespmem:$0x1BE00] =	vst v63  }
0xb6: {  	_ =	swait.ge [sflag:s14], $0x1000  }
0xb7: {  	[sflag:s14] =	ssyncset.done $0x0  }
0xb8: {  	[sflag:s14] =	ssyncadd.s32 $0xFFFFF000  }
0xb9: {  	_ =	swait.ge [sflag:s4], $0x1000  }
.Ltmp0:
0xba: {  	[sflag:s4] =	ssyncset.done $0x0;
	(pc) =	sbr.rel @p1 .LBB2_2-.Ltmp0, $4  }
0xbb: {  	s8 =	sadd.s32 $0x5380, s9;
	[sflag:s4] =	ssyncadd.s32 $0xFFFFF000  }
0xbc: {  	[spmem:s2] =	stream.indirect.scatter.add.f32 [tilespmem:s26], [sflag:$0x9], $0x20, s8, s18, $0xb8;
	[tilespmem:$0x1BE00] =	vst v63  }
0xbd: {  	_ =	swait.ge [sflag:s14], $0x1000  }
0xbe: {  	s8 =	smov.u32 s10;
	[sflag:s14] =	ssyncset.done $0x0  }
0xbf: {  	s7 =	sshra.s32 s7, $0x2;
	[sflag:s14] =	ssyncadd.s32 $0xFFFFF000  }
0xc0: {  	[tilespmem:s19], [sflag:$0x1] =	stream.indirect.gather [spmem:s3], $0x20, s7, s18, $0xb8;
	[tilespmem:$0x1BE00] =	vst v63  }
0xc1: {  	s8 =	sadd.s32 $0x80, s7  }
0xc2: {  	[tilespmem:s20], [sflag:$0x2] =	stream.indirect.gather [spmem:s3], $0x20, s8, s18, $0xb8;
	[tilespmem:$0x1BE00] =	vst v63  }
0xc3: {  	s10 =	sadd.s32 $0x100, s7  }
0xc4: {  	[tilespmem:s21], [sflag:$0x3] =	stream.indirect.gather [spmem:s3], $0x20, s10, s18, $0xb8;
	[tilespmem:$0x1BE00] =	vst v63  }
0xc5: {  	s9 =	sadd.s32 $0x180, s7  }
0xc6: {  	[tilespmem:s22], [sflag:$0x4] =	stream.indirect.gather [spmem:s3], $0x20, s9, s18, $0xb8;
	[tilespmem:$0x1BE00] =	vst v63  }
0xc7: {  	s10 =	sadd.s32 $0x200, s7  }
0xc8: {  	[tilespmem:s23], [sflag:$0x5] =	stream.indirect.gather [spmem:s3], $0x20, s10, s18, $0xb8;
	[tilespmem:$0x1BE00] =	vst v63  }
0xc9: {  	s9 =	sadd.s32 $0x280, s7  }
0xca: {  	[tilespmem:s24], [sflag:$0x6] =	stream.indirect.gather [spmem:s3], $0x20, s9, s18, $0xb8;
	[tilespmem:$0x1BE00] =	vst v63  }
0xcb: {  	s10 =	sadd.s32 $0x300, s7  }
0xcc: {  	[tilespmem:s25], [sflag:$0x7] =	stream.indirect.gather [spmem:s3], $0x20, s10, s18, $0xb8;
	[tilespmem:$0x1BE00] =	vst v63  }
0xcd: {  	s9 =	sadd.s32 $0x380, s7  }
0xce: {  	[tilespmem:s26], [sflag:$0x8] =	stream.indirect.gather [spmem:s3], $0x20, s9, s18, $0xb8;
	[tilespmem:$0x1BE00] =	vst v63  }
0xcf: {  	_ =	swait.ge [sflag:s28], $0x1000  }
0xd0: {  	[sflag:s28] =	ssyncset.done $0x0  }
0xd1: {  	s10 =	sadd.s32 $0x5000, s7;
	[sflag:s28] =	ssyncadd.s32 $0xFFFFF000  }
0xd2: {  	[spmem:s2] =	stream.indirect.scatter.add.f32 [tilespmem:s19], [sflag:$0x9], $0x20, s10, s18, $0xb8;
	[tilespmem:$0x1BE00] =	vst v63  }
0xd3: {  	_ =	swait.ge [sflag:s14], $0x1000  }
0xd4: {  	[sflag:s14] =	ssyncset.done $0x0  }
0xd5: {  	[sflag:s14] =	ssyncadd.s32 $0xFFFFF000  }
0xd6: {  	_ =	swait.ge [sflag:s29], $0x1000  }
0xd7: {  	[sflag:s29] =	ssyncset.done $0x0  }
0xd8: {  	s9 =	sadd.s32 $0x5080, s7;
	[sflag:s29] =	ssyncadd.s32 $0xFFFFF000  }
0xd9: {  	[spmem:s2] =	stream.indirect.scatter.add.f32 [tilespmem:s20], [sflag:$0x9], $0x20, s9, s18, $0xb8;
	[tilespmem:$0x1BE00] =	vst v63  }
0xda: {  	_ =	swait.ge [sflag:s14], $0x1000  }
0xdb: {  	[sflag:s14] =	ssyncset.done $0x0  }
0xdc: {  	[sflag:s14] =	ssyncadd.s32 $0xFFFFF000  }
0xdd: {  	_ =	swait.ge [sflag:s30], $0x1000  }
0xde: {  	[sflag:s30] =	ssyncset.done $0x0  }
0xdf: {  	s10 =	sadd.s32 $0x5100, s7;
	[sflag:s30] =	ssyncadd.s32 $0xFFFFF000  }
0xe0: {  	[spmem:s2] =	stream.indirect.scatter.add.f32 [tilespmem:s21], [sflag:$0x9], $0x20, s10, s18, $0xb8;
	[tilespmem:$0x1BE00] =	vst v63  }
0xe1: {  	_ =	swait.ge [sflag:s14], $0x1000  }
0xe2: {  	[sflag:s14] =	ssyncset.done $0x0  }
0xe3: {  	[sflag:s14] =	ssyncadd.s32 $0xFFFFF000  }
0xe4: {  	_ =	swait.ge [sflag:s31], $0x1000  }
0xe5: {  	[sflag:s31] =	ssyncset.done $0x0  }
0xe6: {  	s9 =	sadd.s32 $0x5180, s7;
	[sflag:s31] =	ssyncadd.s32 $0xFFFFF000  }
0xe7: {  	[spmem:s2] =	stream.indirect.scatter.add.f32 [tilespmem:s22], [sflag:$0x9], $0x20, s9, s18, $0xb8;
	[tilespmem:$0x1BE00] =	vst v63  }
0xe8: {  	_ =	swait.ge [sflag:s14], $0x1000  }
0xe9: {  	[sflag:s14] =	ssyncset.done $0x0  }
0xea: {  	[sflag:s14] =	ssyncadd.s32 $0xFFFFF000  }
0xeb: {  	_ =	swait.ge [sflag:s0], $0x1000  }
0xec: {  	[sflag:s0] =	ssyncset.done $0x0  }
0xed: {  	s10 =	sadd.s32 $0x5200, s7;
	[sflag:s0] =	ssyncadd.s32 $0xFFFFF000  }
0xee: {  	[spmem:s2] =	stream.indirect.scatter.add.f32 [tilespmem:s23], [sflag:$0x9], $0x20, s10, s18, $0xb8;
	[tilespmem:$0x1BE00] =	vst v63  }
0xef: {  	_ =	swait.ge [sflag:s14], $0x1000  }
0xf0: {  	[sflag:s14] =	ssyncset.done $0x0  }
0xf1: {  	[sflag:s14] =	ssyncadd.s32 $0xFFFFF000  }
0xf2: {  	_ =	swait.ge [sflag:s1], $0x1000  }
0xf3: {  	[sflag:s1] =	ssyncset.done $0x0  }
0xf4: {  	s9 =	sadd.s32 $0x5280, s7;
	[sflag:s1] =	ssyncadd.s32 $0xFFFFF000  }
0xf5: {  	[spmem:s2] =	stream.indirect.scatter.add.f32 [tilespmem:s24], [sflag:$0x9], $0x20, s9, s18, $0xb8;
	[tilespmem:$0x1BE00] =	vst v63  }
0xf6: {  	_ =	swait.ge [sflag:s14], $0x1000  }
0xf7: {  	[sflag:s14] =	ssyncset.done $0x0  }
0xf8: {  	[sflag:s14] =	ssyncadd.s32 $0xFFFFF000  }
0xf9: {  	_ =	swait.ge [sflag:s15], $0x1000  }
0xfa: {  	[sflag:s15] =	ssyncset.done $0x0  }
0xfb: {  	s10 =	sadd.s32 $0x5300, s7;
	[sflag:s15] =	ssyncadd.s32 $0xFFFFF000  }
0xfc: {  	[spmem:s2] =	stream.indirect.scatter.add.f32 [tilespmem:s25], [sflag:$0x9], $0x20, s10, s18, $0xb8;
	[tilespmem:$0x1BE00] =	vst v63  }
0xfd: {  	_ =	swait.ge [sflag:s14], $0x1000  }
0xfe: {  	[sflag:s14] =	ssyncset.done $0x0  }
0xff: {  	[sflag:s14] =	ssyncadd.s32 $0xFFFFF000  }
0x100: {  	_ =	swait.ge [sflag:s4], $0x1000  }
0x101: {  	[sflag:s4] =	ssyncset.done $0x0  }
0x102: {  	s7 =	sadd.s32 $0x5380, s7;
	[sflag:s4] =	ssyncadd.s32 $0xFFFFF000  }
0x103: {  	[spmem:s2] =	stream.indirect.scatter.add.f32 [tilespmem:s26], [sflag:$0x9], $0x20, s7, s18, $0xb8;
	[tilespmem:$0x1BE00] =	vst v63  }
0x104: {  	_ =	swait.ge [sflag:s14], $0x1000  }
0x105: {  	s5 =	sadd.s32 $0x1, s5;
	[sflag:s14] =	ssyncset.done $0x0  }
0x106: {  	p1 =	sne.s32 s5, s12;
	[sflag:s14] =	ssyncadd.s32 $0xFFFFF000  }
.Ltmp1:
0x107: {  	[bflag:$0x0] =	sbarrier.arrive $0xFFFF;
	(pc) =	sbr.rel @p1 .LBB2_1-.Ltmp1, $4  }
0x108: {  	[hbm:s11], [sflag:s6] =	dma.local [spmem:s13], $0x9E0  }
0x109: {  	_ =	swait.ge [sflag:s14], $0x9E0  }
0x10a: {  	[sflag:s14] =	ssyncset.done $0x0  }
0x10b: {  	[sflag:s14] =	ssyncadd.s32 $0xFFFFF620  }
0x10c: {  	_ =	sfence.sel $0x180000  }
0x10d: {  	[bflag:$0x0] =	sbarrier.arrive $0xFFFF  }
0x10e: {  	_ =	strace $0x90000047  }
0x10f: {  	s0 =	stileid.u32;
	[bflag:$0x2] =	sbarrier.arrive $0xFFFF  }
0x110: {  	p0 =	sne.s32 s0, $0x0;
	s0 =	rddreg [dreg:$0x3]  }
0x111: {  	s0 =	sadd.s32 @!p0 $0x100000, s0  }
0x112: {  	[sflag:s0] =	ssyncadd.tile.s32 @!p0 $0x1;
	_ =	shalt  }
.Lfunc_end2:
_tile_overlayer_lowered:
.L_overlay_start_2:
0x113: {  	(tag) =	ssettag $0x2  }
0x114: {  	s0 =	rddreg [dreg:$0x0];
	s2 =	stileid.u32  }
0x115: {  	s1 =	rddreg [dreg:$0x1];
	p0 =	sne.s32 s2, $0x0  }
0x116: {  	s3 =	rddreg [dreg:$0x2];
	[bflag:$0x3] =	sbarrier.arrive $0xFFFF;
	s2 =	simm.s32 @!p0 $0x1C09  }
0x117: {  	[timem:s3], [sflag:s2] =	dma.local @!p0 [hbm:s0], s1  }
0x118: {  	s0 =	simm.s32 @!p0 $0x9  }
0x119: {  	_ =	swait.ge @!p0 [sflag:s0], s1  }
0x11a: {  	s1 =	ssub.s32 @!p0 $0x0, s1;
	[sflag:s0] =	ssyncset.done @!p0 $0x0  }
0x11b: {  	[sflag:s0] =	ssyncadd.s32 @!p0 s1  }
0x11c: {  	[bflag:$0x3] =	sbarrier.arrive $0xFFFF  }
0x11d: {  	_ =	shalt  }

// kernel: kernel.14.cloned.1.call-start
scs
__scs_entry_jumppad:
0x0: {  	(pc) =	sbr.rel $0x88, $3  }
0x1: {  	(tag) =	ssettag $0x0;
	lr =	simm.s32 $0x1  }
0x2: {  	[smem:$0x3F96] =	sst lr;
	_ =	strace $0xD0000000  }
0x3: {  	_ = 	snop  }
0x4: {  	_ = 	snop  }
0x5: {  	_ = 	snop  }
0x6: {  	_ = 	snop  }
0x7: {  	_ = 	snop  }
__scs_overlays_trampoline_lowered:
0x8: {  	[smem:$0x3FA5] =	sst s0  }
0x9: {  	[smem:$0x3FA6] =	sst s1  }
0xa: {  	[smem:$0x3FA7] =	sst s2  }
0xb: {  	[smem:$0x3FA8] =	sst s3  }
0xc: {  	[smem:$0x3FA9] =	sst s4  }
0xd: {  	[smem:$0x3FAA] =	sst s5  }
0xe: {  	[smem:$0x3FAB] =	sst s6  }
0xf: {  	[smem:$0x3FAC] =	sst s7  }
0x10: {  	[smem:$0x3FAD] =	sst s8  }
0x11: {  	[smem:$0x3FAE] =	sst s9;
	s0 =	simm.s32 @!p0 $0x0  }
0x12: {  	s1 =	sld [smem:$0x3F94];
	s0 =	simm.s32 @p0 $0x1  }
0x13: {  	[smem:$0x3FAF] =	sst s0;
	s0 =	simm.s32 @!p1 $0x0  }
0x14: {  	s2 =	sld [smem:$0x3F93];
	s0 =	simm.s32 @p1 $0x1  }
0x15: {  	[smem:$0x3FB0] =	sst s0;
	s0 =	simm.s32 @!p2 $0x0  }
0x16: {  	s3 =	sld [smem:$0x3FDB];
	s0 =	simm.s32 @p2 $0x1  }
0x17: {  	s4 =	simm.s32 $0x1BF5;
	[smem:$0x3FB2] =	sst s0  }
0x18: {  	s0 =	sld [smem:$0x3F95];
	_ =	swait.ge [sflag:s4], $0x0  }
0x19: {  	s7 =	sld [smem:$0x3F96]  }
0x1a: {  	s8 =	sadd.s32 $0xFFFFE003, lr  }
0x1b: {  	s9 =	sadd.s32 $0xFFFFFEF7, lr;
	s5 =	simm.s32 $0xFFFFFFFF;
	p2 =	slt.u32 s8, $0xFFFFF086  }
0x1c: {  	p1 =	slt.u32 s9, $0xF7A;
	s5 =	simm.s32 @!p2 $0x0  }
0x1d: {  	s5 =	simm.s32 @p1 $0x1;
	p0 =	seq.s32 s7, s2  }
0x1e: {  	s7 =	smul.u32 @!p0 $0xF7A, s2;
	p2 =	seq.s32 @!p0 s5, $0x0  }
0x1f: {  	s9 =	smul.u32 $0xF7A, s1;
	s8 =	simm.s32 @!p0 $0x1BF5;
	p2 =	por !p2, p0  }
0x20: {  	[sflag:s8] =	ssyncset.s32 @!p0 $0xFFFFF086;
	s6 =	sadd.s32 @!p0 s3, s7;
	s7 =	simm.s32 @!p0 $0x108  }
0x21: {  	s3 =	sadd.s32 s3, s9;
	s6 =	sadd.s32 @!p0 $0x88, s6;
	s7 =	simm.s32 @p2 $0x1082  }
0x22: {  	[simem:s7], [sflag:s8] =	dma.local @!p0 [hbm:s6], $0xF7A  }
0x23: {  	s9 =	sor.u32 $0xD0000000, s2;
	s6 =	simm.s32 $0x108;
	_ =	swait.ge @!p0 [sflag:s8], $0x0  }
0x24: {  	s3 =	sadd.s32 $0x88, s3;
	s6 =	simm.s32 @!p1 $0x1082;
	[sflag:s4] =	ssyncset.s32 $0xFFFFF086  }
0x25: {  	[simem:s6], [sflag:s4] =	dma.local [hbm:s3], $0xF7A  }
0x26: {  	[smem:$0x3F96] =	sst s1;
	(tag) =	ssettag s2;
	_ =	strace s9  }
0x27: {  	s1 =	sld [smem:$0x3FA6]  }
0x28: {  	s2 =	sld [smem:$0x3FA7]  }
0x29: {  	s4 =	sld [smem:$0x3FA9]  }
0x2a: {  	p0 =	seq.s32 s5, $0x0;
	s5 =	sld [smem:$0x3FAA]  }
0x2b: {  	s6 =	sld [smem:$0x3FAB]  }
0x2c: {  	s7 =	sld [smem:$0x3FAC]  }
0x2d: {  	s3 =	simm.s32 $0x108;
	s8 =	sld [smem:$0x3FAD]  }
0x2e: {  	s3 =	simm.s32 @!p0 $0x1082;
	s9 =	sld [smem:$0x3FAE]  }
0x2f: {  	lr =	sadd.s32 s0, s3;
	s0 =	sld [smem:$0x3FA5]  }
0x30: {  	s3 =	sld [smem:$0x3FA8]  }
0x31: {  	[smem:$0x3FB1] =	sst s10  }
0x32: {  	s10 =	sld [smem:$0x3FAF];
	_ =	sdelay $0x3  }
0x33: {  	p0 =	seq.s32 s10, $0x1;
	s10 =	sld [smem:$0x3FB1];
	_ =	sdelay $0x3  }
0x34: {  	[smem:$0x3FB1] =	sst s10  }
0x35: {  	s10 =	sld [smem:$0x3FB0];
	_ =	sdelay $0x3  }
0x36: {  	p1 =	seq.s32 s10, $0x1;
	s10 =	sld [smem:$0x3FB1];
	_ =	sdelay $0x3  }
0x37: {  	[smem:$0x3FB1] =	sst s10  }
0x38: {  	s10 =	sld [smem:$0x3FB2]  }
0x39: {  	_ = 	snop;
	(pc) =	sbr.ind lr, $3  }
0x3a: {  	_ = 	snop  }
0x3b: {  	_ = 	snop  }
0x3c: {  	p2 =	seq.s32 s10, $0x1;
	s10 =	sld [smem:$0x3FB1]  }
0x3d: {  	_ =	shalt  }
0x3e: {  	_ =	shalt  }
0x3f: {  	_ =	shalt  }
0x40: {  	_ =	shalt  }
0x41: {  	_ =	shalt  }
0x42: {  	_ =	shalt  }
0x43: {  	_ =	shalt  }
0x44: {  	_ =	shalt  }
0x45: {  	_ =	shalt  }
0x46: {  	_ =	shalt  }
0x47: {  	_ =	shalt  }
0x48: {  	_ =	shalt  }
0x49: {  	_ =	shalt  }
0x4a: {  	_ =	shalt  }
0x4b: {  	_ =	shalt  }
0x4c: {  	_ =	shalt  }
0x4d: {  	_ =	shalt  }
0x4e: {  	_ =	shalt  }
0x4f: {  	_ =	shalt  }
0x50: {  	_ =	shalt  }
0x51: {  	_ =	shalt  }
0x52: {  	_ =	shalt  }
0x53: {  	_ =	shalt  }
0x54: {  	_ =	shalt  }
0x55: {  	_ =	shalt  }
0x56: {  	_ =	shalt  }
0x57: {  	_ =	shalt  }
0x58: {  	_ =	shalt  }
0x59: {  	_ =	shalt  }
0x5a: {  	_ =	shalt  }
0x5b: {  	_ =	shalt  }
0x5c: {  	_ =	shalt  }
0x5d: {  	_ =	shalt  }
0x5e: {  	_ =	shalt  }
0x5f: {  	_ =	shalt  }
0x60: {  	_ =	shalt  }
0x61: {  	_ =	shalt  }
0x62: {  	_ =	shalt  }
0x63: {  	_ =	shalt  }
0x64: {  	_ =	shalt  }
0x65: {  	_ =	shalt  }
0x66: {  	_ =	shalt  }
0x67: {  	_ =	shalt  }
0x68: {  	_ =	shalt  }
0x69: {  	_ =	shalt  }
0x6a: {  	_ =	shalt  }
0x6b: {  	_ =	shalt  }
0x6c: {  	_ =	shalt  }
0x6d: {  	_ =	shalt  }
0x6e: {  	_ =	shalt  }
0x6f: {  	_ =	shalt  }
0x70: {  	_ =	shalt  }
0x71: {  	_ =	shalt  }
0x72: {  	_ =	shalt  }
0x73: {  	_ =	shalt  }
0x74: {  	_ =	shalt  }
0x75: {  	_ =	shalt  }
0x76: {  	_ =	shalt  }
0x77: {  	_ =	shalt  }
0x78: {  	_ =	shalt  }
0x79: {  	_ =	shalt  }
0x7a: {  	_ =	shalt  }
0x7b: {  	_ =	shalt  }
0x7c: {  	_ =	shalt  }
0x7d: {  	_ =	shalt  }
0x7e: {  	_ =	shalt  }
0x7f: {  	_ =	shalt  }
0x80: {  	_ =	shalt  }
0x81: {  	_ =	shalt  }
0x82: {  	_ =	shalt  }
0x83: {  	_ =	shalt  }
0x84: {  	_ =	shalt  }
0x85: {  	_ =	shalt  }
0x86: {  	_ =	shalt  }
0x87: {  	_ =	shalt  }
.Lfunc_end0:
.L_simem_size_0:
called_computation.2_lowered:
.L_overlay_start_0:
0x88: {  	s2 =	sld [smem:$0x3FD9]  }
0x89: {  	s3 =	sld [smem:$0x3FFE];
	_ =	sdelay $0x1  }
0x8a: {  	s1 =	srdreg.scid  }
0x8b: {  	s0 =	sand.u32 $0x1, s1  }
0x8c: {  	s16 =	sshll.u32 s0, $0xA;
	s2 =	sadd.s32 s3, s2  }
0x8d: {  	s2 =	sadd.s32 s2, s16  }
0x8e: {  	[smem:$0x3FBD] =	sst s2  }
0x8f: {  	_ = 	snop  }
0x90: {  	(tm) =	ssettm $0x1  }
0x91: {  	s17 =	sld [smem:$0x3FFB];
	_ =	sdelay $0x3  }
0x92: {  	_ =	strace s17  }
0x93: {  	s2 =	sld [smem:$0x3FFC];
	_ =	sdelay $0x3  }
0x94: {  	_ =	strace s2  }
0x95: {  	s2 =	sld [smem:$0x3FFD];
	_ =	sdelay $0x3  }
0x96: {  	_ =	strace s2  }
0x97: {  	_ =	strace $0x8FFFFFFF  }
0x98: {  	s18 =	sld [smem:$0x3FDB];
	_ =	sdelay $0x1  }
0x99: {  	s19 =	simm.s32 $_scs_section_size  }
0x9a: {  	s4 =	simm.s32 $_size__tile_overlayer_lowered;
	s5 =	simm.s32 $_tile_overlayer_lowered  }
0x9b: {  	s22 =	simm.s32 $0x1BFF;
	s21 =	sshll.u32 s5, $0x1;
	s2 =	sadd.s32 s19, s18  }
0x9c: {  	s6 =	simm.s32 $0x0;
	s20 =	sshll.u32 s4, $0x1;
	s4 =	sadd.s32 s21, s2  }
0x9d: {  	[timem:s6], [sflag:s22] =	dma.local [hbm:s4], s20  }
0x9e: {  	_ =	swait.ge [sflag:s22], s20  }
0x9f: {  	s3 =	ssub.s32 $0x0, s20;
	[sflag:s22] =	ssyncset.done $0x0  }
0xa0: {  	[sflag:s22] =	ssyncadd.s32 s3;
	_ =	sdelay $0x1  }
0xa1: {  	s23 =	simm.s32 $0x1B8B  }
0xa2: {  	_ =	swait.ge [sflag:s23], $0x1  }
0xa3: {  	[sflag:s23] =	ssyncset.done $0x0  }
0xa4: {  	s25 =	simm.s32 $0x1B8E;
	s24 =	sld [smem:$0x3FFE];
	[sflag:s23] =	ssyncadd.s32 $0xFFFFFFFF  }
0xa5: {  	s26 =	simm.s32 $execute0_lowered;
	[smem:$0x3FD2] =	sst s25  }
0xa6: {  	s4 =	sshll.u32 s26, $0x1;
	_ =	strace $0x8000004C;
	[dreg:$0x1] =	wrdreg $0xFFFFFFFF  }
0xa7: {  	s28 =	simm.s32 $_size_execute0_lowered;
	s2 =	sadd.s32 s2, s4;
	[dreg:$0x0] =	wrdreg $0x0  }
0xa8: {  	s4 =	sshll.u32 s28, $0x1;
	[dreg:$0x2] =	wrdreg s2  }
0xa9: {  	[dreg:$0x3] =	wrdreg s4  }
0xaa: {  	[dreg:$0x4] =	wrdreg $0xC0  }
0xab: {  	_ =	task [dreg:s6], $0x5FFFF  }
0xac: {  	[dreg:$0x1] =	wrdreg $0xFFFFFFFF  }
0xad: {  	[dreg:$0x0] =	wrdreg $0x60  }
0xae: {  	[dreg:$0x2] =	wrdreg s24  }
0xaf: {  	[dreg:$0x3] =	wrdreg $0x16F000  }
0xb0: {  	[dreg:$0x4] =	wrdreg $0x120000  }
0xb1: {  	[dreg:$0x5] =	wrdreg $0x9  }
0xb2: {  	_ =	task.clear_ibuf [dreg:s6], $0x6FFFF;
	_ =	strace $0x9000004C  }
0xb3: {  	s29 =	simm.s32 $0x9;
	_ =	strace $0x8000004E  }
0xb4: {  	_ =	swait.ge [sflag:s29], $0x1  }
0xb5: {  	[sflag:s29] =	ssyncadd.s32 $0xFFFFFFFF  }
0xb6: {  	_ =	strace $0x9000004E  }
0xb7: {  	_ =	sfence  }
0xb8: {  	s30 =	sld [smem:$0x0];
	_ =	sdelay $0x2  }
0xb9: {  	s31 =	sshll.u32 s1, $0xD;
	s1 =	sshrl.u32 s1, $0x2  }
0xba: {  	s3 =	sand.u32 $0x4000, s31;
	s1 =	sadd.s32 s1, s30  }
0xbb: {  	s0 =	sor.u32 s3, s0;
	s1 =	sshll.u32 s1, $0x11  }
0xbc: {  	s0 =	sor.u32 s1, s0  }
0xbd: {  	s0 =	sadd.s32 $0x8F2B, s0  }
0xbe: {  	[sflag:s0] =	ssyncadd.remote.s32 $0x1  }
0xbf: {  	_ =	sfence.sel $0xFFFF  }
0xc0: {  	[dreg:$0x0] =	wrdreg $0xFFFFFFFF;
	(pc) =	sbr.abs _section_cstart, $3  }
0xc1: {  	[dreg:$0x1] =	wrdreg $0xFFFFFFFF  }
0xc2: {  	_ =	task.clear_ibuf [dreg:s6], $0x2FFFF;
	_ =	strace $0x9FFFFFFF  }
0xc3: {  	(tm) =	ssettm $0x7FFFFFFF  }
tec
execute0_lowered:
.L_overlay_start_1:
0x0: {  	(tag) =	ssettag $0x1  }
0x1: {  	s0 =	rddreg [dreg:$0x0]  }
0x2: {  	s2 =	rddreg [dreg:$0x1]  }
0x3: {  	s3 =	rddreg [dreg:$0x2];
	s13 =	stileid.u32  }
0x4: {  	s4 =	srdreg.scid;
	s6 =	simm.s32 $0x0;
	s14 =	simm.s32 $0x9  }
0x5: {  	s18 =	simm.s32 $0x80;
	s19 =	simm.s32 $0xA000;
	s20 =	simm.s32 $0xB000  }
0x6: {  	s21 =	simm.s32 $0xC000;
	s28 =	simm.s32 $0x1;
	s29 =	simm.s32 $0x2  }
0x7: {  	s30 =	simm.s32 $0x3;
	s31 =	simm.s32 $0x4;
	s1 =	smul.u32 $0xA00, s13  }
0x8: {  	s15 =	simm.s32 $0x7;
	s5 =	smul.u32 $0x4F00, s13;
	s4 =	sand.u32 $0x1, s4  }
0x9: {  	[smem:$0x7FF] =	sst s6;
	s7 =	sadd.s32 $0x1C00, s0;
	s24 =	sshll.u32 s13, $0x6  }
0xa: {  	p0 =	seq.s32 s13, $0xF;
	s22 =	smul.u32 $0x4F000, s4;
	_ =	strace $0x8000004D  }
0xb: {  	s9 =	ssub.s32 $0x2, s4;
	s4 =	smul.u32 $0x4E200, s4;
	s1 =	sadd.s32 s1, s0  }
0xc: {  	s8 =	sshrl.u32 s5, $0x3;
	s23 =	sshrl.u32 s9, $0x1;
	s10 =	sadd.s32 s5, s2  }
0xd: {  	s6 =	sadd.s32 s5, s22;
	s8 =	sadd.s32 s8, s0;
	s9 =	ssub.s32 s9, s23  }
0xe: {  	s25 =	sadd.s32 $0x1F600, s1;
	s1 =	sadd.s32 $0x15600, s1;
	s26 =	sadd.s32 s5, s4  }
0xf: {  	s5 =	sadd.s32 s5, s3;
	s4 =	sshrl.u32 s4, $0x3;
	s13 =	sshrl.u32 s10, $0x3  }
0x10: {  	s22 =	simm.s32 $0xD000;
	s23 =	simm.s32 $0xE000;
	[dreg:$0x5] =	wrdreg s25  }
0x11: {  	s6 =	sshrl.u32 s6, $0x3;
	s8 =	sadd.s32 $0x29600, s8;
	[dreg:$0x6] =	wrdreg s1  }
0x12: {  	s1 =	sshrl.u32 s26, $0x3;
	s4 =	sadd.s32 s7, s4;
	s12 =	smax.u32 s9, $0x1  }
0x13: {  	s17 =	sshrl.u32 @!p0 s5, $0x3;
	s25 =	simm.s32 $0x10000;
	s26 =	simm.s32 $0x11000  }
0x14: {  	s5 =	simm.s32 $0x0;
	s0 =	sadd.s32 s6, s0;
	[dreg:$0x4] =	wrdreg s8  }
0x15: {  	s6 =	sor.u32 $0x1C09, s24;
	s1 =	sadd.s32 s7, s1;
	s4 =	sadd.s32 $0x9420, s4  }
0x16: {  	s24 =	simm.s32 $0xF000;
	[dreg:$0x7] =	wrdreg s1;
	s1 =	sadd.s32 $0x4A100, s3  }
0x17: {  	[dreg:$0x8] =	wrdreg s4;
	s11 =	sadd.s32 $0x33400, s0;
	s0 =	simm.s32 $0x5  }
0x18: {  	s4 =	simm.s32 $0x8;
	s16 =	sshrl.u32 @p0 s1, $0x3;
	s1 =	simm.s32 $0x6  }
.LBB2_1:
0x19: {  	s7 =	rddreg [dreg:$0x4]  }
0x1a: {  	[spmem:s13], [sflag:s6] =	dma.local [hbm:s7], $0x9E0  }
0x1b: {  	_ =	swait.ge [sflag:s14], $0x9E0  }
0x1c: {  	[sflag:s14] =	ssyncset.done $0x0  }
0x1d: {  	s7 =	simm.s32 $0x0;
	s8 =	rddreg [dreg:$0x5];
	[sflag:s14] =	ssyncadd.s32 $0xFFFFF620  }
0x1e: {  	[tilespmem:s7], [sflag:$0x9] =	stream.linear.gather [hbm4b:s8+s7], $0x5000, $0x38;
	[tilespmem:$0x1BE00] =	vst v63  }
0x1f: {  	_ =	swait.ge [sflag:s14], $0x5000  }
0x20: {  	[sflag:s14] =	ssyncset.done $0x0  }
0x21: {  	s9 =	simm.s32 $0x5000;
	s10 =	rddreg [dreg:$0x6];
	[sflag:s14] =	ssyncadd.s32 $0xFFFFB000  }
0x22: {  	[tilespmem:s9], [sflag:$0x9] =	stream.linear.gather [hbm4b:s10+s7], $0x5000, $0x38;
	[tilespmem:$0x1BE00] =	vst v63  }
0x23: {  	_ =	swait.ge [sflag:s14], $0x5000  }
0x24: {  	[sflag:s14] =	ssyncset.done $0x0  }
0x25: {  	s7 =	rddreg [dreg:$0x8];
	[sflag:s14] =	ssyncadd.s32 $0xFFFFB000  }
0x26: {  	[spmem:s16], [sflag:s6] =	dma.local @p0 [hbm:s7], $0x820  }
0x27: {  	s7 =	simm.s32 @p0 $0x9  }
0x28: {  	_ =	swait.ge @p0 [sflag:s7], $0x820  }
0x29: {  	[sflag:s7] =	ssyncset.done @p0 $0x0  }
0x2a: {  	[sflag:s7] =	ssyncadd.s32 @p0 $0xFFFFF7E0;
	s7 =	rddreg [dreg:$0x7]  }
0x2b: {  	[spmem:s17], [sflag:s6] =	dma.local @!p0 [hbm:s7], $0x9E0  }
0x2c: {  	s7 =	simm.s32 @!p0 $0x9  }
0x2d: {  	_ =	swait.ge @!p0 [sflag:s7], $0x9E0  }
0x2e: {  	[sflag:s7] =	ssyncset.done @!p0 $0x0  }
0x2f: {  	[sflag:s7] =	ssyncadd.s32 @!p0 $0xFFFFF620  }
0x30: {  	s10 =	simm.s32 $0x0;
	[bflag:$0x0] =	sbarrier.arrive $0xFFFF  }
0x31: {  	[tilespmem:s19], [sflag:$0x1] =	stream.indirect.gather [spmem:s3], $0x20, s10, s18, $0xb8;
	[tilespmem:$0x1BE00] =	vst v63  }
0x32: {  	s8 =	simm.s32 $0x80  }
0x33: {  	[tilespmem:s20], [sflag:$0x2] =	stream.indirect.gather [spmem:s3], $0x20, s8, s18, $0xb8;
	[tilespmem:$0x1BE00] =	vst v63  }
0x34: {  	s9 =	simm.s32 $0x100  }
0x35: {  	[tilespmem:s21], [sflag:$0x3] =	stream.indirect.gather [spmem:s3], $0x20, s9, s18, $0xb8;
	[tilespmem:$0x1BE00] =	vst v63  }
0x36: {  	s10 =	simm.s32 $0x180  }
0x37: {  	[tilespmem:s22], [sflag:$0x4] =	stream.indirect.gather [spmem:s3], $0x20, s10, s18, $0xb8;
	[tilespmem:$0x1BE00] =	vst v63  }
0x38: {  	s8 =	simm.s32 $0x200  }
0x39: {  	[tilespmem:s23], [sflag:$0x5] =	stream.indirect.gather [spmem:s3], $0x20, s8, s18, $0xb8;
	[tilespmem:$0x1BE00] =	vst v63  }
0x3a: {  	s9 =	simm.s32 $0x280  }
0x3b: {  	[tilespmem:s24], [sflag:$0x6] =	stream.indirect.gather [spmem:s3], $0x20, s9, s18, $0xb8;
	[tilespmem:$0x1BE00] =	vst v63  }
0x3c: {  	s10 =	simm.s32 $0x300  }
0x3d: {  	[tilespmem:s25], [sflag:$0x7] =	stream.indirect.gather [spmem:s3], $0x20, s10, s18, $0xb8;
	[tilespmem:$0x1BE00] =	vst v63  }
0x3e: {  	s8 =	simm.s32 $0x380  }
0x3f: {  	[tilespmem:s26], [sflag:$0x8] =	stream.indirect.gather [spmem:s3], $0x20, s8, s18, $0xb8;
	[tilespmem:$0x1BE00] =	vst v63  }
0x40: {  	_ =	swait.ge [sflag:s28], $0x1000  }
0x41: {  	[sflag:s28] =	ssyncset.done $0x0  }
0x42: {  	s9 =	simm.s32 $0x5000;
	[sflag:s28] =	ssyncadd.s32 $0xFFFFF000  }
0x43: {  	[spmem:s2] =	stream.indirect.scatter.add.f32 [tilespmem:s19], [sflag:$0x9], $0x20, s9, s18, $0xb8;
	[tilespmem:$0x1BE00] =	vst v63  }
0x44: {  	_ =	swait.ge [sflag:s14], $0x1000  }
0x45: {  	[sflag:s14] =	ssyncset.done $0x0  }
0x46: {  	[sflag:s14] =	ssyncadd.s32 $0xFFFFF000  }
0x47: {  	_ =	swait.ge [sflag:s29], $0x1000  }
0x48: {  	[sflag:s29] =	ssyncset.done $0x0  }
0x49: {  	s10 =	simm.s32 $0x5080;
	[sflag:s29] =	ssyncadd.s32 $0xFFFFF000  }
0x4a: {  	[spmem:s2] =	stream.indirect.scatter.add.f32 [tilespmem:s20], [sflag:$0x9], $0x20, s10, s18, $0xb8;
	[tilespmem:$0x1BE00] =	vst v63  }
0x4b: {  	_ =	swait.ge [sflag:s14], $0x1000  }
0x4c: {  	[sflag:s14] =	ssyncset.done $0x0  }
0x4d: {  	[sflag:s14] =	ssyncadd.s32 $0xFFFFF000  }
0x4e: {  	_ =	swait.ge [sflag:s30], $0x1000  }
0x4f: {  	[sflag:s30] =	ssyncset.done $0x0  }
0x50: {  	s8 =	simm.s32 $0x5100;
	[sflag:s30] =	ssyncadd.s32 $0xFFFFF000  }
0x51: {  	[spmem:s2] =	stream.indirect.scatter.add.f32 [tilespmem:s21], [sflag:$0x9], $0x20, s8, s18, $0xb8;
	[tilespmem:$0x1BE00] =	vst v63  }
0x52: {  	_ =	swait.ge [sflag:s14], $0x1000  }
0x53: {  	[sflag:s14] =	ssyncset.done $0x0  }
0x54: {  	[sflag:s14] =	ssyncadd.s32 $0xFFFFF000  }
0x55: {  	_ =	swait.ge [sflag:s31], $0x1000  }
0x56: {  	[sflag:s31] =	ssyncset.done $0x0  }
0x57: {  	s9 =	simm.s32 $0x5180;
	[sflag:s31] =	ssyncadd.s32 $0xFFFFF000  }
0x58: {  	[spmem:s2] =	stream.indirect.scatter.add.f32 [tilespmem:s22], [sflag:$0x9], $0x20, s9, s18, $0xb8;
	[tilespmem:$0x1BE00] =	vst v63  }
0x59: {  	_ =	swait.ge [sflag:s14], $0x1000  }
0x5a: {  	[sflag:s14] =	ssyncset.done $0x0  }
0x5b: {  	[sflag:s14] =	ssyncadd.s32 $0xFFFFF000  }
0x5c: {  	_ =	swait.ge [sflag:s0], $0x1000  }
0x5d: {  	[sflag:s0] =	ssyncset.done $0x0  }
0x5e: {  	s10 =	simm.s32 $0x5200;
	[sflag:s0] =	ssyncadd.s32 $0xFFFFF000  }
0x5f: {  	[spmem:s2] =	stream.indirect.scatter.add.f32 [tilespmem:s23], [sflag:$0x9], $0x20, s10, s18, $0xb8;
	[tilespmem:$0x1BE00] =	vst v63  }
0x60: {  	_ =	swait.ge [sflag:s14], $0x1000  }
0x61: {  	[sflag:s14] =	ssyncset.done $0x0  }
0x62: {  	[sflag:s14] =	ssyncadd.s32 $0xFFFFF000  }
0x63: {  	_ =	swait.ge [sflag:s1], $0x1000  }
0x64: {  	[sflag:s1] =	ssyncset.done $0x0  }
0x65: {  	s8 =	simm.s32 $0x5280;
	[sflag:s1] =	ssyncadd.s32 $0xFFFFF000  }
0x66: {  	[spmem:s2] =	stream.indirect.scatter.add.f32 [tilespmem:s24], [sflag:$0x9], $0x20, s8, s18, $0xb8;
	[tilespmem:$0x1BE00] =	vst v63  }
0x67: {  	_ =	swait.ge [sflag:s14], $0x1000  }
0x68: {  	[sflag:s14] =	ssyncset.done $0x0  }
0x69: {  	[sflag:s14] =	ssyncadd.s32 $0xFFFFF000  }
0x6a: {  	_ =	swait.ge [sflag:s15], $0x1000  }
0x6b: {  	[sflag:s15] =	ssyncset.done $0x0  }
0x6c: {  	s9 =	simm.s32 $0x5300;
	[sflag:s15] =	ssyncadd.s32 $0xFFFFF000  }
0x6d: {  	[spmem:s2] =	stream.indirect.scatter.add.f32 [tilespmem:s25], [sflag:$0x9], $0x20, s9, s18, $0xb8;
	[tilespmem:$0x1BE00] =	vst v63  }
0x6e: {  	_ =	swait.ge [sflag:s14], $0x1000  }
0x6f: {  	[sflag:s14] =	ssyncset.done $0x0  }
0x70: {  	[sflag:s14] =	ssyncadd.s32 $0xFFFFF000  }
0x71: {  	_ =	swait.ge [sflag:s4], $0x1000  }
0x72: {  	[sflag:s4] =	ssyncset.done $0x0  }
0x73: {  	s10 =	simm.s32 $0x5380;
	[sflag:s4] =	ssyncadd.s32 $0xFFFFF000  }
0x74: {  	[spmem:s2] =	stream.indirect.scatter.add.f32 [tilespmem:s26], [sflag:$0x9], $0x20, s10, s18, $0xb8;
	[tilespmem:$0x1BE00] =	vst v63  }
0x75: {  	_ =	swait.ge [sflag:s14], $0x1000  }
0x76: {  	s7 =	simm.s32 $0x1000;
	s8 =	simm.s32 $0x2000;
	[sflag:s14] =	ssyncset.done $0x0  }
.LBB2_2:
0x77: {  	s9 =	sshra.s32 s7, $0x2  }
0x78: {  	[sflag:s14] =	ssyncadd.s32 $0xFFFFF000;
	s7 =	smov.u32 s8;
	s10 =	sadd.s32 $0x1000, s8  }
0x79: {  	[tilespmem:s19], [sflag:$0x1] =	stream.indirect.gather [spmem:s3], $0x20, s9, s18, $0xb8;
	[tilespmem:$0x1BE00] =	vst v63  }
0x7a: {  	p1 =	sne.s32 s8, $0x13000;
	s8 =	sadd.s32 $0x80, s9  }
0x7b: {  	[tilespmem:s20], [sflag:$0x2] =	stream.indirect.gather [spmem:s3], $0x20, s8, s18, $0xb8;
	[tilespmem:$0x1BE00] =	vst v63  }
0x7c: {  	s8 =	sadd.s32 $0x100, s9  }
0x7d: {  	[tilespmem:s21], [sflag:$0x3] =	stream.indirect.gather [spmem:s3], $0x20, s8, s18, $0xb8;
	[tilespmem:$0x1BE00] =	vst v63  }
0x7e: {  	s8 =	sadd.s32 $0x180, s9  }
0x7f: {  	[tilespmem:s22], [sflag:$0x4] =	stream.indirect.gather [spmem:s3], $0x20, s8, s18, $0xb8;
	[tilespmem:$0x1BE00] =	vst v63  }
0x80: {  	s8 =	sadd.s32 $0x200, s9  }
0x81: {  	[tilespmem:s23], [sflag:$0x5] =	stream.indirect.gather [spmem:s3], $0x20, s8, s18, $0xb8;
	[tilespmem:$0x1BE00] =	vst v63  }
0x82: {  	s8 =	sadd.s32 $0x280, s9  }
0x83: {  	[tilespmem:s24], [sflag:$0x6] =	stream.indirect.gather [spmem:s3], $0x20, s8, s18, $0xb8;
	[tilespmem:$0x1BE00] =	vst v63  }
0x84: {  	s8 =	sadd.s32 $0x300, s9  }
0x85: {  	[tilespmem:s25], [sflag:$0x7] =	stream.indirect.gather [spmem:s3], $0x20, s8, s18, $0xb8;
	[tilespmem:$0x1BE00] =	vst v63  }
0x86: {  	s8 =	sadd.s32 $0x380, s9  }
0x87: {  	[tilespmem:s26], [sflag:$0x8] =	stream.indirect.gather [spmem:s3], $0x20, s8, s18, $0xb8;
	[tilespmem:$0x1BE00] =	vst v63  }
0x88: {  	_ =	swait.ge [sflag:s28], $0x1000  }
0x89: {  	[sflag:s28] =	ssyncset.done $0x0  }
0x8a: {  	s8 =	sadd.s32 $0x5000, s9;
	[sflag:s28] =	ssyncadd.s32 $0xFFFFF000  }
0x8b: {  	[spmem:s2] =	stream.indirect.scatter.add.f32 [tilespmem:s19], [sflag:$0x9], $0x20, s8, s18, $0xb8;
	[tilespmem:$0x1BE00] =	vst v63  }
0x8c: {  	_ =	swait.ge [sflag:s14], $0x1000  }
0x8d: {  	[sflag:s14] =	ssyncset.done $0x0  }
0x8e: {  	[sflag:s14] =	ssyncadd.s32 $0xFFFFF000  }
0x8f: {  	_ =	swait.ge [sflag:s29], $0x1000  }
0x90: {  	[sflag:s29] =	ssyncset.done $0x0  }
0x91: {  	s8 =	sadd.s32 $0x5080, s9;
	[sflag:s29] =	ssyncadd.s32 $0xFFFFF000  }
0x92: {  	[spmem:s2] =	stream.indirect.scatter.add.f32 [tilespmem:s20], [sflag:$0x9], $0x20, s8, s18, $0xb8;
	[tilespmem:$0x1BE00] =	vst v63  }
0x93: {  	_ =	swait.ge [sflag:s14], $0x1000  }
0x94: {  	[sflag:s14] =	ssyncset.done $0x0  }
0x95: {  	[sflag:s14] =	ssyncadd.s32 $0xFFFFF000  }
0x96: {  	_ =	swait.ge [sflag:s30], $0x1000  }
0x97: {  	[sflag:s30] =	ssyncset.done $0x0  }
0x98: {  	s8 =	sadd.s32 $0x5100, s9;
	[sflag:s30] =	ssyncadd.s32 $0xFFFFF000  }
0x99: {  	[spmem:s2] =	stream.indirect.scatter.add.f32 [tilespmem:s21], [sflag:$0x9], $0x20, s8, s18, $0xb8;
	[tilespmem:$0x1BE00] =	vst v63  }
0x9a: {  	_ =	swait.ge [sflag:s14], $0x1000  }
0x9b: {  	[sflag:s14] =	ssyncset.done $0x0  }
0x9c: {  	[sflag:s14] =	ssyncadd.s32 $0xFFFFF000  }
0x9d: {  	_ =	swait.ge [sflag:s31], $0x1000  }
0x9e: {  	[sflag:s31] =	ssyncset.done $0x0  }
0x9f: {  	s8 =	sadd.s32 $0x5180, s9;
	[sflag:s31] =	ssyncadd.s32 $0xFFFFF000  }
0xa0: {  	[spmem:s2] =	stream.indirect.scatter.add.f32 [tilespmem:s22], [sflag:$0x9], $0x20, s8, s18, $0xb8;
	[tilespmem:$0x1BE00] =	vst v63  }
0xa1: {  	_ =	swait.ge [sflag:s14], $0x1000  }
0xa2: {  	[sflag:s14] =	ssyncset.done $0x0  }
0xa3: {  	[sflag:s14] =	ssyncadd.s32 $0xFFFFF000  }
0xa4: {  	_ =	swait.ge [sflag:s0], $0x1000  }
0xa5: {  	[sflag:s0] =	ssyncset.done $0x0  }
0xa6: {  	s8 =	sadd.s32 $0x5200, s9;
	[sflag:s0] =	ssyncadd.s32 $0xFFFFF000  }
0xa7: {  	[spmem:s2] =	stream.indirect.scatter.add.f32 [tilespmem:s23], [sflag:$0x9], $0x20, s8, s18, $0xb8;
	[tilespmem:$0x1BE00] =	vst v63  }
0xa8: {  	_ =	swait.ge [sflag:s14], $0x1000  }
0xa9: {  	[sflag:s14] =	ssyncset.done $0x0  }
0xaa: {  	[sflag:s14] =	ssyncadd.s32 $0xFFFFF000  }
0xab: {  	_ =	swait.ge [sflag:s1], $0x1000  }
0xac: {  	[sflag:s1] =	ssyncset.done $0x0  }
0xad: {  	s8 =	sadd.s32 $0x5280, s9;
	[sflag:s1] =	ssyncadd.s32 $0xFFFFF000  }
0xae: {  	[spmem:s2] =	stream.indirect.scatter.add.f32 [tilespmem:s24], [sflag:$0x9], $0x20, s8, s18, $0xb8;
	[tilespmem:$0x1BE00] =	vst v63  }
0xaf: {  	_ =	swait.ge [sflag:s14], $0x1000  }
0xb0: {  	[sflag:s14] =	ssyncset.done $0x0  }
0xb1: {  	[sflag:s14] =	ssyncadd.s32 $0xFFFFF000  }
0xb2: {  	_ =	swait.ge [sflag:s15], $0x1000  }
0xb3: {  	[sflag:s15] =	ssyncset.done $0x0  }
0xb4: {  	s8 =	sadd.s32 $0x5300, s9;
	[sflag:s15] =	ssyncadd.s32 $0xFFFFF000  }
0xb5: {  	[spmem:s2] =	stream.indirect.scatter.add.f32 [tilespmem:s25], [sflag:$0x9], $0x20, s8, s18, $0xb8;
	[tilespmem:$0x1BE00] =	vst v63  }
0xb6: {  	_ =	swait.ge [sflag:s14], $0x1000  }
0xb7: {  	[sflag:s14] =	ssyncset.done $0x0  }
0xb8: {  	[sflag:s14] =	ssyncadd.s32 $0xFFFFF000  }
0xb9: {  	_ =	swait.ge [sflag:s4], $0x1000  }
.Ltmp0:
0xba: {  	[sflag:s4] =	ssyncset.done $0x0;
	(pc) =	sbr.rel @p1 .LBB2_2-.Ltmp0, $4  }
0xbb: {  	s8 =	sadd.s32 $0x5380, s9;
	[sflag:s4] =	ssyncadd.s32 $0xFFFFF000  }
0xbc: {  	[spmem:s2] =	stream.indirect.scatter.add.f32 [tilespmem:s26], [sflag:$0x9], $0x20, s8, s18, $0xb8;
	[tilespmem:$0x1BE00] =	vst v63  }
0xbd: {  	_ =	swait.ge [sflag:s14], $0x1000  }
0xbe: {  	s8 =	smov.u32 s10;
	[sflag:s14] =	ssyncset.done $0x0  }
0xbf: {  	s7 =	sshra.s32 s7, $0x2;
	[sflag:s14] =	ssyncadd.s32 $0xFFFFF000  }
0xc0: {  	[tilespmem:s19], [sflag:$0x1] =	stream.indirect.gather [spmem:s3], $0x20, s7, s18, $0xb8;
	[tilespmem:$0x1BE00] =	vst v63  }
0xc1: {  	s8 =	sadd.s32 $0x80, s7  }
0xc2: {  	[tilespmem:s20], [sflag:$0x2] =	stream.indirect.gather [spmem:s3], $0x20, s8, s18, $0xb8;
	[tilespmem:$0x1BE00] =	vst v63  }
0xc3: {  	s10 =	sadd.s32 $0x100, s7  }
0xc4: {  	[tilespmem:s21], [sflag:$0x3] =	stream.indirect.gather [spmem:s3], $0x20, s10, s18, $0xb8;
	[tilespmem:$0x1BE00] =	vst v63  }
0xc5: {  	s9 =	sadd.s32 $0x180, s7  }
0xc6: {  	[tilespmem:s22], [sflag:$0x4] =	stream.indirect.gather [spmem:s3], $0x20, s9, s18, $0xb8;
	[tilespmem:$0x1BE00] =	vst v63  }
0xc7: {  	s10 =	sadd.s32 $0x200, s7  }
0xc8: {  	[tilespmem:s23], [sflag:$0x5] =	stream.indirect.gather [spmem:s3], $0x20, s10, s18, $0xb8;
	[tilespmem:$0x1BE00] =	vst v63  }
0xc9: {  	s9 =	sadd.s32 $0x280, s7  }
0xca: {  	[tilespmem:s24], [sflag:$0x6] =	stream.indirect.gather [spmem:s3], $0x20, s9, s18, $0xb8;
	[tilespmem:$0x1BE00] =	vst v63  }
0xcb: {  	s10 =	sadd.s32 $0x300, s7  }
0xcc: {  	[tilespmem:s25], [sflag:$0x7] =	stream.indirect.gather [spmem:s3], $0x20, s10, s18, $0xb8;
	[tilespmem:$0x1BE00] =	vst v63  }
0xcd: {  	s9 =	sadd.s32 $0x380, s7  }
0xce: {  	[tilespmem:s26], [sflag:$0x8] =	stream.indirect.gather [spmem:s3], $0x20, s9, s18, $0xb8;
	[tilespmem:$0x1BE00] =	vst v63  }
0xcf: {  	_ =	swait.ge [sflag:s28], $0x1000  }
0xd0: {  	[sflag:s28] =	ssyncset.done $0x0  }
0xd1: {  	s10 =	sadd.s32 $0x5000, s7;
	[sflag:s28] =	ssyncadd.s32 $0xFFFFF000  }
0xd2: {  	[spmem:s2] =	stream.indirect.scatter.add.f32 [tilespmem:s19], [sflag:$0x9], $0x20, s10, s18, $0xb8;
	[tilespmem:$0x1BE00] =	vst v63  }
0xd3: {  	_ =	swait.ge [sflag:s14], $0x1000  }
0xd4: {  	[sflag:s14] =	ssyncset.done $0x0  }
0xd5: {  	[sflag:s14] =	ssyncadd.s32 $0xFFFFF000  }
0xd6: {  	_ =	swait.ge [sflag:s29], $0x1000  }
0xd7: {  	[sflag:s29] =	ssyncset.done $0x0  }
0xd8: {  	s9 =	sadd.s32 $0x5080, s7;
	[sflag:s29] =	ssyncadd.s32 $0xFFFFF000  }
0xd9: {  	[spmem:s2] =	stream.indirect.scatter.add.f32 [tilespmem:s20], [sflag:$0x9], $0x20, s9, s18, $0xb8;
	[tilespmem:$0x1BE00] =	vst v63  }
0xda: {  	_ =	swait.ge [sflag:s14], $0x1000  }
0xdb: {  	[sflag:s14] =	ssyncset.done $0x0  }
0xdc: {  	[sflag:s14] =	ssyncadd.s32 $0xFFFFF000  }
0xdd: {  	_ =	swait.ge [sflag:s30], $0x1000  }
0xde: {  	[sflag:s30] =	ssyncset.done $0x0  }
0xdf: {  	s10 =	sadd.s32 $0x5100, s7;
	[sflag:s30] =	ssyncadd.s32 $0xFFFFF000  }
0xe0: {  	[spmem:s2] =	stream.indirect.scatter.add.f32 [tilespmem:s21], [sflag:$0x9], $0x20, s10, s18, $0xb8;
	[tilespmem:$0x1BE00] =	vst v63  }
0xe1: {  	_ =	swait.ge [sflag:s14], $0x1000  }
0xe2: {  	[sflag:s14] =	ssyncset.done $0x0  }
0xe3: {  	[sflag:s14] =	ssyncadd.s32 $0xFFFFF000  }
0xe4: {  	_ =	swait.ge [sflag:s31], $0x1000  }
0xe5: {  	[sflag:s31] =	ssyncset.done $0x0  }
0xe6: {  	s9 =	sadd.s32 $0x5180, s7;
	[sflag:s31] =	ssyncadd.s32 $0xFFFFF000  }
0xe7: {  	[spmem:s2] =	stream.indirect.scatter.add.f32 [tilespmem:s22], [sflag:$0x9], $0x20, s9, s18, $0xb8;
	[tilespmem:$0x1BE00] =	vst v63  }
0xe8: {  	_ =	swait.ge [sflag:s14], $0x1000  }
0xe9: {  	[sflag:s14] =	ssyncset.done $0x0  }
0xea: {  	[sflag:s14] =	ssyncadd.s32 $0xFFFFF000  }
0xeb: {  	_ =	swait.ge [sflag:s0], $0x1000  }
0xec: {  	[sflag:s0] =	ssyncset.done $0x0  }
0xed: {  	s10 =	sadd.s32 $0x5200, s7;
	[sflag:s0] =	ssyncadd.s32 $0xFFFFF000  }
0xee: {  	[spmem:s2] =	stream.indirect.scatter.add.f32 [tilespmem:s23], [sflag:$0x9], $0x20, s10, s18, $0xb8;
	[tilespmem:$0x1BE00] =	vst v63  }
0xef: {  	_ =	swait.ge [sflag:s14], $0x1000  }
0xf0: {  	[sflag:s14] =	ssyncset.done $0x0  }
0xf1: {  	[sflag:s14] =	ssyncadd.s32 $0xFFFFF000  }
0xf2: {  	_ =	swait.ge [sflag:s1], $0x1000  }
0xf3: {  	[sflag:s1] =	ssyncset.done $0x0  }
0xf4: {  	s9 =	sadd.s32 $0x5280, s7;
	[sflag:s1] =	ssyncadd.s32 $0xFFFFF000  }
0xf5: {  	[spmem:s2] =	stream.indirect.scatter.add.f32 [tilespmem:s24], [sflag:$0x9], $0x20, s9, s18, $0xb8;
	[tilespmem:$0x1BE00] =	vst v63  }
0xf6: {  	_ =	swait.ge [sflag:s14], $0x1000  }
0xf7: {  	[sflag:s14] =	ssyncset.done $0x0  }
0xf8: {  	[sflag:s14] =	ssyncadd.s32 $0xFFFFF000  }
0xf9: {  	_ =	swait.ge [sflag:s15], $0x1000  }
0xfa: {  	[sflag:s15] =	ssyncset.done $0x0  }
0xfb: {  	s10 =	sadd.s32 $0x5300, s7;
	[sflag:s15] =	ssyncadd.s32 $0xFFFFF000  }
0xfc: {  	[spmem:s2] =	stream.indirect.scatter.add.f32 [tilespmem:s25], [sflag:$0x9], $0x20, s10, s18, $0xb8;
	[tilespmem:$0x1BE00] =	vst v63  }
0xfd: {  	_ =	swait.ge [sflag:s14], $0x1000  }
0xfe: {  	[sflag:s14] =	ssyncset.done $0x0  }
0xff: {  	[sflag:s14] =	ssyncadd.s32 $0xFFFFF000  }
0x100: {  	_ =	swait.ge [sflag:s4], $0x1000  }
0x101: {  	[sflag:s4] =	ssyncset.done $0x0  }
0x102: {  	s7 =	sadd.s32 $0x5380, s7;
	[sflag:s4] =	ssyncadd.s32 $0xFFFFF000  }
0x103: {  	[spmem:s2] =	stream.indirect.scatter.add.f32 [tilespmem:s26], [sflag:$0x9], $0x20, s7, s18, $0xb8;
	[tilespmem:$0x1BE00] =	vst v63  }
0x104: {  	_ =	swait.ge [sflag:s14], $0x1000  }
0x105: {  	s5 =	sadd.s32 $0x1, s5;
	[sflag:s14] =	ssyncset.done $0x0  }
0x106: {  	p1 =	sne.s32 s5, s12;
	[sflag:s14] =	ssyncadd.s32 $0xFFFFF000  }
.Ltmp1:
0x107: {  	[bflag:$0x0] =	sbarrier.arrive $0xFFFF;
	(pc) =	sbr.rel @p1 .LBB2_1-.Ltmp1, $4  }
0x108: {  	[hbm:s11], [sflag:s6] =	dma.local [spmem:s13], $0x9E0  }
0x109: {  	_ =	swait.ge [sflag:s14], $0x9E0  }
0x10a: {  	[sflag:s14] =	ssyncset.done $0x0  }
0x10b: {  	[sflag:s14] =	ssyncadd.s32 $0xFFFFF620  }
0x10c: {  	_ =	sfence.sel $0x180000  }
0x10d: {  	[bflag:$0x0] =	sbarrier.arrive $0xFFFF  }
0x10e: {  	_ =	strace $0x9000004D  }
0x10f: {  	s0 =	stileid.u32;
	[bflag:$0x2] =	sbarrier.arrive $0xFFFF  }
0x110: {  	p0 =	sne.s32 s0, $0x0;
	s0 =	rddreg [dreg:$0x3]  }
0x111: {  	s0 =	sadd.s32 @!p0 $0x100000, s0  }
0x112: {  	[sflag:s0] =	ssyncadd.tile.s32 @!p0 $0x1;
	_ =	shalt  }
.Lfunc_end2:
_tile_overlayer_lowered:
.L_overlay_start_2:
0x113: {  	(tag) =	ssettag $0x2  }
0x114: {  	s0 =	rddreg [dreg:$0x0];
	s2 =	stileid.u32  }
0x115: {  	s1 =	rddreg [dreg:$0x1];
	p0 =	sne.s32 s2, $0x0  }
0x116: {  	s3 =	rddreg [dreg:$0x2];
	[bflag:$0x3] =	sbarrier.arrive $0xFFFF;
	s2 =	simm.s32 @!p0 $0x1C09  }
0x117: {  	[timem:s3], [sflag:s2] =	dma.local @!p0 [hbm:s0], s1  }
0x118: {  	s0 =	simm.s32 @!p0 $0x9  }
0x119: {  	_ =	swait.ge @!p0 [sflag:s0], s1  }
0x11a: {  	s1 =	ssub.s32 @!p0 $0x0, s1;
	[sflag:s0] =	ssyncset.done @!p0 $0x0  }
0x11b: {  	[sflag:s0] =	ssyncadd.s32 @!p0 s1  }
0x11c: {  	[bflag:$0x3] =	sbarrier.arrive $0xFFFF  }
0x11d: {  	_ =	shalt  }

// kernel: kernel.8.cloned.1.call-start
scs
__scs_entry_jumppad:
0x0: {  	(pc) =	sbr.rel $0x88, $3  }
0x1: {  	(tag) =	ssettag $0x0;
	lr =	simm.s32 $0x1  }
0x2: {  	[smem:$0x3F96] =	sst lr;
	_ =	strace $0xD0000000  }
0x3: {  	_ = 	snop  }
0x4: {  	_ = 	snop  }
0x5: {  	_ = 	snop  }
0x6: {  	_ = 	snop  }
0x7: {  	_ = 	snop  }
__scs_overlays_trampoline_lowered:
0x8: {  	[smem:$0x3FA5] =	sst s0  }
0x9: {  	[smem:$0x3FA6] =	sst s1  }
0xa: {  	[smem:$0x3FA7] =	sst s2  }
0xb: {  	[smem:$0x3FA8] =	sst s3  }
0xc: {  	[smem:$0x3FA9] =	sst s4  }
0xd: {  	[smem:$0x3FAA] =	sst s5  }
0xe: {  	[smem:$0x3FAB] =	sst s6  }
0xf: {  	[smem:$0x3FAC] =	sst s7  }
0x10: {  	[smem:$0x3FAD] =	sst s8  }
0x11: {  	[smem:$0x3FAE] =	sst s9;
	s0 =	simm.s32 @!p0 $0x0  }
0x12: {  	s1 =	sld [smem:$0x3F94];
	s0 =	simm.s32 @p0 $0x1  }
0x13: {  	[smem:$0x3FAF] =	sst s0;
	s0 =	simm.s32 @!p1 $0x0  }
0x14: {  	s2 =	sld [smem:$0x3F93];
	s0 =	simm.s32 @p1 $0x1  }
0x15: {  	[smem:$0x3FB0] =	sst s0;
	s0 =	simm.s32 @!p2 $0x0  }
0x16: {  	s3 =	sld [smem:$0x3FDB];
	s0 =	simm.s32 @p2 $0x1  }
0x17: {  	s4 =	simm.s32 $0x1BF5;
	[smem:$0x3FB2] =	sst s0  }
0x18: {  	s0 =	sld [smem:$0x3F95];
	_ =	swait.ge [sflag:s4], $0x0  }
0x19: {  	s7 =	sld [smem:$0x3F96]  }
0x1a: {  	s8 =	sadd.s32 $0xFFFFE003, lr  }
0x1b: {  	s9 =	sadd.s32 $0xFFFFFEF7, lr;
	s5 =	simm.s32 $0xFFFFFFFF;
	p2 =	slt.u32 s8, $0xFFFFF086  }
0x1c: {  	p1 =	slt.u32 s9, $0xF7A;
	s5 =	simm.s32 @!p2 $0x0  }
0x1d: {  	s5 =	simm.s32 @p1 $0x1;
	p0 =	seq.s32 s7, s2  }
0x1e: {  	s7 =	smul.u32 @!p0 $0xF7A, s2;
	p2 =	seq.s32 @!p0 s5, $0x0  }
0x1f: {  	s9 =	smul.u32 $0xF7A, s1;
	s8 =	simm.s32 @!p0 $0x1BF5;
	p2 =	por !p2, p0  }
0x20: {  	[sflag:s8] =	ssyncset.s32 @!p0 $0xFFFFF086;
	s6 =	sadd.s32 @!p0 s3, s7;
	s7 =	simm.s32 @!p0 $0x108  }
0x21: {  	s3 =	sadd.s32 s3, s9;
	s6 =	sadd.s32 @!p0 $0x88, s6;
	s7 =	simm.s32 @p2 $0x1082  }
0x22: {  	[simem:s7], [sflag:s8] =	dma.local @!p0 [hbm:s6], $0xF7A  }
0x23: {  	s9 =	sor.u32 $0xD0000000, s2;
	s6 =	simm.s32 $0x108;
	_ =	swait.ge @!p0 [sflag:s8], $0x0  }
0x24: {  	s3 =	sadd.s32 $0x88, s3;
	s6 =	simm.s32 @!p1 $0x1082;
	[sflag:s4] =	ssyncset.s32 $0xFFFFF086  }
0x25: {  	[simem:s6], [sflag:s4] =	dma.local [hbm:s3], $0xF7A  }
0x26: {  	[smem:$0x3F96] =	sst s1;
	(tag) =	ssettag s2;
	_ =	strace s9  }
0x27: {  	s1 =	sld [smem:$0x3FA6]  }
0x28: {  	s2 =	sld [smem:$0x3FA7]  }
0x29: {  	s4 =	sld [smem:$0x3FA9]  }
0x2a: {  	p0 =	seq.s32 s5, $0x0;
	s5 =	sld [smem:$0x3FAA]  }
0x2b: {  	s6 =	sld [smem:$0x3FAB]  }
0x2c: {  	s7 =	sld [smem:$0x3FAC]  }
0x2d: {  	s3 =	simm.s32 $0x108;
	s8 =	sld [smem:$0x3FAD]  }
0x2e: {  	s3 =	simm.s32 @!p0 $0x1082;
	s9 =	sld [smem:$0x3FAE]  }
0x2f: {  	lr =	sadd.s32 s0, s3;
	s0 =	sld [smem:$0x3FA5]  }
0x30: {  	s3 =	sld [smem:$0x3FA8]  }
0x31: {  	[smem:$0x3FB1] =	sst s10  }
0x32: {  	s10 =	sld [smem:$0x3FAF];
	_ =	sdelay $0x3  }
0x33: {  	p0 =	seq.s32 s10, $0x1;
	s10 =	sld [smem:$0x3FB1];
	_ =	sdelay $0x3  }
0x34: {  	[smem:$0x3FB1] =	sst s10  }
0x35: {  	s10 =	sld [smem:$0x3FB0];
	_ =	sdelay $0x3  }
0x36: {  	p1 =	seq.s32 s10, $0x1;
	s10 =	sld [smem:$0x3FB1];
	_ =	sdelay $0x3  }
0x37: {  	[smem:$0x3FB1] =	sst s10  }
0x38: {  	s10 =	sld [smem:$0x3FB2]  }
0x39: {  	_ = 	snop;
	(pc) =	sbr.ind lr, $3  }
0x3a: {  	_ = 	snop  }
0x3b: {  	_ = 	snop  }
0x3c: {  	p2 =	seq.s32 s10, $0x1;
	s10 =	sld [smem:$0x3FB1]  }
0x3d: {  	_ =	shalt  }
0x3e: {  	_ =	shalt  }
0x3f: {  	_ =	shalt  }
0x40: {  	_ =	shalt  }
0x41: {  	_ =	shalt  }
0x42: {  	_ =	shalt  }
0x43: {  	_ =	shalt  }
0x44: {  	_ =	shalt  }
0x45: {  	_ =	shalt  }
0x46: {  	_ =	shalt  }
0x47: {  	_ =	shalt  }
0x48: {  	_ =	shalt  }
0x49: {  	_ =	shalt  }
0x4a: {  	_ =	shalt  }
0x4b: {  	_ =	shalt  }
0x4c: {  	_ =	shalt  }
0x4d: {  	_ =	shalt  }
0x4e: {  	_ =	shalt  }
0x4f: {  	_ =	shalt  }
0x50: {  	_ =	shalt  }
0x51: {  	_ =	shalt  }
0x52: {  	_ =	shalt  }
0x53: {  	_ =	shalt  }
0x54: {  	_ =	shalt  }
0x55: {  	_ =	shalt  }
0x56: {  	_ =	shalt  }
0x57: {  	_ =	shalt  }
0x58: {  	_ =	shalt  }
0x59: {  	_ =	shalt  }
0x5a: {  	_ =	shalt  }
0x5b: {  	_ =	shalt  }
0x5c: {  	_ =	shalt  }
0x5d: {  	_ =	shalt  }
0x5e: {  	_ =	shalt  }
0x5f: {  	_ =	shalt  }
0x60: {  	_ =	shalt  }
0x61: {  	_ =	shalt  }
0x62: {  	_ =	shalt  }
0x63: {  	_ =	shalt  }
0x64: {  	_ =	shalt  }
0x65: {  	_ =	shalt  }
0x66: {  	_ =	shalt  }
0x67: {  	_ =	shalt  }
0x68: {  	_ =	shalt  }
0x69: {  	_ =	shalt  }
0x6a: {  	_ =	shalt  }
0x6b: {  	_ =	shalt  }
0x6c: {  	_ =	shalt  }
0x6d: {  	_ =	shalt  }
0x6e: {  	_ =	shalt  }
0x6f: {  	_ =	shalt  }
0x70: {  	_ =	shalt  }
0x71: {  	_ =	shalt  }
0x72: {  	_ =	shalt  }
0x73: {  	_ =	shalt  }
0x74: {  	_ =	shalt  }
0x75: {  	_ =	shalt  }
0x76: {  	_ =	shalt  }
0x77: {  	_ =	shalt  }
0x78: {  	_ =	shalt  }
0x79: {  	_ =	shalt  }
0x7a: {  	_ =	shalt  }
0x7b: {  	_ =	shalt  }
0x7c: {  	_ =	shalt  }
0x7d: {  	_ =	shalt  }
0x7e: {  	_ =	shalt  }
0x7f: {  	_ =	shalt  }
0x80: {  	_ =	shalt  }
0x81: {  	_ =	shalt  }
0x82: {  	_ =	shalt  }
0x83: {  	_ =	shalt  }
0x84: {  	_ =	shalt  }
0x85: {  	_ =	shalt  }
0x86: {  	_ =	shalt  }
0x87: {  	_ =	shalt  }
.Lfunc_end0:
.L_simem_size_0:
called_computation_lowered:
.L_overlay_start_0:
0x88: {  	s2 =	sld [smem:$0x3FD9]  }
0x89: {  	s3 =	sld [smem:$0x3FFE];
	_ =	sdelay $0x1  }
0x8a: {  	s1 =	srdreg.scid  }
0x8b: {  	s0 =	sand.u32 $0x1, s1  }
0x8c: {  	s17 =	sshll.u32 s0, $0xA;
	s2 =	sadd.s32 s3, s2  }
0x8d: {  	s2 =	sadd.s32 s2, s17  }
0x8e: {  	[smem:$0x3FBD] =	sst s2  }
0x8f: {  	_ = 	snop  }
0x90: {  	s18 =	sld [smem:$0x3FD0];
	(tm) =	ssettm $0x1  }
0x91: {  	s19 =	sld [smem:$0x3FFB];
	_ =	sdelay $0x3  }
0x92: {  	_ =	strace s19  }
0x93: {  	s2 =	sld [smem:$0x3FFC];
	_ =	sdelay $0x3  }
0x94: {  	_ =	strace s2  }
0x95: {  	s2 =	sld [smem:$0x3FFD];
	_ =	sdelay $0x3  }
0x96: {  	_ =	strace s2  }
0x97: {  	_ =	strace $0x8FFFFFFF  }
0x98: {  	s20 =	sld [smem:$0x3FDB];
	_ =	sdelay $0x1  }
0x99: {  	s4 =	simm.s32 $_scs_section_size  }
0x9a: {  	s5 =	simm.s32 $_size__tile_overlayer_lowered;
	s6 =	simm.s32 $_tile_overlayer_lowered  }
0x9b: {  	s7 =	simm.s32 $0x1BFF;
	s21 =	sshll.u32 s6, $0x1;
	s4 =	sadd.s32 s4, s20  }
0x9c: {  	s22 =	simm.s32 $0x0;
	s5 =	sshll.u32 s5, $0x1;
	s6 =	sadd.s32 s21, s4  }
0x9d: {  	[timem:s22], [sflag:s7] =	dma.local [hbm:s6], s5  }
0x9e: {  	_ =	swait.ge [sflag:s7], s5  }
0x9f: {  	s5 =	ssub.s32 $0x0, s5;
	[sflag:s7] =	ssyncset.done $0x0  }
0xa0: {  	[sflag:s7] =	ssyncadd.s32 s5;
	_ =	sdelay $0x1  }
0xa1: {  	s23 =	simm.s32 $0x1B8B  }
0xa2: {  	_ =	swait.ge [sflag:s23], $0x1  }
0xa3: {  	[sflag:s23] =	ssyncset.done $0x0  }
0xa4: {  	[sflag:s23] =	ssyncadd.s32 $0xFFFFFFFF  }
0xa5: {  	s5 =	sld [smem:$0x0]  }
0xa6: {  	s6 =	sand.u32 $0xFFFFFFFE, s1  }
0xa7: {  	p0 =	sne.s32 s1, s6  }
0xa8: {  	s6 =	sshll.u32 @p0 s6, $0xE  }
0xa9: {  	s6 =	sadd.s32 @p0 $0x11B8D, s6;
	s7 =	sshll.u32 @p0 s5, $0x11  }
0xaa: {  	s6 =	sor.u32 @p0 s7, s6  }
0xab: {  	[sflag:s6] =	ssyncadd.remote.s32 @p0 $0x1;
	_ =	sdelay $0x1  }
0xac: {  	s6 =	simm.s32 @p0 $0x1B8D  }
0xad: {  	_ =	swait.eq @p0 [sflag:s6], $0x1  }
0xae: {  	[sflag:s6] =	ssyncadd.s32 @p0 $0xFFFFFFFF  }
0xaf: {  	s7 =	sshll.u32 @!p0 s1, $0xE  }
0xb0: {  	s7 =	sor.u32 @!p0 $0x4000, s7;
	s6 =	simm.s32 @!p0 $0x1B8D  }
0xb1: {  	s5 =	sshll.u32 @!p0 s5, $0x11;
	s7 =	sadd.s32 @!p0 $0x11B8D, s7;
	_ =	swait.eq @!p0 [sflag:s6], $0x1  }
0xb2: {  	s5 =	sor.u32 @!p0 s5, s7;
	[sflag:s6] =	ssyncadd.s32 @!p0 $0xFFFFFFFF  }
0xb3: {  	s25 =	simm.s32 $0x1B8E;
	s24 =	sld [smem:$0x3FFE];
	[sflag:s5] =	ssyncadd.remote.s32 @!p0 $0x1  }
0xb4: {  	s26 =	simm.s32 $execute0_lowered;
	[smem:$0x3FD2] =	sst s25  }
0xb5: {  	s6 =	sshll.u32 s26, $0x1;
	_ =	strace $0x80000049;
	[dreg:$0x1] =	wrdreg $0xFFFFFFFF  }
0xb6: {  	s28 =	simm.s32 $_size_execute0_lowered;
	s4 =	sadd.s32 s4, s6;
	[dreg:$0x0] =	wrdreg $0x0  }
0xb7: {  	s6 =	sshll.u32 s28, $0x1;
	[dreg:$0x2] =	wrdreg s4  }
0xb8: {  	[dreg:$0x3] =	wrdreg s6  }
0xb9: {  	[dreg:$0x4] =	wrdreg $0xC0  }
0xba: {  	_ =	task [dreg:s22], $0x5FFFF  }
0xbb: {  	[dreg:$0x1] =	wrdreg $0xFFFFFFFF  }
0xbc: {  	[dreg:$0x0] =	wrdreg $0x60  }
0xbd: {  	[dreg:$0x2] =	wrdreg s24  }
0xbe: {  	[dreg:$0x3] =	wrdreg s18  }
0xbf: {  	[dreg:$0x4] =	wrdreg $0x30000  }
0xc0: {  	[dreg:$0x5] =	wrdreg $0x9  }
0xc1: {  	_ =	task.clear_ibuf [dreg:s22], $0x6FFFF;
	_ =	strace $0x90000049  }
0xc2: {  	s29 =	simm.s32 $0x9;
	_ =	strace $0x8000004B  }
0xc3: {  	_ =	swait.ge [sflag:s29], $0x1  }
0xc4: {  	[sflag:s29] =	ssyncadd.s32 $0xFFFFFFFF  }
0xc5: {  	_ =	strace $0x9000004B  }
0xc6: {  	_ =	sfence  }
0xc7: {  	s30 =	sld [smem:$0x0];
	_ =	sdelay $0x2  }
0xc8: {  	s31 =	sshll.u32 s1, $0xD;
	s1 =	sshrl.u32 s1, $0x2  }
0xc9: {  	s4 =	sand.u32 $0x4000, s31;
	s1 =	sadd.s32 s1, s30  }
0xca: {  	s0 =	sor.u32 s4, s0;
	s1 =	sshll.u32 s1, $0x11  }
0xcb: {  	s0 =	sor.u32 s1, s0  }
0xcc: {  	s0 =	sadd.s32 $0x8F2B, s0  }
0xcd: {  	[sflag:s0] =	ssyncadd.remote.s32 $0x1  }
0xce: {  	_ =	sfence.sel $0xFFFF  }
0xcf: {  	[dreg:$0x0] =	wrdreg $0xFFFFFFFF;
	(pc) =	sbr.abs _section_cstart, $3  }
0xd0: {  	[dreg:$0x1] =	wrdreg $0xFFFFFFFF  }
0xd1: {  	_ =	task.clear_ibuf [dreg:s22], $0x2FFFF;
	_ =	strace $0x9FFFFFFF  }
0xd2: {  	(tm) =	ssettm $0x7FFFFFFF  }
0xd3: {  	_ =	shalt  }
tec
execute0_lowered:
.L_overlay_start_1:
0x0: {  	(tag) =	ssettag $0x1  }
0x1: {  	s5 =	rddreg [dreg:$0x0]  }
0x2: {  	s1 =	srdreg.scid;
	s2 =	rddreg [dreg:$0x1]  }
0x3: {  	s0 =	stileid.u32;
	s3 =	rddreg [dreg:$0x2];
	s4 =	simm.s32 $0x0  }
0x4: {  	s13 =	simm.s32 $0x80;
	s14 =	simm.s32 $0x0;
	s6 =	sand.u32 $0x1, s1  }
0x5: {  	s30 =	sshll.u32 s0, $0x1;
	s8 =	smul.u32 $0x2780, s0;
	[smem:$0x7FF] =	sst s4  }
0x6: {  	s31 =	sshll.u32 s0, $0x6;
	s1 =	sor.u32 s6, s30;
	s9 =	smul.u32 $0x27800, s6  }
0x7: {  	s6 =	ssub.s32 $0x2, s6;
	s7 =	smul.u32 $0x500, s1;
	s1 =	rddreg [dreg:$0x3]  }
0x8: {  	_ =	strace $0x8000004A;
	s10 =	sshrl.u32 s8, $0x3;
	s11 =	sshrl.u32 s6, $0x1  }
0x9: {  	s12 =	sadd.s32 s8, s3;
	s9 =	sadd.s32 s8, s9;
	s10 =	sadd.s32 s10, s5  }
0xa: {  	s11 =	ssub.s32 s6, s11;
	s6 =	sor.u32 $0x1C01, s31;
	s9 =	sshrl.u32 s9, $0x3  }
0xb: {  	s7 =	sadd.s32 s7, s5;
	s9 =	sadd.s32 s9, s5;
	s5 =	sadd.s32 $0x47000, s10  }
0xc: {  	s7 =	sadd.s32 $0x15600, s7;
	s10 =	sshrl.u32 s12, $0x3;
	s12 =	simm.s32 $0x2800  }
0xd: {  	s8 =	sadd.s32 $0x4C000, s9;
	s9 =	smax.u32 s11, $0x1;
	s11 =	simm.s32 $0x1  }
.LBB2_1:
0xe: {  	[spmem:s10], [sflag:s6] =	dma.local [hbm:s5], $0x4F0  }
0xf: {  	_ =	swait.ge [sflag:s11], $0x4F0  }
0x10: {  	[sflag:s11] =	ssyncset.done $0x0  }
0x11: {  	[sflag:s11] =	ssyncadd.s32 $0xFFFFFB10  }
0x12: {  	[tilespmem:s12], [sflag:$0x1] =	stream.linear.gather [hbm4b:s2+s4], $0x800, $0x38;
	[tilespmem:$0x5780] =	vst v63  }
0x13: {  	_ =	swait.ge [sflag:s11], $0x800  }
0x14: {  	[sflag:s11] =	ssyncset.done $0x0  }
0x15: {  	[sflag:s11] =	ssyncadd.s32 $0xFFFFF800  }
0x16: {  	[tilespmem:s4], [sflag:$0x1] =	stream.linear.gather [hbm4b:s7+s4], $0x2800, $0x38;
	[tilespmem:$0x5780] =	vst v63  }
0x17: {  	_ =	swait.ge [sflag:s11], $0x2800  }
0x18: {  	[sflag:s11] =	ssyncset.done $0x0  }
0x19: {  	[sflag:s11] =	ssyncadd.s32 $0xFFFFD800  }
0x1a: {  	s15 =	simm.s32 $0x0;
	[bflag:$0x0] =	sbarrier.arrive $0xFFFF  }
0x1b: {  	[spmem:s3] =	stream.indirect.scatter.add.f32 [tilespmem:s12], [sflag:$0x1], $0x10, s15, s13, $0xb8;
	[tilespmem:$0x5780] =	vst v63  }
0x1c: {  	_ =	swait.ge [sflag:s11], $0x800  }
0x1d: {  	s15 =	simm.s32 $0x200;
	[sflag:s11] =	ssyncset.done $0x0  }
.LBB2_2:
0x1e: {  	s16 =	sshra.s32 s15, $0x2;
	[sflag:s11] =	ssyncadd.s32 $0xFFFFF800;
	p0 =	sne.s32 s15, $0x9E00  }
0x1f: {  	[spmem:s3] =	stream.indirect.scatter.add.f32 [tilespmem:s12], [sflag:$0x1], $0x10, s16, s13, $0xb8;
	[tilespmem:$0x5780] =	vst v63  }
.Ltmp0:
0x20: {  	_ = 	snop;
	(pc) =	sbr.rel @p0 .LBB2_2-.Ltmp0, $4  }
0x21: {  	_ = 	snop  }
0x22: {  	s15 =	sadd.s32 $0x200, s15  }
0x23: {  	_ =	swait.ge [sflag:s11], $0x800  }
0x24: {  	[sflag:s11] =	ssyncset.done $0x0  }
0x25: {  	s14 =	sadd.s32 $0x1, s14  }
0x26: {  	[sflag:s11] =	ssyncadd.s32 $0xFFFFF800;
	p0 =	sne.s32 s14, s9  }
.Ltmp1:
0x27: {  	[bflag:$0x0] =	sbarrier.arrive $0xFFFF;
	(pc) =	sbr.rel @p0 .LBB2_1-.Ltmp1, $4  }
0x28: {  	[hbm:s8], [sflag:s6] =	dma.local [spmem:s10], $0x4F0  }
0x29: {  	_ =	swait.ge [sflag:s11], $0x4F0  }
0x2a: {  	[sflag:s11] =	ssyncset.done $0x0  }
0x2b: {  	[sflag:s11] =	ssyncadd.s32 $0xFFFFFB10  }
0x2c: {  	_ =	sfence.sel $0x180000  }
0x2d: {  	[bflag:$0x0] =	sbarrier.arrive $0xFFFF  }
0x2e: {  	p0 =	sne.s32 s0, $0x0;
	_ =	strace $0x9000004A  }
0x2f: {  	s0 =	sadd.s32 @!p0 $0x100000, s1;
	[bflag:$0x2] =	sbarrier.arrive $0xFFFF  }
0x30: {  	[sflag:s0] =	ssyncadd.tile.s32 @!p0 $0x1;
	_ =	shalt  }
.Lfunc_end2:
_tile_overlayer_lowered:
.L_overlay_start_2:
0x31: {  	(tag) =	ssettag $0x2  }
0x32: {  	s0 =	rddreg [dreg:$0x0];
	s2 =	stileid.u32  }
0x33: {  	s1 =	rddreg [dreg:$0x1];
	p0 =	sne.s32 s2, $0x0  }
0x34: {  	s3 =	rddreg [dreg:$0x2];
	[bflag:$0x3] =	sbarrier.arrive $0xFFFF;
	s2 =	simm.s32 @!p0 $0x1C01  }
0x35: {  	[timem:s3], [sflag:s2] =	dma.local @!p0 [hbm:s0], s1  }
0x36: {  	s0 =	simm.s32 @!p0 $0x1  }
0x37: {  	_ =	swait.ge @!p0 [sflag:s0], s1  }
0x38: {  	s1 =	ssub.s32 @!p0 $0x0, s1;
	[sflag:s0] =	ssyncset.done @!p0 $0x0  }
0x39: {  	[sflag:s0] =	ssyncadd.s32 @!p0 s1  }
0x3a: {  	[bflag:$0x3] =	sbarrier.arrive $0xFFFF  }
0x3b: {  	_ =	shalt  }

</sc_bundles>
